<compile_context>
chip_gen: v7x
topology: tpu7x:2x2x1
jax: 0.10.2.dev20260603
libtpu: 0.0.44.dev20260713+nightly
codegen_flags: <defaults>
</compile_context>

<pallas_src>
import functools

import jax
import jax.numpy as jnp
from jax import lax
from jax.experimental import pallas as pl
from jax.experimental.pallas import tpu as pltpu
from jax.experimental.pallas import tpu_sc as plsc

FEATURE_NUM = 26
VOCAB = 100000
EMBED_DIM = 32
BATCH = 16384

_L = 16
_NC = 2
_NS = 16
_NW = _NC * _NS

_ROWS = BATCH * FEATURE_NUM
_NTILE = FEATURE_NUM * VOCAB // 8
_NQ = FEATURE_NUM * VOCAB // 4

_QUADS = _NTILE // 4
_QPW = _QUADS // _NW
_TB = 48
_QPB = _TB // 4
_P1_BLOCKS = 212

_RPW = _ROWS // _NW
_CH = 128
_NCH = _RPW // _CH
_CPS = 4
_SUPER = _CPS * _CH
_NSUPER = _RPW // _SUPER


def _p1_body(table_hbm, stg_hbm, vb0, vb1, vp0, vp1, rsem0, rsem1, wsem0, wsem1):
    wid = lax.axis_index("s") * _NC + lax.axis_index("c")
    nq = _QPW + jnp.where(wid < 2, 1, 0)
    baseq = wid * _QPW + lax.min(wid, 2)

    def t0_of(k):
        return 4 * (baseq + lax.min(k * _QPB, nq - _QPB))

    def fire_read(k, vb, rsem):
        pltpu.make_async_copy(
            table_hbm.at[pl.ds(t0_of(k), _TB)], vb, rsem
        ).start()

    def repack(vb, vp):
        def one(q, _):
            for qq in range(4):
                for h in range(4):
                    for t in range(2):
                        vp[4 * q + qq, pl.ds(h * EMBED_DIM + t * _L, _L)] = (
                            vb[2 * q + (4 * qq + h) // 8, (4 * qq + h) % 8,
                               pl.ds(t * _L, _L)]
                        )
            return 0

        lax.fori_loop(0, _TB * 8 // 16, one, 0)

    vbs = (vb0, vb1)
    vps = (vp0, vp1)
    rsems = (rsem0, rsem1)
    wsems = (wsem0, wsem1)

    fire_read(0, vb0, rsem0)
    fire_read(1, vb1, rsem1)

    def step(kk, _):
        for par in range(2):
            k = 2 * kk + par
            pltpu.make_async_copy(
                table_hbm.at[pl.ds(t0_of(k), _TB)], vbs[par], rsems[par]
            ).wait()

            @pl.when(kk >= 1)
            def _wait_wb():
                pltpu.make_async_copy(
                    vps[par], stg_hbm.at[pl.ds(0, 2 * _TB)], wsems[par]
                ).wait()

            repack(vbs[par], vps[par])

            @pl.when(k + 2 < _P1_BLOCKS)
            def _next_read():
                fire_read(k + 2, vbs[par], rsems[par])

            pltpu.make_async_copy(
                vps[par], stg_hbm.at[pl.ds(2 * t0_of(k), 2 * _TB)], wsems[par]
            ).start()
        return 0

    lax.fori_loop(0, _P1_BLOCKS // 2, step, 0)

    for par in range(2):
        pltpu.make_async_copy(
            vps[par], stg_hbm.at[pl.ds(0, 2 * _TB)], wsems[par]
        ).wait()


def _p2_body(x_hbm, stg_hbm, out_hbm, idx_v, rows_v, gsem, wsem):
    wid = lax.axis_index("s") * _NC + lax.axis_index("c")
    base_chunk = wid * _NCH
    base_row = wid * _RPW

    pltpu.sync_copy(x_hbm.at[pl.ds(base_chunk, _NCH)], idx_v)

    lanes = lax.iota(jnp.int32, _L)

    def compute_chunk(j, _):
        for t in range(_CH // _L):
            r = j * _CH + t * _L + lanes
            f = lax.rem(r, FEATURE_NUM)
            idx_v[j, pl.ds(t * _L, _L)] = (
                idx_v[j, pl.ds(t * _L, _L)] + f * VOCAB
            )
        return 0

    lax.fori_loop(0, _NCH, compute_chunk, 0)

    def fire_super(ss, buf):
        for k in range(_CPS):
            pltpu.make_async_copy(
                stg_hbm.at[idx_v.at[ss * _CPS + k]],
                rows_v.at[buf, pl.ds(k * _CH, _CH)],
                gsem,
            ).start()

    fire_super(0, 0)

    def step(ss, _):
        s = lax.rem(ss, 2)
        s2 = lax.rem(ss + 1, 2)

        @pl.when(ss >= 1)
        def _wait_prev_writeback():
            pltpu.make_async_copy(
                rows_v.at[s2], out_hbm.at[pl.ds(base_row, _SUPER)], wsem
            ).wait()

        @pl.when(ss + 1 < _NSUPER)
        def _fire_next():
            fire_super(ss + 1, s2)

        for k in range(_CPS):
            pltpu.make_async_copy(
                stg_hbm.at[idx_v.at[ss * _CPS + k]],
                rows_v.at[s, pl.ds(k * _CH, _CH)],
                gsem,
            ).wait()

        pltpu.make_async_copy(
            rows_v.at[s], out_hbm.at[pl.ds(base_row + ss * _SUPER, _SUPER)], wsem
        ).start()
        return 0

    lax.fori_loop(0, _NSUPER, step, 0)

    pltpu.make_async_copy(
        rows_v.at[(_NSUPER - 1) % 2],
        out_hbm.at[pl.ds(base_row, _SUPER)],
        wsem,
    ).wait()


@jax.jit
def _run(x2d, table3):
    p1 = pl.kernel(
        _p1_body,
        mesh=plsc.VectorSubcoreMesh(core_axis_name="c", subcore_axis_name="s"),
        out_type=jax.ShapeDtypeStruct((_NQ, 128), jnp.float32),
        scratch_types=[
            pltpu.VMEM((_TB, 8, EMBED_DIM), jnp.float32),
            pltpu.VMEM((_TB, 8, EMBED_DIM), jnp.float32),
            pltpu.VMEM((2 * _TB, 128), jnp.float32),
            pltpu.VMEM((2 * _TB, 128), jnp.float32),
            pltpu.SemaphoreType.DMA,
            pltpu.SemaphoreType.DMA,
            pltpu.SemaphoreType.DMA,
            pltpu.SemaphoreType.DMA,
        ],
        compiler_params=pltpu.CompilerParams(
            use_tc_tiling_on_sc=True, needs_layout_passes=False
        ),
    )
    stg = p1(table3)
    stg2d = stg.reshape(FEATURE_NUM * VOCAB, EMBED_DIM)

    p2 = pl.kernel(
        _p2_body,
        mesh=plsc.VectorSubcoreMesh(core_axis_name="c", subcore_axis_name="s"),
        out_type=jax.ShapeDtypeStruct((_ROWS, EMBED_DIM), jnp.float32),
        scratch_types=[
            pltpu.VMEM((_NCH, _CH), jnp.int32),
            pltpu.VMEM((2, _SUPER, EMBED_DIM), jnp.float32),
            pltpu.SemaphoreType.DMA,
            pltpu.SemaphoreType.DMA,
        ],
        compiler_params=pltpu.CompilerParams(use_tc_tiling_on_sc=False),
    )
    return p2(x2d, stg2d)


def kernel(x, tables):
    x2d = x.astype(jnp.int32).reshape(_ROWS // _CH, _CH)
    table3 = tables.reshape(_NTILE, 8, EMBED_DIM)
    out = _run(x2d, table3)
    return out.reshape(BATCH, FEATURE_NUM, EMBED_DIM)

# --- scband reference (transcript-rebuilt; emitter-appended) ---
"""Pipeline reference for scband-embedding-with-field-layer-71425306132972 (READ-ONLY COPY).

The authoritative reference and input builder live on the scoring server;
editing this copy changes nothing except your own understanding.
"""

import jax, jax.numpy as jnp
import numpy as np

FEATURE_NUM = 26
VOCAB = 100000
EMBED_DIM = 32
BATCH = 16384

def setup_inputs(seed: int = 0) -> dict:
    key = jax.random.key(seed)
    k1, k2 = jax.random.split(key)
    x = jax.random.randint(k1, (BATCH, FEATURE_NUM), 0, VOCAB, dtype=jnp.int64 if jax.config.jax_enable_x64 else jnp.int32)
    # one embedding table per sparse field, stacked: [F, vocab, d]
    tables = jax.random.normal(k2, (FEATURE_NUM, VOCAB, EMBED_DIM), dtype=jnp.float32) * 0.01
    return {"x": x, "tables": tables}

def reference(x, tables):
    # Faithful translation: per-field embedding lookup on x[:, i].unsqueeze(1),
    # producing [B, 1, d] per field, then concat along dim=1 -> [B, F, d].
    embedded = []
    for i in range(FEATURE_NUM):
        idx = x[:, i][:, None]                      # [B, 1]
        emb = jnp.take(tables[i], idx, axis=0)      # [B, 1, d]
        embedded.append(emb)
    return jnp.concatenate(embedded, axis=1)        # [B, F, d]

if __name__ == "__main__":
    import jax
    _d = setup_inputs()
    print(jax.jit(kernel)(*tuple(_d.values())))

</pallas_src>

<mosaic_0001>
#map = affine_map<(d0, d1) -> (0, 0, 0)>
#map1 = affine_map<(d0, d1) -> (0, 0)>
module attributes {stable_mosaic.version = 14 : i64} {
  func.func @_p1_body(%arg0: i32, %arg1: i32, %arg2: memref<325000x8x32xf32, #tpu.memory_space<hbm>>, %arg3: memref<650000x128xf32, #tpu.memory_space<hbm>>, %arg4: memref<48x8x32xf32, #tpu.memory_space<vmem>>, %arg5: memref<48x8x32xf32, #tpu.memory_space<vmem>>, %arg6: memref<96x128xf32, #tpu.memory_space<vmem>>, %arg7: memref<96x128xf32, #tpu.memory_space<vmem>>, %arg8: memref<!tpu.dma_semaphore, #tpu.memory_space<semaphore_mem>>, %arg9: memref<!tpu.dma_semaphore, #tpu.memory_space<semaphore_mem>>, %arg10: memref<!tpu.dma_semaphore, #tpu.memory_space<semaphore_mem>>, %arg11: memref<!tpu.dma_semaphore, #tpu.memory_space<semaphore_mem>>) attributes {dimension_semantics = [#tpu.dimension_semantics<core_parallel>, #tpu.dimension_semantics<subcore_parallel>], iteration_bounds = array<i64: 2, 16>, scalar_prefetch = 0 : i64, scratch_operands = 8 : i64, tpu.core_type = #tpu.core_type<sc_vector_subcore>, window_params = [{transform_indices = #map}, {transform_indices = #map1}]} {
    %mul3A = arith.constant 2 : i32
    %mul3A_0 = arith.muli %arg1, %mul3A : i32
    %add3A = arith.addi %mul3A_0, %arg0 : i32
    %lt3A = arith.constant 2 : i32
    %lt3A_1 = arith.cmpi slt, %add3A, %lt3A : i32
    %jit3A = arith.constant 1 : i32
    %jit3A_2 = arith.constant 0 : i32
    %select_n3A = arith.select %lt3A_1, %jit3A, %jit3A_2 : i32
    %add3A_3 = arith.constant 2539 : i32
    %add3A_4 = arith.addi %add3A_3, %select_n3A : i32
    %mul3A_5 = arith.constant 2539 : i32
    %mul3A_6 = arith.muli %add3A, %mul3A_5 : i32
    %min3A = arith.constant 2 : i32
    %min3A_7 = arith.minsi %add3A, %min3A : i32
    %add3A_8 = arith.addi %mul3A_6, %min3A_7 : i32
    %sub3A = arith.constant 12 : i32
    %sub3A_9 = arith.subi %add3A_4, %sub3A : i32
    %min3A_10 = arith.constant 0 : i32
    %min3A_11 = arith.minsi %min3A_10, %sub3A_9 : i32
    %add3A_12 = arith.addi %add3A_8, %min3A_11 : i32
    %mul3A_13 = arith.constant 4 : i32
    %mul3A_14 = arith.muli %mul3A_13, %add3A_12 : i32
    %dma_start3A = arith.constant 0 : i32
    %dma_start3A_15 = arith.constant 0 : i32
    %dma_start3A_16 = tpu.memref_slice %arg2[%mul3A_14, %dma_start3A, %dma_start3A_15] : memref<325000x8x32xf32, #tpu.memory_space<hbm>> -> memref<48x8x32xf32, #tpu.memory_space<hbm>>
    %dma_start3A_17 = arith.constant 0 : i32
    %dma_start3A_18 = arith.constant 0 : i32
    %dma_start3A_19 = tpu.memref_slice %arg2[%mul3A_14, %dma_start3A_17, %dma_start3A_18] : memref<325000x8x32xf32, #tpu.memory_space<hbm>> -> memref<48x8x32xf32, #tpu.memory_space<hbm>>
    tpu.enqueue_dma source(%dma_start3A_19 : memref<48x8x32xf32, #tpu.memory_space<hbm>>) target(%arg4 : memref<48x8x32xf32, #tpu.memory_space<vmem>>) target_semaphore(%arg8 : memref<!tpu.dma_semaphore, #tpu.memory_space<semaphore_mem>>)
    %sub3A_20 = arith.constant 12 : i32
    %sub3A_21 = arith.subi %add3A_4, %sub3A_20 : i32
    %min3A_22 = arith.constant 12 : i32
    %min3A_23 = arith.minsi %min3A_22, %sub3A_21 : i32
    %add3A_24 = arith.addi %add3A_8, %min3A_23 : i32
    %mul3A_25 = arith.constant 4 : i32
    %mul3A_26 = arith.muli %mul3A_25, %add3A_24 : i32
    %dma_start3A_27 = arith.constant 0 : i32
    %dma_start3A_28 = arith.constant 0 : i32
    %dma_start3A_29 = tpu.memref_slice %arg2[%mul3A_26, %dma_start3A_27, %dma_start3A_28] : memref<325000x8x32xf32, #tpu.memory_space<hbm>> -> memref<48x8x32xf32, #tpu.memory_space<hbm>>
    %dma_start3A_30 = arith.constant 0 : i32
    %dma_start3A_31 = arith.constant 0 : i32
    %dma_start3A_32 = tpu.memref_slice %arg2[%mul3A_26, %dma_start3A_30, %dma_start3A_31] : memref<325000x8x32xf32, #tpu.memory_space<hbm>> -> memref<48x8x32xf32, #tpu.memory_space<hbm>>
    tpu.enqueue_dma source(%dma_start3A_32 : memref<48x8x32xf32, #tpu.memory_space<hbm>>) target(%arg5 : memref<48x8x32xf32, #tpu.memory_space<vmem>>) target_semaphore(%arg9 : memref<!tpu.dma_semaphore, #tpu.memory_space<semaphore_mem>>)
    %scan3A = arith.constant 0 : i32
    %scan3A_33 = arith.constant 0 : i32
    %scan3A_34 = arith.constant 106 : i32
    %scan3A_35 = arith.addi %scan3A_33, %scan3A_34 : i32
    %scan3A_36 = arith.constant 1 : i32
    %scan3A_37 = scf.for %scan3A_50 = %scan3A_33 to %scan3A_35 step %scan3A_36 iter_args(%scan3A_51 = %scan3A) -> (i32)  : i32 {
      %mul3A_52 = arith.constant 2 : i32
      %mul3A_53 = arith.muli %mul3A_52, %scan3A_50 : i32
      %add3A_54 = arith.constant 0 : i32
      %add3A_55 = arith.addi %mul3A_53, %add3A_54 : i32
      %mul3A_56 = arith.constant 12 : i32
      %mul3A_57 = arith.muli %add3A_55, %mul3A_56 : i32
      %sub3A_58 = arith.constant 12 : i32
      %sub3A_59 = arith.subi %add3A_4, %sub3A_58 : i32
      %min3A_60 = arith.minsi %mul3A_57, %sub3A_59 : i32
      %add3A_61 = arith.addi %add3A_8, %min3A_60 : i32
      %mul3A_62 = arith.constant 4 : i32
      %mul3A_63 = arith.muli %mul3A_62, %add3A_61 : i32
      %dma_wait3A_64 = arith.constant 0 : i32
      %dma_wait3A_65 = arith.constant 0 : i32
      %dma_wait3A_66 = tpu.memref_slice %arg2[%mul3A_63, %dma_wait3A_64, %dma_wait3A_65] : memref<325000x8x32xf32, #tpu.memory_space<hbm>> -> memref<48x8x32xf32, #tpu.memory_space<hbm>>
      %dma_wait3A_67 = arith.constant 0 : i32
      %dma_wait3A_68 = arith.constant 0 : i32
      %dma_wait3A_69 = tpu.memref_slice %arg2[%mul3A_63, %dma_wait3A_67, %dma_wait3A_68] : memref<325000x8x32xf32, #tpu.memory_space<hbm>> -> memref<48x8x32xf32, #tpu.memory_space<hbm>>
      tpu.wait_dma2 semaphore(%arg8 : memref<!tpu.dma_semaphore, #tpu.memory_space<semaphore_mem>>) src(%dma_wait3A_69 : memref<48x8x32xf32, #tpu.memory_space<hbm>>) dst(%arg4 : memref<48x8x32xf32, #tpu.memory_space<vmem>>)
      %ge3A = arith.constant 1 : i32
      %ge3A_70 = arith.cmpi sge, %scan3A_50, %ge3A : i32
      %convert_element_type3A = arith.extui %ge3A_70 : i1 to i32
      %cond3A = arith.constant 0 : i32
      %cond3A_71 = arith.cmpi ne, %convert_element_type3A, %cond3A : i32
      scf.if %cond3A_71 {
        %dma_wait3A_152 = arith.constant 0 : i32
        %dma_wait3A_153 = arith.constant 0 : i32
        %dma_wait3A_154 = tpu.memref_slice %arg3[%dma_wait3A_152, %dma_wait3A_153] : memref<650000x128xf32, #tpu.memory_space<hbm>> -> memref<96x128xf32, #tpu.memory_space<hbm>>
        %dma_wait3A_155 = arith.constant 0 : i32
        %dma_wait3A_156 = arith.constant 0 : i32
        %dma_wait3A_157 = tpu.memref_slice %arg3[%dma_wait3A_155, %dma_wait3A_156] : memref<650000x128xf32, #tpu.memory_space<hbm>> -> memref<96x128xf32, #tpu.memory_space<hbm>>
        tpu.wait_dma2 semaphore(%arg10 : memref<!tpu.dma_semaphore, #tpu.memory_space<semaphore_mem>>) src(%arg6 : memref<96x128xf32, #tpu.memory_space<vmem>>) dst(%dma_wait3A_157 : memref<96x128xf32, #tpu.memory_space<hbm>>)
      } else {
      }
      %scan3A_72 = arith.constant 0 : i32
      %scan3A_73 = arith.constant 0 : i32
      %scan3A_74 = arith.constant 24 : i32
      %scan3A_75 = arith.addi %scan3A_73, %scan3A_74 : i32
      %scan3A_76 = arith.constant 1 : i32
      %scan3A_77 = scf.for %scan3A_152 = %scan3A_73 to %scan3A_75 step %scan3A_76 iter_args(%scan3A_153 = %scan3A_72) -> (i32)  : i32 {
        %mul3A_154 = arith.constant 2 : i32
        %mul3A_155 = arith.muli %mul3A_154, %scan3A_152 : i32
        %add3A_156 = arith.constant 0 : i32
        %add3A_157 = arith.addi %mul3A_155, %add3A_156 : i32
        %get3A = arith.constant 0 : i32
        %get3A_158 = arith.index_cast %add3A_157 : i32 to index
        %get3A_159 = arith.index_cast %get3A : i32 to index
        %get3A_160 = arith.constant 0 : index
        %get3A_161 = tpu.vector_load %arg4[%get3A_158, %get3A_159, %get3A_160] {strides = array<i32>} : memref<48x8x32xf32, #tpu.memory_space<vmem>>, vector<16xf32>,
        %mul3A_162 = arith.constant 4 : i32
        %mul3A_163 = arith.muli %mul3A_162, %scan3A_152 : i32
        %add3A_164 = arith.constant 0 : i32
        %add3A_165 = arith.addi %mul3A_163, %add3A_164 : i32
        %swap3A = arith.index_cast %add3A_165 : i32 to index
        %swap3A_166 = arith.constant 0 : index
        %swap3A_167 = tpu.vector_load %arg6[%swap3A, %swap3A_166] {strides = array<i32>} : memref<96x128xf32, #tpu.memory_space<vmem>>, vector<16xf32>,
        tpu.vector_store %arg6[%swap3A, %swap3A_166], %get3A_161 {strides = array<i32>} : memref<96x128xf32, #tpu.memory_space<vmem>>, vector<16xf32>,
        %mul3A_168 = arith.constant 2 : i32
        %mul3A_169 = arith.muli %mul3A_168, %scan3A_152 : i32
        %add3A_170 = arith.constant 0 : i32
        %add3A_171 = arith.addi %mul3A_169, %add3A_170 : i32
        %get3A_172 = arith.constant 0 : i32
        %get3A_173 = arith.index_cast %add3A_171 : i32 to index
        %get3A_174 = arith.index_cast %get3A_172 : i32 to index
        %get3A_175 = arith.constant 16 : index
        %get3A_176 = tpu.vector_load %arg4[%get3A_173, %get3A_174, %get3A_175] {strides = array<i32>} : memref<48x8x32xf32, #tpu.memory_space<vmem>>, vector<16xf32>,
        %mul3A_177 = arith.constant 4 : i32
        %mul3A_178 = arith.muli %mul3A_177, %scan3A_152 : i32
        %add3A_179 = arith.constant 0 : i32
        %add3A_180 = arith.addi %mul3A_178, %add3A_179 : i32
        %swap3A_181 = arith.index_cast %add3A_180 : i32 to index
        %swap3A_182 = arith.constant 16 : index
        %swap3A_183 = tpu.vector_load %arg6[%swap3A_181, %swap3A_182] {strides = array<i32>} : memref<96x128xf32, #tpu.memory_space<vmem>>, vector<16xf32>,
        tpu.vector_store %arg6[%swap3A_181, %swap3A_182], %get3A_176 {strides = array<i32>} : memref<96x128xf32, #tpu.memory_space<vmem>>, vector<16xf32>,
        %mul3A_184 = arith.constant 2 : i32
        %mul3A_185 = arith.muli %mul3A_184, %scan3A_152 : i32
        %add3A_186 = arith.constant 0 : i32
        %add3A_187 = arith.addi %mul3A_185, %add3A_186 : i32
        %get3A_188 = arith.constant 1 : i32
        %get3A_189 = arith.index_cast %add3A_187 : i32 to index
        %get3A_190 = arith.index_cast %get3A_188 : i32 to index
        %get3A_191 = arith.constant 0 : index
        %get3A_192 = tpu.vector_load %arg4[%get3A_189, %get3A_190, %get3A_191] {strides = array<i32>} : memref<48x8x32xf32, #tpu.memory_space<vmem>>, vector<16xf32>,
        %mul3A_193 = arith.constant 4 : i32
        %mul3A_194 = arith.muli %mul3A_193, %scan3A_152 : i32
        %add3A_195 = arith.constant 0 : i32
        %add3A_196 = arith.addi %mul3A_194, %add3A_195 : i32
        %swap3A_197 = arith.index_cast %add3A_196 : i32 to index
        %swap3A_198 = arith.constant 32 : index
        %swap3A_199 = tpu.vector_load %arg6[%swap3A_197, %swap3A_198] {strides = array<i32>} : memref<96x128xf32, #tpu.memory_space<vmem>>, vector<16xf32>,
        tpu.vector_store %arg6[%swap3A_197, %swap3A_198], %get3A_192 {strides = array<i32>} : memref<96x128xf32, #tpu.memory_space<vmem>>, vector<16xf32>,
        %mul3A_200 = arith.constant 2 : i32
        %mul3A_201 = arith.muli %mul3A_200, %scan3A_152 : i32
        %add3A_202 = arith.constant 0 : i32
        %add3A_203 = arith.addi %mul3A_201, %add3A_202 : i32
        %get3A_204 = arith.constant 1 : i32
        %get3A_205 = arith.index_cast %add3A_203 : i32 to index
        %get3A_206 = arith.index_cast %get3A_204 : i32 to index
        %get3A_207 = arith.constant 16 : index
        %get3A_208 = tpu.vector_load %arg4[%get3A_205, %get3A_206, %get3A_207] {strides = array<i32>} : memref<48x8x32xf32, #tpu.memory_space<vmem>>, vector<16xf32>,
        %mul3A_209 = arith.constant 4 : i32
        %mul3A_210 = arith.muli %mul3A_209, %scan3A_152 : i32
        %add3A_211 = arith.constant 0 : i32
        %add3A_212 = arith.addi %mul3A_210, %add3A_211 : i32
        %swap3A_213 = arith.index_cast %add3A_212 : i32 to index
        %swap3A_214 = arith.constant 48 : index
        %swap3A_215 = tpu.vector_load %arg6[%swap3A_213, %swap3A_214] {strides = array<i32>} : memref<96x128xf32, #tpu.memory_space<vmem>>, vector<16xf32>,
        tpu.vector_store %arg6[%swap3A_213, %swap3A_214], %get3A_208 {strides = array<i32>} : memref<96x128xf32, #tpu.memory_space<vmem>>, vector<16xf32>,
        %mul3A_216 = arith.constant 2 : i32
        %mul3A_217 = arith.muli %mul3A_216, %scan3A_152 : i32
        %add3A_218 = arith.constant 0 : i32
        %add3A_219 = arith.addi %mul3A_217, %add3A_218 : i32
        %get3A_220 = arith.constant 2 : i32
        %get3A_221 = arith.index_cast %add3A_219 : i32 to index
        %get3A_222 = arith.index_cast %get3A_220 : i32 to index
        %get3A_223 = arith.constant 0 : index
        %get3A_224 = tpu.vector_load %arg4[%get3A_221, %get3A_222, %get3A_223] {strides = array<i32>} : memref<48x8x32xf32, #tpu.memory_space<vmem>>, vector<16xf32>,
        %mul3A_225 = arith.constant 4 : i32
        %mul3A_226 = arith.muli %mul3A_225, %scan3A_152 : i32
        %add3A_227 = arith.constant 0 : i32
        %add3A_228 = arith.addi %mul3A_226, %add3A_227 : i32
        %swap3A_229 = arith.index_cast %add3A_228 : i32 to index
        %swap3A_230 = arith.constant 64 : index
        %swap3A_231 = tpu.vector_load %arg6[%swap3A_229, %swap3A_230] {strides = array<i32>} : memref<96x128xf32, #tpu.memory_space<vmem>>, vector<16xf32>,
        tpu.vector_store %arg6[%swap3A_229, %swap3A_230], %get3A_224 {strides = array<i32>} : memref<96x128xf32, #tpu.memory_space<vmem>>, vector<16xf32>,
        %mul3A_232 = arith.constant 2 : i32
        %mul3A_233 = arith.muli %mul3A_232, %scan3A_152 : i32
        %add3A_234 = arith.constant 0 : i32
        %add3A_235 = arith.addi %mul3A_233, %add3A_234 : i32
        %get3A_236 = arith.constant 2 : i32
        %get3A_237 = arith.index_cast %add3A_235 : i32 to index
        %get3A_238 = arith.index_cast %get3A_236 : i32 to index
        %get3A_239 = arith.constant 16 : index
        %get3A_240 = tpu.vector_load %arg4[%get3A_237, %get3A_238, %get3A_239] {strides = array<i32>} : memref<48x8x32xf32, #tpu.memory_space<vmem>>, vector<16xf32>,
        %mul3A_241 = arith.constant 4 : i32
        %mul3A_242 = arith.muli %mul3A_241, %scan3A_152 : i32
        %add3A_243 = arith.constant 0 : i32
        %add3A_244 = arith.addi %mul3A_242, %add3A_243 : i32
        %swap3A_245 = arith.index_cast %add3A_244 : i32 to index
        %swap3A_246 = arith.constant 80 : index
        %swap3A_247 = tpu.vector_load %arg6[%swap3A_245, %swap3A_246] {strides = array<i32>} : memref<96x128xf32, #tpu.memory_space<vmem>>, vector<16xf32>,
        tpu.vector_store %arg6[%swap3A_245, %swap3A_246], %get3A_240 {strides = array<i32>} : memref<96x128xf32, #tpu.memory_space<vmem>>, vector<16xf32>,
        %mul3A_248 = arith.constant 2 : i32
        %mul3A_249 = arith.muli %mul3A_248, %scan3A_152 : i32
        %add3A_250 = arith.constant 0 : i32
        %add3A_251 = arith.addi %mul3A_249, %add3A_250 : i32
        %get3A_252 = arith.constant 3 : i32
        %get3A_253 = arith.index_cast %add3A_251 : i32 to index
        %get3A_254 = arith.index_cast %get3A_252 : i32 to index
        %get3A_255 = arith.constant 0 : index
        %get3A_256 = tpu.vector_load %arg4[%get3A_253, %get3A_254, %get3A_255] {strides = array<i32>} : memref<48x8x32xf32, #tpu.memory_space<vmem>>, vector<16xf32>,
        %mul3A_257 = arith.constant 4 : i32
        %mul3A_258 = arith.muli %mul3A_257, %scan3A_152 : i32
        %add3A_259 = arith.constant 0 : i32
        %add3A_260 = arith.addi %mul3A_258, %add3A_259 : i32
        %swap3A_261 = arith.index_cast %add3A_260 : i32 to index
        %swap3A_262 = arith.constant 96 : index
        %swap3A_263 = tpu.vector_load %arg6[%swap3A_261, %swap3A_262] {strides = array<i32>} : memref<96x128xf32, #tpu.memory_space<vmem>>, vector<16xf32>,
        tpu.vector_store %arg6[%swap3A_261, %swap3A_262], %get3A_256 {strides = array<i32>} : memref<96x128xf32, #tpu.memory_space<vmem>>, vector<16xf32>,
        %mul3A_264 = arith.constant 2 : i32
        %mul3A_265 = arith.muli %mul3A_264, %scan3A_152 : i32
        %add3A_266 = arith.constant 0 : i32
        %add3A_267 = arith.addi %mul3A_265, %add3A_266 : i32
        %get3A_268 = arith.constant 3 : i32
        %get3A_269 = arith.index_cast %add3A_267 : i32 to index
        %get3A_270 = arith.index_cast %get3A_268 : i32 to index
        %get3A_271 = arith.constant 16 : index
        %get3A_272 = tpu.vector_load %arg4[%get3A_269, %get3A_270, %get3A_271] {strides = array<i32>} : memref<48x8x32xf32, #tpu.memory_space<vmem>>, vector<16xf32>,
        %mul3A_273 = arith.constant 4 : i32
        %mul3A_274 = arith.muli %mul3A_273, %scan3A_152 : i32
        %add3A_275 = arith.constant 0 : i32
        %add3A_276 = arith.addi %mul3A_274, %add3A_275 : i32
        %swap3A_277 = arith.index_cast %add3A_276 : i32 to index
        %swap3A_278 = arith.constant 112 : index
        %swap3A_279 = tpu.vector_load %arg6[%swap3A_277, %swap3A_278] {strides = array<i32>} : memref<96x128xf32, #tpu.memory_space<vmem>>, vector<16xf32>,
        tpu.vector_store %arg6[%swap3A_277, %swap3A_278], %get3A_272 {strides = array<i32>} : memref<96x128xf32, #tpu.memory_space<vmem>>, vector<16xf32>,
        %mul3A_280 = arith.constant 2 : i32
        %mul3A_281 = arith.muli %mul3A_280, %scan3A_152 : i32
        %add3A_282 = arith.constant 0 : i32
        %add3A_283 = arith.addi %mul3A_281, %add3A_282 : i32
        %get3A_284 = arith.constant 4 : i32
        %get3A_285 = arith.index_cast %add3A_283 : i32 to index
        %get3A_286 = arith.index_cast %get3A_284 : i32 to index
        %get3A_287 = arith.constant 0 : index
        %get3A_288 = tpu.vector_load %arg4[%get3A_285, %get3A_286, %get3A_287] {strides = array<i32>} : memref<48x8x32xf32, #tpu.memory_space<vmem>>, vector<16xf32>,
        %mul3A_289 = arith.constant 4 : i32
        %mul3A_290 = arith.muli %mul3A_289, %scan3A_152 : i32
        %add3A_291 = arith.constant 1 : i32
        %add3A_292 = arith.addi %mul3A_290, %add3A_291 : i32
        %swap3A_293 = arith.index_cast %add3A_292 : i32 to index
        %swap3A_294 = arith.constant 0 : index
        %swap3A_295 = tpu.vector_load %arg6[%swap3A_293, %swap3A_294] {strides = array<i32>} : memref<96x128xf32, #tpu.memory_space<vmem>>, vector<16xf32>,
        tpu.vector_store %arg6[%swap3A_293, %swap3A_294], %get3A_288 {strides = array<i32>} : memref<96x128xf32, #tpu.memory_space<vmem>>, vector<16xf32>,
        %mul3A_296 = arith.constant 2 : i32
        %mul3A_297 = arith.muli %mul3A_296, %scan3A_152 : i32
        %add3A_298 = arith.constant 0 : i32
        %add3A_299 = arith.addi %mul3A_297, %add3A_298 : i32
        %get3A_300 = arith.constant 4 : i32
        %get3A_301 = arith.index_cast %add3A_299 : i32 to index
        %get3A_302 = arith.index_cast %get3A_300 : i32 to index
        %get3A_303 = arith.constant 16 : index
        %get3A_304 = tpu.vector_load %arg4[%get3A_301, %get3A_302, %get3A_303] {strides = array<i32>} : memref<48x8x32xf32, #tpu.memory_space<vmem>>, vector<16xf32>,
        %mul3A_305 = arith.constant 4 : i32
        %mul3A_306 = arith.muli %mul3A_305, %scan3A_152 : i32
        %add3A_307 = arith.constant 1 : i32
        %add3A_308 = arith.addi %mul3A_306, %add3A_307 : i32
        %swap3A_309 = arith.index_cast %add3A_308 : i32 to index
        %swap3A_310 = arith.constant 16 : index
        %swap3A_311 = tpu.vector_load %arg6[%swap3A_309, %swap3A_310] {strides = array<i32>} : memref<96x128xf32, #tpu.memory_space<vmem>>, vector<16xf32>,
        tpu.vector_store %arg6[%swap3A_309, %swap3A_310], %get3A_304 {strides = array<i32>} : memref<96x128xf32, #tpu.memory_space<vmem>>, vector<16xf32>,
        %mul3A_312 = arith.constant 2 : i32
        %mul3A_313 = arith.muli %mul3A_312, %scan3A_152 : i32
        %add3A_314 = arith.constant 0 : i32
        %add3A_315 = arith.addi %mul3A_313, %add3A_314 : i32
        %get3A_316 = arith.constant 5 : i32
        %get3A_317 = arith.index_cast %add3A_315 : i32 to index
        %get3A_318 = arith.index_cast %get3A_316 : i32 to index
        %get3A_319 = arith.constant 0 : index
        %get3A_320 = tpu.vector_load %arg4[%get3A_317, %get3A_318, %get3A_319] {strides = array<i32>} : memref<48x8x32xf32, #tpu.memory_space<vmem>>, vector<16xf32>,
        %mul3A_321 = arith.constant 4 : i32
        %mul3A_322 = arith.muli %mul3A_321, %scan3A_152 : i32
        %add3A_323 = arith.constant 1 : i32
        %add3A_324 = arith.addi %mul3A_322, %add3A_323 : i32
        %swap3A_325 = arith.index_cast %add3A_324 : i32 to index
        %swap3A_326 = arith.constant 32 : index
        %swap3A_327 = tpu.vector_load %arg6[%swap3A_325, %swap3A_326] {strides = array<i32>} : memref<96x128xf32, #tpu.memory_space<vmem>>, vector<16xf32>,
        tpu.vector_store %arg6[%swap3A_325, %swap3A_326], %get3A_320 {strides = array<i32>} : memref<96x128xf32, #tpu.memory_space<vmem>>, vector<16xf32>,
        %mul3A_328 = arith.constant 2 : i32
        %mul3A_329 = arith.muli %mul3A_328, %scan3A_152 : i32
        %add3A_330 = arith.constant 0 : i32
        %add3A_331 = arith.addi %mul3A_329, %add3A_330 : i32
        %get3A_332 = arith.constant 5 : i32
        %get3A_333 = arith.index_cast %add3A_331 : i32 to index
        %get3A_334 = arith.index_cast %get3A_332 : i32 to index
        %get3A_335 = arith.constant 16 : index
        %get3A_336 = tpu.vector_load %arg4[%get3A_333, %get3A_334, %get3A_335] {strides = array<i32>} : memref<48x8x32xf32, #tpu.memory_space<vmem>>, vector<16xf32>,
        %mul3A_337 = arith.constant 4 : i32
        %mul3A_338 = arith.muli %mul3A_337, %scan3A_152 : i32
        %add3A_339 = arith.constant 1 : i32
        %add3A_340 = arith.addi %mul3A_338, %add3A_339 : i32
        %swap3A_341 = arith.index_cast %add3A_340 : i32 to index
        %swap3A_342 = arith.constant 48 : index
        %swap3A_343 = tpu.vector_load %arg6[%swap3A_341, %swap3A_342] {strides = array<i32>} : memref<96x128xf32, #tpu.memory_space<vmem>>, vector<16xf32>,
        tpu.vector_store %arg6[%swap3A_341, %swap3A_342], %get3A_336 {strides = array<i32>} : memref<96x128xf32, #tpu.memory_space<vmem>>, vector<16xf32>,
        %mul3A_344 = arith.constant 2 : i32
        %mul3A_345 = arith.muli %mul3A_344, %scan3A_152 : i32
        %add3A_346 = arith.constant 0 : i32
        %add3A_347 = arith.addi %mul3A_345, %add3A_346 : i32
        %get3A_348 = arith.constant 6 : i32
        %get3A_349 = arith.index_cast %add3A_347 : i32 to index
        %get3A_350 = arith.index_cast %get3A_348 : i32 to index
        %get3A_351 = arith.constant 0 : index
        %get3A_352 = tpu.vector_load %arg4[%get3A_349, %get3A_350, %get3A_351] {strides = array<i32>} : memref<48x8x32xf32, #tpu.memory_space<vmem>>, vector<16xf32>,
        %mul3A_353 = arith.constant 4 : i32
        %mul3A_354 = arith.muli %mul3A_353, %scan3A_152 : i32
        %add3A_355 = arith.constant 1 : i32
        %add3A_356 = arith.addi %mul3A_354, %add3A_355 : i32
        %swap3A_357 = arith.index_cast %add3A_356 : i32 to index
        %swap3A_358 = arith.constant 64 : index
        %swap3A_359 = tpu.vector_load %arg6[%swap3A_357, %swap3A_358] {strides = array<i32>} : memref<96x128xf32, #tpu.memory_space<vmem>>, vector<16xf32>,
        tpu.vector_store %arg6[%swap3A_357, %swap3A_358], %get3A_352 {strides = array<i32>} : memref<96x128xf32, #tpu.memory_space<vmem>>, vector<16xf32>,
        %mul3A_360 = arith.constant 2 : i32
        %mul3A_361 = arith.muli %mul3A_360, %scan3A_152 : i32
        %add3A_362 = arith.constant 0 : i32
        %add3A_363 = arith.addi %mul3A_361, %add3A_362 : i32
        %get3A_364 = arith.constant 6 : i32
        %get3A_365 = arith.index_cast %add3A_363 : i32 to index
        %get3A_366 = arith.index_cast %get3A_364 : i32 to index
        %get3A_367 = arith.constant 16 : index
        %get3A_368 = tpu.vector_load %arg4[%get3A_365, %get3A_366, %get3A_367] {strides = array<i32>} : memref<48x8x32xf32, #tpu.memory_space<vmem>>, vector<16xf32>,
        %mul3A_369 = arith.constant 4 : i32
        %mul3A_370 = arith.muli %mul3A_369, %scan3A_152 : i32
        %add3A_371 = arith.constant 1 : i32
        %add3A_372 = arith.addi %mul3A_370, %add3A_371 : i32
        %swap3A_373 = arith.index_cast %add3A_372 : i32 to index
        %swap3A_374 = arith.constant 80 : index
        %swap3A_375 = tpu.vector_load %arg6[%swap3A_373, %swap3A_374] {strides = array<i32>} : memref<96x128xf32, #tpu.memory_space<vmem>>, vector<16xf32>,
        tpu.vector_store %arg6[%swap3A_373, %swap3A_374], %get3A_368 {strides = array<i32>} : memref<96x128xf32, #tpu.memory_space<vmem>>, vector<16xf32>,
        %mul3A_376 = arith.constant 2 : i32
        %mul3A_377 = arith.muli %mul3A_376, %scan3A_152 : i32
        %add3A_378 = arith.constant 0 : i32
        %add3A_379 = arith.addi %mul3A_377, %add3A_378 : i32
        %get3A_380 = arith.constant 7 : i32
        %get3A_381 = arith.index_cast %add3A_379 : i32 to index
        %get3A_382 = arith.index_cast %get3A_380 : i32 to index
        %get3A_383 = arith.constant 0 : index
        %get3A_384 = tpu.vector_load %arg4[%get3A_381, %get3A_382, %get3A_383] {strides = array<i32>} : memref<48x8x32xf32, #tpu.memory_space<vmem>>, vector<16xf32>,
        %mul3A_385 = arith.constant 4 : i32
        %mul3A_386 = arith.muli %mul3A_385, %scan3A_152 : i32
        %add3A_387 = arith.constant 1 : i32
        %add3A_388 = arith.addi %mul3A_386, %add3A_387 : i32
        %swap3A_389 = arith.index_cast %add3A_388 : i32 to index
        %swap3A_390 = arith.constant 96 : index
        %swap3A_391 = tpu.vector_load %arg6[%swap3A_389, %swap3A_390] {strides = array<i32>} : memref<96x128xf32, #tpu.memory_space<vmem>>, vector<16xf32>,
        tpu.vector_store %arg6[%swap3A_389, %swap3A_390], %get3A_384 {strides = array<i32>} : memref<96x128xf32, #tpu.memory_space<vmem>>, vector<16xf32>,
        %mul3A_392 = arith.constant 2 : i32
        %mul3A_393 = arith.muli %mul3A_392, %scan3A_152 : i32
        %add3A_394 = arith.constant 0 : i32
        %add3A_395 = arith.addi %mul3A_393, %add3A_394 : i32
        %get3A_396 = arith.constant 7 : i32
        %get3A_397 = arith.index_cast %add3A_395 : i32 to index
        %get3A_398 = arith.index_cast %get3A_396 : i32 to index
        %get3A_399 = arith.constant 16 : index
        %get3A_400 = tpu.vector_load %arg4[%get3A_397, %get3A_398, %get3A_399] {strides = array<i32>} : memref<48x8x32xf32, #tpu.memory_space<vmem>>, vector<16xf32>,
        %mul3A_401 = arith.constant 4 : i32
        %mul3A_402 = arith.muli %mul3A_401, %scan3A_152 : i32
        %add3A_403 = arith.constant 1 : i32
        %add3A_404 = arith.addi %mul3A_402, %add3A_403 : i32
        %swap3A_405 = arith.index_cast %add3A_404 : i32 to index
        %swap3A_406 = arith.constant 112 : index
        %swap3A_407 = tpu.vector_load %arg6[%swap3A_405, %swap3A_406] {strides = array<i32>} : memref<96x128xf32, #tpu.memory_space<vmem>>, vector<16xf32>,
        tpu.vector_store %arg6[%swap3A_405, %swap3A_406], %get3A_400 {strides = array<i32>} : memref<96x128xf32, #tpu.memory_space<vmem>>, vector<16xf32>,
        %mul3A_408 = arith.constant 2 : i32
        %mul3A_409 = arith.muli %mul3A_408, %scan3A_152 : i32
        %add3A_410 = arith.constant 1 : i32
        %add3A_411 = arith.addi %mul3A_409, %add3A_410 : i32
        %get3A_412 = arith.constant 0 : i32
        %get3A_413 = arith.index_cast %add3A_411 : i32 to index
        %get3A_414 = arith.index_cast %get3A_412 : i32 to index
        %get3A_415 = arith.constant 0 : index
        %get3A_416 = tpu.vector_load %arg4[%get3A_413, %get3A_414, %get3A_415] {strides = array<i32>} : memref<48x8x32xf32, #tpu.memory_space<vmem>>, vector<16xf32>,
        %mul3A_417 = arith.constant 4 : i32
        %mul3A_418 = arith.muli %mul3A_417, %scan3A_152 : i32
        %add3A_419 = arith.constant 2 : i32
        %add3A_420 = arith.addi %mul3A_418, %add3A_419 : i32
        %swap3A_421 = arith.index_cast %add3A_420 : i32 to index
        %swap3A_422 = arith.constant 0 : index
        %swap3A_423 = tpu.vector_load %arg6[%swap3A_421, %swap3A_422] {strides = array<i32>} : memref<96x128xf32, #tpu.memory_space<vmem>>, vector<16xf32>,
        tpu.vector_store %arg6[%swap3A_421, %swap3A_422], %get3A_416 {strides = array<i32>} : memref<96x128xf32, #tpu.memory_space<vmem>>, vector<16xf32>,
        %mul3A_424 = arith.constant 2 : i32
        %mul3A_425 = arith.muli %mul3A_424, %scan3A_152 : i32
        %add3A_426 = arith.constant 1 : i32
        %add3A_427 = arith.addi %mul3A_425, %add3A_426 : i32
        %get3A_428 = arith.constant 0 : i32
        %get3A_429 = arith.index_cast %add3A_427 : i32 to index
        %get3A_430 = arith.index_cast %get3A_428 : i32 to index
        %get3A_431 = arith.constant 16 : index
        %get3A_432 = tpu.vector_load %arg4[%get3A_429, %get3A_430, %get3A_431] {strides = array<i32>} : memref<48x8x32xf32, #tpu.memory_space<vmem>>, vector<16xf32>,
        %mul3A_433 = arith.constant 4 : i32
        %mul3A_434 = arith.muli %mul3A_433, %scan3A_152 : i32
        %add3A_435 = arith.constant 2 : i32
        %add3A_436 = arith.addi %mul3A_434, %add3A_435 : i32
        %swap3A_437 = arith.index_cast %add3A_436 : i32 to index
        %swap3A_438 = arith.constant 16 : index
        %swap3A_439 = tpu.vector_load %arg6[%swap3A_437, %swap3A_438] {strides = array<i32>} : memref<96x128xf32, #tpu.memory_space<vmem>>, vector<16xf32>,
        tpu.vector_store %arg6[%swap3A_437, %swap3A_438], %get3A_432 {strides = array<i32>} : memref<96x128xf32, #tpu.memory_space<vmem>>, vector<16xf32>,
        %mul3A_440 = arith.constant 2 : i32
        %mul3A_441 = arith.muli %mul3A_440, %scan3A_152 : i32
        %add3A_442 = arith.constant 1 : i32
        %add3A_443 = arith.addi %mul3A_441, %add3A_442 : i32
        %get3A_444 = arith.constant 1 : i32
        %get3A_445 = arith.index_cast %add3A_443 : i32 to index
        %get3A_446 = arith.index_cast %get3A_444 : i32 to index
        %get3A_447 = arith.constant 0 : index
        %get3A_448 = tpu.vector_load %arg4[%get3A_445, %get3A_446, %get3A_447] {strides = array<i32>} : memref<48x8x32xf32, #tpu.memory_space<vmem>>, vector<16xf32>,
        %mul3A_449 = arith.constant 4 : i32
        %mul3A_450 = arith.muli %mul3A_449, %scan3A_152 : i32
        %add3A_451 = arith.constant 2 : i32
        %add3A_452 = arith.addi %mul3A_450, %add3A_451 : i32
        %swap3A_453 = arith.index_cast %add3A_452 : i32 to index
        %swap3A_454 = arith.constant 32 : index
        %swap3A_455 = tpu.vector_load %arg6[%swap3A_453, %swap3A_454] {strides = array<i32>} : memref<96x128xf32, #tpu.memory_space<vmem>>, vector<16xf32>,
        tpu.vector_store %arg6[%swap3A_453, %swap3A_454], %get3A_448 {strides = array<i32>} : memref<96x128xf32, #tpu.memory_space<vmem>>, vector<16xf32>,
        %mul3A_456 = arith.constant 2 : i32
        %mul3A_457 = arith.muli %mul3A_456, %scan3A_152 : i32
        %add3A_458 = arith.constant 1 : i32
        %add3A_459 = arith.addi %mul3A_457, %add3A_458 : i32
        %get3A_460 = arith.constant 1 : i32
        %get3A_461 = arith.index_cast %add3A_459 : i32 to index
        %get3A_462 = arith.index_cast %get3A_460 : i32 to index
        %get3A_463 = arith.constant 16 : index
        %get3A_464 = tpu.vector_load %arg4[%get3A_461, %get3A_462, %get3A_463] {strides = array<i32>} : memref<48x8x32xf32, #tpu.memory_space<vmem>>, vector<16xf32>,
        %mul3A_465 = arith.constant 4 : i32
        %mul3A_466 = arith.muli %mul3A_465, %scan3A_152 : i32
        %add3A_467 = arith.constant 2 : i32
        %add3A_468 = arith.addi %mul3A_466, %add3A_467 : i32
        %swap3A_469 = arith.index_cast %add3A_468 : i32 to index
        %swap3A_470 = arith.constant 48 : index
        %swap3A_471 = tpu.vector_load %arg6[%swap3A_469, %swap3A_470] {strides = array<i32>} : memref<96x128xf32, #tpu.memory_space<vmem>>, vector<16xf32>,
        tpu.vector_store %arg6[%swap3A_469, %swap3A_470], %get3A_464 {strides = array<i32>} : memref<96x128xf32, #tpu.memory_space<vmem>>, vector<16xf32>,
        %mul3A_472 = arith.constant 2 : i32
        %mul3A_473 = arith.muli %mul3A_472, %scan3A_152 : i32
        %add3A_474 = arith.constant 1 : i32
        %add3A_475 = arith.addi %mul3A_473, %add3A_474 : i32
        %get3A_476 = arith.constant 2 : i32
        %get3A_477 = arith.index_cast %add3A_475 : i32 to index
        %get3A_478 = arith.index_cast %get3A_476 : i32 to index
        %get3A_479 = arith.constant 0 : index
        %get3A_480 = tpu.vector_load %arg4[%get3A_477, %get3A_478, %get3A_479] {strides = array<i32>} : memref<48x8x32xf32, #tpu.memory_space<vmem>>, vector<16xf32>,
        %mul3A_481 = arith.constant 4 : i32
        %mul3A_482 = arith.muli %mul3A_481, %scan3A_152 : i32
        %add3A_483 = arith.constant 2 : i32
        %add3A_484 = arith.addi %mul3A_482, %add3A_483 : i32
        %swap3A_485 = arith.index_cast %add3A_484 : i32 to index
        %swap3A_486 = arith.constant 64 : index
        %swap3A_487 = tpu.vector_load %arg6[%swap3A_485, %swap3A_486] {strides = array<i32>} : memref<96x128xf32, #tpu.memory_space<vmem>>, vector<16xf32>,
        tpu.vector_store %arg6[%swap3A_485, %swap3A_486], %get3A_480 {strides = array<i32>} : memref<96x128xf32, #tpu.memory_space<vmem>>, vector<16xf32>,
        %mul3A_488 = arith.constant 2 : i32
        %mul3A_489 = arith.muli %mul3A_488, %scan3A_152 : i32
        %add3A_490 = arith.constant 1 : i32
        %add3A_491 = arith.addi %mul3A_489, %add3A_490 : i32
        %get3A_492 = arith.constant 2 : i32
        %get3A_493 = arith.index_cast %add3A_491 : i32 to index
        %get3A_494 = arith.index_cast %get3A_492 : i32 to index
        %get3A_495 = arith.constant 16 : index
        %get3A_496 = tpu.vector_load %arg4[%get3A_493, %get3A_494, %get3A_495] {strides = array<i32>} : memref<48x8x32xf32, #tpu.memory_space<vmem>>, vector<16xf32>,
        %mul3A_497 = arith.constant 4 : i32
        %mul3A_498 = arith.muli %mul3A_497, %scan3A_152 : i32
        %add3A_499 = arith.constant 2 : i32
        %add3A_500 = arith.addi %mul3A_498, %add3A_499 : i32
        %swap3A_501 = arith.index_cast %add3A_500 : i32 to index
        %swap3A_502 = arith.constant 80 : index
        %swap3A_503 = tpu.vector_load %arg6[%swap3A_501, %swap3A_502] {strides = array<i32>} : memref<96x128xf32, #tpu.memory_space<vmem>>, vector<16xf32>,
        tpu.vector_store %arg6[%swap3A_501, %swap3A_502], %get3A_496 {strides = array<i32>} : memref<96x128xf32, #tpu.memory_space<vmem>>, vector<16xf32>,
        %mul3A_504 = arith.constant 2 : i32
        %mul3A_505 = arith.muli %mul3A_504, %scan3A_152 : i32
        %add3A_506 = arith.constant 1 : i32
        %add3A_507 = arith.addi %mul3A_505, %add3A_506 : i32
        %get3A_508 = arith.constant 3 : i32
        %get3A_509 = arith.index_cast %add3A_507 : i32 to index
        %get3A_510 = arith.index_cast %get3A_508 : i32 to index
        %get3A_511 = arith.constant 0 : index
        %get3A_512 = tpu.vector_load %arg4[%get3A_509, %get3A_510, %get3A_511] {strides = array<i32>} : memref<48x8x32xf32, #tpu.memory_space<vmem>>, vector<16xf32>,
        %mul3A_513 = arith.constant 4 : i32
        %mul3A_514 = arith.muli %mul3A_513, %scan3A_152 : i32
        %add3A_515 = arith.constant 2 : i32
        %add3A_516 = arith.addi %mul3A_514, %add3A_515 : i32
        %swap3A_517 = arith.index_cast %add3A_516 : i32 to index
        %swap3A_518 = arith.constant 96 : index
        %swap3A_519 = tpu.vector_load %arg6[%swap3A_517, %swap3A_518] {strides = array<i32>} : memref<96x128xf32, #tpu.memory_space<vmem>>, vector<16xf32>,
        tpu.vector_store %arg6[%swap3A_517, %swap3A_518], %get3A_512 {strides = array<i32>} : memref<96x128xf32, #tpu.memory_space<vmem>>, vector<16xf32>,
        %mul3A_520 = arith.constant 2 : i32
        %mul3A_521 = arith.muli %mul3A_520, %scan3A_152 : i32
        %add3A_522 = arith.constant 1 : i32
        %add3A_523 = arith.addi %mul3A_521, %add3A_522 : i32
        %get3A_524 = arith.constant 3 : i32
        %get3A_525 = arith.index_cast %add3A_523 : i32 to index
        %get3A_526 = arith.index_cast %get3A_524 : i32 to index
        %get3A_527 = arith.constant 16 : index
        %get3A_528 = tpu.vector_load %arg4[%get3A_525, %get3A_526, %get3A_527] {strides = array<i32>} : memref<48x8x32xf32, #tpu.memory_space<vmem>>, vector<16xf32>,
        %mul3A_529 = arith.constant 4 : i32
        %mul3A_530 = arith.muli %mul3A_529, %scan3A_152 : i32
        %add3A_531 = arith.constant 2 : i32
        %add3A_532 = arith.addi %mul3A_530, %add3A_531 : i32
        %swap3A_533 = arith.index_cast %add3A_532 : i32 to index
        %swap3A_534 = arith.constant 112 : index
        %swap3A_535 = tpu.vector_load %arg6[%swap3A_533, %swap3A_534] {strides = array<i32>} : memref<96x128xf32, #tpu.memory_space<vmem>>, vector<16xf32>,
        tpu.vector_store %arg6[%swap3A_533, %swap3A_534], %get3A_528 {strides = array<i32>} : memref<96x128xf32, #tpu.memory_space<vmem>>, vector<16xf32>,
        %mul3A_536 = arith.constant 2 : i32
        %mul3A_537 = arith.muli %mul3A_536, %scan3A_152 : i32
        %add3A_538 = arith.constant 1 : i32
        %add3A_539 = arith.addi %mul3A_537, %add3A_538 : i32
        %get3A_540 = arith.constant 4 : i32
        %get3A_541 = arith.index_cast %add3A_539 : i32 to index
        %get3A_542 = arith.index_cast %get3A_540 : i32 to index
        %get3A_543 = arith.constant 0 : index
        %get3A_544 = tpu.vector_load %arg4[%get3A_541, %get3A_542, %get3A_543] {strides = array<i32>} : memref<48x8x32xf32, #tpu.memory_space<vmem>>, vector<16xf32>,
        %mul3A_545 = arith.constant 4 : i32
        %mul3A_546 = arith.muli %mul3A_545, %scan3A_152 : i32
        %add3A_547 = arith.constant 3 : i32
        %add3A_548 = arith.addi %mul3A_546, %add3A_547 : i32
        %swap3A_549 = arith.index_cast %add3A_548 : i32 to index
        %swap3A_550 = arith.constant 0 : index
        %swap3A_551 = tpu.vector_load %arg6[%swap3A_549, %swap3A_550] {strides = array<i32>} : memref<96x128xf32, #tpu.memory_space<vmem>>, vector<16xf32>,
        tpu.vector_store %arg6[%swap3A_549, %swap3A_550], %get3A_544 {strides = array<i32>} : memref<96x128xf32, #tpu.memory_space<vmem>>, vector<16xf32>,
        %mul3A_552 = arith.constant 2 : i32
        %mul3A_553 = arith.muli %mul3A_552, %scan3A_152 : i32
        %add3A_554 = arith.constant 1 : i32
        %add3A_555 = arith.addi %mul3A_553, %add3A_554 : i32
        %get3A_556 = arith.constant 4 : i32
        %get3A_557 = arith.index_cast %add3A_555 : i32 to index
        %get3A_558 = arith.index_cast %get3A_556 : i32 to index
        %get3A_559 = arith.constant 16 : index
        %get3A_560 = tpu.vector_load %arg4[%get3A_557, %get3A_558, %get3A_559] {strides = array<i32>} : memref<48x8x32xf32, #tpu.memory_space<vmem>>, vector<16xf32>,
        %mul3A_561 = arith.constant 4 : i32
        %mul3A_562 = arith.muli %mul3A_561, %scan3A_152 : i32
        %add3A_563 = arith.constant 3 : i32
        %add3A_564 = arith.addi %mul3A_562, %add3A_563 : i32
        %swap3A_565 = arith.index_cast %add3A_564 : i32 to index
        %swap3A_566 = arith.constant 16 : index
        %swap3A_567 = tpu.vector_load %arg6[%swap3A_565, %swap3A_566] {strides = array<i32>} : memref<96x128xf32, #tpu.memory_space<vmem>>, vector<16xf32>,
        tpu.vector_store %arg6[%swap3A_565, %swap3A_566], %get3A_560 {strides = array<i32>} : memref<96x128xf32, #tpu.memory_space<vmem>>, vector<16xf32>,
        %mul3A_568 = arith.constant 2 : i32
        %mul3A_569 = arith.muli %mul3A_568, %scan3A_152 : i32
        %add3A_570 = arith.constant 1 : i32
        %add3A_571 = arith.addi %mul3A_569, %add3A_570 : i32
        %get3A_572 = arith.constant 5 : i32
        %get3A_573 = arith.index_cast %add3A_571 : i32 to index
        %get3A_574 = arith.index_cast %get3A_572 : i32 to index
        %get3A_575 = arith.constant 0 : index
        %get3A_576 = tpu.vector_load %arg4[%get3A_573, %get3A_574, %get3A_575] {strides = array<i32>} : memref<48x8x32xf32, #tpu.memory_space<vmem>>, vector<16xf32>,
        %mul3A_577 = arith.constant 4 : i32
        %mul3A_578 = arith.muli %mul3A_577, %scan3A_152 : i32
        %add3A_579 = arith.constant 3 : i32
        %add3A_580 = arith.addi %mul3A_578, %add3A_579 : i32
        %swap3A_581 = arith.index_cast %add3A_580 : i32 to index
        %swap3A_582 = arith.constant 32 : index
        %swap3A_583 = tpu.vector_load %arg6[%swap3A_581, %swap3A_582] {strides = array<i32>} : memref<96x128xf32, #tpu.memory_space<vmem>>, vector<16xf32>,
        tpu.vector_store %arg6[%swap3A_581, %swap3A_582], %get3A_576 {strides = array<i32>} : memref<96x128xf32, #tpu.memory_space<vmem>>, vector<16xf32>,
        %mul3A_584 = arith.constant 2 : i32
        %mul3A_585 = arith.muli %mul3A_584, %scan3A_152 : i32
        %add3A_586 = arith.constant 1 : i32
        %add3A_587 = arith.addi %mul3A_585, %add3A_586 : i32
        %get3A_588 = arith.constant 5 : i32
        %get3A_589 = arith.index_cast %add3A_587 : i32 to index
        %get3A_590 = arith.index_cast %get3A_588 : i32 to index
        %get3A_591 = arith.constant 16 : index
        %get3A_592 = tpu.vector_load %arg4[%get3A_589, %get3A_590, %get3A_591] {strides = array<i32>} : memref<48x8x32xf32, #tpu.memory_space<vmem>>, vector<16xf32>,
        %mul3A_593 = arith.constant 4 : i32
        %mul3A_594 = arith.muli %mul3A_593, %scan3A_152 : i32
        %add3A_595 = arith.constant 3 : i32
        %add3A_596 = arith.addi %mul3A_594, %add3A_595 : i32
        %swap3A_597 = arith.index_cast %add3A_596 : i32 to index
        %swap3A_598 = arith.constant 48 : index
        %swap3A_599 = tpu.vector_load %arg6[%swap3A_597, %swap3A_598] {strides = array<i32>} : memref<96x128xf32, #tpu.memory_space<vmem>>, vector<16xf32>,
        tpu.vector_store %arg6[%swap3A_597, %swap3A_598], %get3A_592 {strides = array<i32>} : memref<96x128xf32, #tpu.memory_space<vmem>>, vector<16xf32>,
        %mul3A_600 = arith.constant 2 : i32
        %mul3A_601 = arith.muli %mul3A_600, %scan3A_152 : i32
        %add3A_602 = arith.constant 1 : i32
        %add3A_603 = arith.addi %mul3A_601, %add3A_602 : i32
        %get3A_604 = arith.constant 6 : i32
        %get3A_605 = arith.index_cast %add3A_603 : i32 to index
        %get3A_606 = arith.index_cast %get3A_604 : i32 to index
        %get3A_607 = arith.constant 0 : index
        %get3A_608 = tpu.vector_load %arg4[%get3A_605, %get3A_606, %get3A_607] {strides = array<i32>} : memref<48x8x32xf32, #tpu.memory_space<vmem>>, vector<16xf32>,
        %mul3A_609 = arith.constant 4 : i32
        %mul3A_610 = arith.muli %mul3A_609, %scan3A_152 : i32
        %add3A_611 = arith.constant 3 : i32
        %add3A_612 = arith.addi %mul3A_610, %add3A_611 : i32
        %swap3A_613 = arith.index_cast %add3A_612 : i32 to index
        %swap3A_614 = arith.constant 64 : index
        %swap3A_615 = tpu.vector_load %arg6[%swap3A_613, %swap3A_614] {strides = array<i32>} : memref<96x128xf32, #tpu.memory_space<vmem>>, vector<16xf32>,
        tpu.vector_store %arg6[%swap3A_613, %swap3A_614], %get3A_608 {strides = array<i32>} : memref<96x128xf32, #tpu.memory_space<vmem>>, vector<16xf32>,
        %mul3A_616 = arith.constant 2 : i32
        %mul3A_617 = arith.muli %mul3A_616, %scan3A_152 : i32
        %add3A_618 = arith.constant 1 : i32
        %add3A_619 = arith.addi %mul3A_617, %add3A_618 : i32
        %get3A_620 = arith.constant 6 : i32
        %get3A_621 = arith.index_cast %add3A_619 : i32 to index
        %get3A_622 = arith.index_cast %get3A_620 : i32 to index
        %get3A_623 = arith.constant 16 : index
        %get3A_624 = tpu.vector_load %arg4[%get3A_621, %get3A_622, %get3A_623] {strides = array<i32>} : memref<48x8x32xf32, #tpu.memory_space<vmem>>, vector<16xf32>,
        %mul3A_625 = arith.constant 4 : i32
        %mul3A_626 = arith.muli %mul3A_625, %scan3A_152 : i32
        %add3A_627 = arith.constant 3 : i32
        %add3A_628 = arith.addi %mul3A_626, %add3A_627 : i32
        %swap3A_629 = arith.index_cast %add3A_628 : i32 to index
        %swap3A_630 = arith.constant 80 : index
        %swap3A_631 = tpu.vector_load %arg6[%swap3A_629, %swap3A_630] {strides = array<i32>} : memref<96x128xf32, #tpu.memory_space<vmem>>, vector<16xf32>,
        tpu.vector_store %arg6[%swap3A_629, %swap3A_630], %get3A_624 {strides = array<i32>} : memref<96x128xf32, #tpu.memory_space<vmem>>, vector<16xf32>,
        %mul3A_632 = arith.constant 2 : i32
        %mul3A_633 = arith.muli %mul3A_632, %scan3A_152 : i32
        %add3A_634 = arith.constant 1 : i32
        %add3A_635 = arith.addi %mul3A_633, %add3A_634 : i32
        %get3A_636 = arith.constant 7 : i32
        %get3A_637 = arith.index_cast %add3A_635 : i32 to index
        %get3A_638 = arith.index_cast %get3A_636 : i32 to index
        %get3A_639 = arith.constant 0 : index
        %get3A_640 = tpu.vector_load %arg4[%get3A_637, %get3A_638, %get3A_639] {strides = array<i32>} : memref<48x8x32xf32, #tpu.memory_space<vmem>>, vector<16xf32>,
        %mul3A_641 = arith.constant 4 : i32
        %mul3A_642 = arith.muli %mul3A_641, %scan3A_152 : i32
        %add3A_643 = arith.constant 3 : i32
        %add3A_644 = arith.addi %mul3A_642, %add3A_643 : i32
        %swap3A_645 = arith.index_cast %add3A_644 : i32 to index
        %swap3A_646 = arith.constant 96 : index
        %swap3A_647 = tpu.vector_load %arg6[%swap3A_645, %swap3A_646] {strides = array<i32>} : memref<96x128xf32, #tpu.memory_space<vmem>>, vector<16xf32>,
        tpu.vector_store %arg6[%swap3A_645, %swap3A_646], %get3A_640 {strides = array<i32>} : memref<96x128xf32, #tpu.memory_space<vmem>>, vector<16xf32>,
        %mul3A_648 = arith.constant 2 : i32
        %mul3A_649 = arith.muli %mul3A_648, %scan3A_152 : i32
        %add3A_650 = arith.constant 1 : i32
        %add3A_651 = arith.addi %mul3A_649, %add3A_650 : i32
        %get3A_652 = arith.constant 7 : i32
        %get3A_653 = arith.index_cast %add3A_651 : i32 to index
        %get3A_654 = arith.index_cast %get3A_652 : i32 to index
        %get3A_655 = arith.constant 16 : index
        %get3A_656 = tpu.vector_load %arg4[%get3A_653, %get3A_654, %get3A_655] {strides = array<i32>} : memref<48x8x32xf32, #tpu.memory_space<vmem>>, vector<16xf32>,
        %mul3A_657 = arith.constant 4 : i32
        %mul3A_658 = arith.muli %mul3A_657, %scan3A_152 : i32
        %add3A_659 = arith.constant 3 : i32
        %add3A_660 = arith.addi %mul3A_658, %add3A_659 : i32
        %swap3A_661 = arith.index_cast %add3A_660 : i32 to index
        %swap3A_662 = arith.constant 112 : index
        %swap3A_663 = tpu.vector_load %arg6[%swap3A_661, %swap3A_662] {strides = array<i32>} : memref<96x128xf32, #tpu.memory_space<vmem>>, vector<16xf32>,
        tpu.vector_store %arg6[%swap3A_661, %swap3A_662], %get3A_656 {strides = array<i32>} : memref<96x128xf32, #tpu.memory_space<vmem>>, vector<16xf32>,
        %scan3A_664 = arith.constant 0 : i32
        scf.yield %scan3A_664 : i32
      }
      %scan3A_78 = arith.constant 24 : i32
      %add3A_79 = arith.constant 2 : i32
      %add3A_80 = arith.addi %add3A_55, %add3A_79 : i32
      %lt3A_81 = arith.constant 212 : i32
      %lt3A_82 = arith.cmpi slt, %add3A_80, %lt3A_81 : i32
      %convert_element_type3A_83 = arith.extui %lt3A_82 : i1 to i32
      %cond3A_84 = arith.constant 0 : i32
      %cond3A_85 = arith.cmpi ne, %convert_element_type3A_83, %cond3A_84 : i32
      scf.if %cond3A_85 {
        %add3A_152 = arith.constant 2 : i32
        %add3A_153 = arith.addi %add3A_55, %add3A_152 : i32
        %mul3A_154 = arith.constant 12 : i32
        %mul3A_155 = arith.muli %add3A_153, %mul3A_154 : i32
        %sub3A_156 = arith.constant 12 : i32
        %sub3A_157 = arith.subi %add3A_4, %sub3A_156 : i32
        %min3A_158 = arith.minsi %mul3A_155, %sub3A_157 : i32
        %add3A_159 = arith.addi %add3A_8, %min3A_158 : i32
        %mul3A_160 = arith.constant 4 : i32
        %mul3A_161 = arith.muli %mul3A_160, %add3A_159 : i32
        %dma_start3A_162 = arith.constant 0 : i32
        %dma_start3A_163 = arith.constant 0 : i32
        %dma_start3A_164 = tpu.memref_slice %arg2[%mul3A_161, %dma_start3A_162, %dma_start3A_163] : memref<325000x8x32xf32, #tpu.memory_space<hbm>> -> memref<48x8x32xf32, #tpu.memory_space<hbm>>
        %dma_start3A_165 = arith.constant 0 : i32
        %dma_start3A_166 = arith.constant 0 : i32
        %dma_start3A_167 = tpu.memref_slice %arg2[%mul3A_161, %dma_start3A_165, %dma_start3A_166] : memref<325000x8x32xf32, #tpu.memory_space<hbm>> -> memref<48x8x32xf32, #tpu.memory_space<hbm>>
        tpu.enqueue_dma source(%dma_start3A_167 : memref<48x8x32xf32, #tpu.memory_space<hbm>>) target(%arg4 : memref<48x8x32xf32, #tpu.memory_space<vmem>>) target_semaphore(%arg8 : memref<!tpu.dma_semaphore, #tpu.memory_space<semaphore_mem>>)
      } else {
      }
      %mul3A_86 = arith.constant 12 : i32
      %mul3A_87 = arith.muli %add3A_55, %mul3A_86 : i32
      %sub3A_88 = arith.constant 12 : i32
      %sub3A_89 = arith.subi %add3A_4, %sub3A_88 : i32
      %min3A_90 = arith.minsi %mul3A_87, %sub3A_89 : i32
      %add3A_91 = arith.addi %add3A_8, %min3A_90 : i32
      %mul3A_92 = arith.constant 4 : i32
      %mul3A_93 = arith.muli %mul3A_92, %add3A_91 : i32
      %mul3A_94 = arith.constant 2 : i32
      %mul3A_95 = arith.muli %mul3A_94, %mul3A_93 : i32
      %dma_start3A_96 = arith.constant 0 : i32
      %dma_start3A_97 = tpu.memref_slice %arg3[%mul3A_95, %dma_start3A_96] : memref<650000x128xf32, #tpu.memory_space<hbm>> -> memref<96x128xf32, #tpu.memory_space<hbm>>
      %dma_start3A_98 = arith.constant 0 : i32
      %dma_start3A_99 = tpu.memref_slice %arg3[%mul3A_95, %dma_start3A_98] : memref<650000x128xf32, #tpu.memory_space<hbm>> -> memref<96x128xf32, #tpu.memory_space<hbm>>
      tpu.enqueue_dma source(%arg6 : memref<96x128xf32, #tpu.memory_space<vmem>>) target(%dma_start3A_99 : memref<96x128xf32, #tpu.memory_space<hbm>>) target_semaphore(%arg10 : memref<!tpu.dma_semaphore, #tpu.memory_space<semaphore_mem>>)
      %mul3A_100 = arith.constant 2 : i32
      %mul3A_101 = arith.muli %mul3A_100, %scan3A_50 : i32
      %add3A_102 = arith.constant 1 : i32
      %add3A_103 = arith.addi %mul3A_101, %add3A_102 : i32
      %mul3A_104 = arith.constant 12 : i32
      %mul3A_105 = arith.muli %add3A_103, %mul3A_104 : i32
      %sub3A_106 = arith.constant 12 : i32
      %sub3A_107 = arith.subi %add3A_4, %sub3A_106 : i32
      %min3A_108 = arith.minsi %mul3A_105, %sub3A_107 : i32
      %add3A_109 = arith.addi %add3A_8, %min3A_108 : i32
      %mul3A_110 = arith.constant 4 : i32
      %mul3A_111 = arith.muli %mul3A_110, %add3A_109 : i32
      %dma_wait3A_112 = arith.constant 0 : i32
      %dma_wait3A_113 = arith.constant 0 : i32
      %dma_wait3A_114 = tpu.memref_slice %arg2[%mul3A_111, %dma_wait3A_112, %dma_wait3A_113] : memref<325000x8x32xf32, #tpu.memory_space<hbm>> -> memref<48x8x32xf32, #tpu.memory_space<hbm>>
      %dma_wait3A_115 = arith.constant 0 : i32
      %dma_wait3A_116 = arith.constant 0 : i32
      %dma_wait3A_117 = tpu.memref_slice %arg2[%mul3A_111, %dma_wait3A_115, %dma_wait3A_116] : memref<325000x8x32xf32, #tpu.memory_space<hbm>> -> memref<48x8x32xf32, #tpu.memory_space<hbm>>
      tpu.wait_dma2 semaphore(%arg9 : memref<!tpu.dma_semaphore, #tpu.memory_space<semaphore_mem>>) src(%dma_wait3A_117 : memref<48x8x32xf32, #tpu.memory_space<hbm>>) dst(%arg5 : memref<48x8x32xf32, #tpu.memory_space<vmem>>)
      %ge3A_118 = arith.constant 1 : i32
      %ge3A_119 = arith.cmpi sge, %scan3A_50, %ge3A_118 : i32
      %convert_element_type3A_120 = arith.extui %ge3A_119 : i1 to i32
      %cond3A_121 = arith.constant 0 : i32
      %cond3A_122 = arith.cmpi ne, %convert_element_type3A_120, %cond3A_121 : i32
      scf.if %cond3A_122 {
        %dma_wait3A_152 = arith.constant 0 : i32
        %dma_wait3A_153 = arith.constant 0 : i32
        %dma_wait3A_154 = tpu.memref_slice %arg3[%dma_wait3A_152, %dma_wait3A_153] : memref<650000x128xf32, #tpu.memory_space<hbm>> -> memref<96x128xf32, #tpu.memory_space<hbm>>
        %dma_wait3A_155 = arith.constant 0 : i32
        %dma_wait3A_156 = arith.constant 0 : i32
        %dma_wait3A_157 = tpu.memref_slice %arg3[%dma_wait3A_155, %dma_wait3A_156] : memref<650000x128xf32, #tpu.memory_space<hbm>> -> memref<96x128xf32, #tpu.memory_space<hbm>>
        tpu.wait_dma2 semaphore(%arg11 : memref<!tpu.dma_semaphore, #tpu.memory_space<semaphore_mem>>) src(%arg7 : memref<96x128xf32, #tpu.memory_space<vmem>>) dst(%dma_wait3A_157 : memref<96x128xf32, #tpu.memory_space<hbm>>)
      } else {
      }
      %scan3A_123 = arith.constant 0 : i32
      %scan3A_124 = arith.constant 0 : i32
      %scan3A_125 = arith.constant 24 : i32
      %scan3A_126 = arith.addi %scan3A_124, %scan3A_125 : i32
      %scan3A_127 = arith.constant 1 : i32
      %scan3A_128 = scf.for %scan3A_152 = %scan3A_124 to %scan3A_126 step %scan3A_127 iter_args(%scan3A_153 = %scan3A_123) -> (i32)  : i32 {
        %mul3A_154 = arith.constant 2 : i32
        %mul3A_155 = arith.muli %mul3A_154, %scan3A_152 : i32
        %add3A_156 = arith.constant 0 : i32
        %add3A_157 = arith.addi %mul3A_155, %add3A_156 : i32
        %get3A = arith.constant 0 : i32
        %get3A_158 = arith.index_cast %add3A_157 : i32 to index
        %get3A_159 = arith.index_cast %get3A : i32 to index
        %get3A_160 = arith.constant 0 : index
        %get3A_161 = tpu.vector_load %arg5[%get3A_158, %get3A_159, %get3A_160] {strides = array<i32>} : memref<48x8x32xf32, #tpu.memory_space<vmem>>, vector<16xf32>,
        %mul3A_162 = arith.constant 4 : i32
        %mul3A_163 = arith.muli %mul3A_162, %scan3A_152 : i32
        %add3A_164 = arith.constant 0 : i32
        %add3A_165 = arith.addi %mul3A_163, %add3A_164 : i32
        %swap3A = arith.index_cast %add3A_165 : i32 to index
        %swap3A_166 = arith.constant 0 : index
        %swap3A_167 = tpu.vector_load %arg7[%swap3A, %swap3A_166] {strides = array<i32>} : memref<96x128xf32, #tpu.memory_space<vmem>>, vector<16xf32>,
        tpu.vector_store %arg7[%swap3A, %swap3A_166], %get3A_161 {strides = array<i32>} : memref<96x128xf32, #tpu.memory_space<vmem>>, vector<16xf32>,
        %mul3A_168 = arith.constant 2 : i32
        %mul3A_169 = arith.muli %mul3A_168, %scan3A_152 : i32
        %add3A_170 = arith.constant 0 : i32
        %add3A_171 = arith.addi %mul3A_169, %add3A_170 : i32
        %get3A_172 = arith.constant 0 : i32
        %get3A_173 = arith.index_cast %add3A_171 : i32 to index
        %get3A_174 = arith.index_cast %get3A_172 : i32 to index
        %get3A_175 = arith.constant 16 : index
        %get3A_176 = tpu.vector_load %arg5[%get3A_173, %get3A_174, %get3A_175] {strides = array<i32>} : memref<48x8x32xf32, #tpu.memory_space<vmem>>, vector<16xf32>,
        %mul3A_177 = arith.constant 4 : i32
        %mul3A_178 = arith.muli %mul3A_177, %scan3A_152 : i32
        %add3A_179 = arith.constant 0 : i32
        %add3A_180 = arith.addi %mul3A_178, %add3A_179 : i32
        %swap3A_181 = arith.index_cast %add3A_180 : i32 to index
        %swap3A_182 = arith.constant 16 : index
        %swap3A_183 = tpu.vector_load %arg7[%swap3A_181, %swap3A_182] {strides = array<i32>} : memref<96x128xf32, #tpu.memory_space<vmem>>, vector<16xf32>,
        tpu.vector_store %arg7[%swap3A_181, %swap3A_182], %get3A_176 {strides = array<i32>} : memref<96x128xf32, #tpu.memory_space<vmem>>, vector<16xf32>,
        %mul3A_184 = arith.constant 2 : i32
        %mul3A_185 = arith.muli %mul3A_184, %scan3A_152 : i32
        %add3A_186 = arith.constant 0 : i32
        %add3A_187 = arith.addi %mul3A_185, %add3A_186 : i32
        %get3A_188 = arith.constant 1 : i32
        %get3A_189 = arith.index_cast %add3A_187 : i32 to index
        %get3A_190 = arith.index_cast %get3A_188 : i32 to index
        %get3A_191 = arith.constant 0 : index
        %get3A_192 = tpu.vector_load %arg5[%get3A_189, %get3A_190, %get3A_191] {strides = array<i32>} : memref<48x8x32xf32, #tpu.memory_space<vmem>>, vector<16xf32>,
        %mul3A_193 = arith.constant 4 : i32
        %mul3A_194 = arith.muli %mul3A_193, %scan3A_152 : i32
        %add3A_195 = arith.constant 0 : i32
        %add3A_196 = arith.addi %mul3A_194, %add3A_195 : i32
        %swap3A_197 = arith.index_cast %add3A_196 : i32 to index
        %swap3A_198 = arith.constant 32 : index
        %swap3A_199 = tpu.vector_load %arg7[%swap3A_197, %swap3A_198] {strides = array<i32>} : memref<96x128xf32, #tpu.memory_space<vmem>>, vector<16xf32>,
        tpu.vector_store %arg7[%swap3A_197, %swap3A_198], %get3A_192 {strides = array<i32>} : memref<96x128xf32, #tpu.memory_space<vmem>>, vector<16xf32>,
        %mul3A_200 = arith.constant 2 : i32
        %mul3A_201 = arith.muli %mul3A_200, %scan3A_152 : i32
        %add3A_202 = arith.constant 0 : i32
        %add3A_203 = arith.addi %mul3A_201, %add3A_202 : i32
        %get3A_204 = arith.constant 1 : i32
        %get3A_205 = arith.index_cast %add3A_203 : i32 to index
        %get3A_206 = arith.index_cast %get3A_204 : i32 to index
        %get3A_207 = arith.constant 16 : index
        %get3A_208 = tpu.vector_load %arg5[%get3A_205, %get3A_206, %get3A_207] {strides = array<i32>} : memref<48x8x32xf32, #tpu.memory_space<vmem>>, vector<16xf32>,
        %mul3A_209 = arith.constant 4 : i32
        %mul3A_210 = arith.muli %mul3A_209, %scan3A_152 : i32
        %add3A_211 = arith.constant 0 : i32
        %add3A_212 = arith.addi %mul3A_210, %add3A_211 : i32
        %swap3A_213 = arith.index_cast %add3A_212 : i32 to index
        %swap3A_214 = arith.constant 48 : index
        %swap3A_215 = tpu.vector_load %arg7[%swap3A_213, %swap3A_214] {strides = array<i32>} : memref<96x128xf32, #tpu.memory_space<vmem>>, vector<16xf32>,
        tpu.vector_store %arg7[%swap3A_213, %swap3A_214], %get3A_208 {strides = array<i32>} : memref<96x128xf32, #tpu.memory_space<vmem>>, vector<16xf32>,
        %mul3A_216 = arith.constant 2 : i32
        %mul3A_217 = arith.muli %mul3A_216, %scan3A_152 : i32
        %add3A_218 = arith.constant 0 : i32
        %add3A_219 = arith.addi %mul3A_217, %add3A_218 : i32
        %get3A_220 = arith.constant 2 : i32
        %get3A_221 = arith.index_cast %add3A_219 : i32 to index
        %get3A_222 = arith.index_cast %get3A_220 : i32 to index
        %get3A_223 = arith.constant 0 : index
        %get3A_224 = tpu.vector_load %arg5[%get3A_221, %get3A_222, %get3A_223] {strides = array<i32>} : memref<48x8x32xf32, #tpu.memory_space<vmem>>, vector<16xf32>,
        %mul3A_225 = arith.constant 4 : i32
        %mul3A_226 = arith.muli %mul3A_225, %scan3A_152 : i32
        %add3A_227 = arith.constant 0 : i32
        %add3A_228 = arith.addi %mul3A_226, %add3A_227 : i32
        %swap3A_229 = arith.index_cast %add3A_228 : i32 to index
        %swap3A_230 = arith.constant 64 : index
        %swap3A_231 = tpu.vector_load %arg7[%swap3A_229, %swap3A_230] {strides = array<i32>} : memref<96x128xf32, #tpu.memory_space<vmem>>, vector<16xf32>,
        tpu.vector_store %arg7[%swap3A_229, %swap3A_230], %get3A_224 {strides = array<i32>} : memref<96x128xf32, #tpu.memory_space<vmem>>, vector<16xf32>,
        %mul3A_232 = arith.constant 2 : i32
        %mul3A_233 = arith.muli %mul3A_232, %scan3A_152 : i32
        %add3A_234 = arith.constant 0 : i32
        %add3A_235 = arith.addi %mul3A_233, %add3A_234 : i32
        %get3A_236 = arith.constant 2 : i32
        %get3A_237 = arith.index_cast %add3A_235 : i32 to index
        %get3A_238 = arith.index_cast %get3A_236 : i32 to index
        %get3A_239 = arith.constant 16 : index
        %get3A_240 = tpu.vector_load %arg5[%get3A_237, %get3A_238, %get3A_239] {strides = array<i32>} : memref<48x8x32xf32, #tpu.memory_space<vmem>>, vector<16xf32>,
        %mul3A_241 = arith.constant 4 : i32
        %mul3A_242 = arith.muli %mul3A_241, %scan3A_152 : i32
        %add3A_243 = arith.constant 0 : i32
        %add3A_244 = arith.addi %mul3A_242, %add3A_243 : i32
        %swap3A_245 = arith.index_cast %add3A_244 : i32 to index
        %swap3A_246 = arith.constant 80 : index
        %swap3A_247 = tpu.vector_load %arg7[%swap3A_245, %swap3A_246] {strides = array<i32>} : memref<96x128xf32, #tpu.memory_space<vmem>>, vector<16xf32>,
        tpu.vector_store %arg7[%swap3A_245, %swap3A_246], %get3A_240 {strides = array<i32>} : memref<96x128xf32, #tpu.memory_space<vmem>>, vector<16xf32>,
        %mul3A_248 = arith.constant 2 : i32
        %mul3A_249 = arith.muli %mul3A_248, %scan3A_152 : i32
        %add3A_250 = arith.constant 0 : i32
        %add3A_251 = arith.addi %mul3A_249, %add3A_250 : i32
        %get3A_252 = arith.constant 3 : i32
        %get3A_253 = arith.index_cast %add3A_251 : i32 to index
        %get3A_254 = arith.index_cast %get3A_252 : i32 to index
        %get3A_255 = arith.constant 0 : index
        %get3A_256 = tpu.vector_load %arg5[%get3A_253, %get3A_254, %get3A_255] {strides = array<i32>} : memref<48x8x32xf32, #tpu.memory_space<vmem>>, vector<16xf32>,
        %mul3A_257 = arith.constant 4 : i32
        %mul3A_258 = arith.muli %mul3A_257, %scan3A_152 : i32
        %add3A_259 = arith.constant 0 : i32
        %add3A_260 = arith.addi %mul3A_258, %add3A_259 : i32
        %swap3A_261 = arith.index_cast %add3A_260 : i32 to index
        %swap3A_262 = arith.constant 96 : index
        %swap3A_263 = tpu.vector_load %arg7[%swap3A_261, %swap3A_262] {strides = array<i32>} : memref<96x128xf32, #tpu.memory_space<vmem>>, vector<16xf32>,
        tpu.vector_store %arg7[%swap3A_261, %swap3A_262], %get3A_256 {strides = array<i32>} : memref<96x128xf32, #tpu.memory_space<vmem>>, vector<16xf32>,
        %mul3A_264 = arith.constant 2 : i32
        %mul3A_265 = arith.muli %mul3A_264, %scan3A_152 : i32
        %add3A_266 = arith.constant 0 : i32
        %add3A_267 = arith.addi %mul3A_265, %add3A_266 : i32
        %get3A_268 = arith.constant 3 : i32
        %get3A_269 = arith.index_cast %add3A_267 : i32 to index
        %get3A_270 = arith.index_cast %get3A_268 : i32 to index
        %get3A_271 = arith.constant 16 : index
        %get3A_272 = tpu.vector_load %arg5[%get3A_269, %get3A_270, %get3A_271] {strides = array<i32>} : memref<48x8x32xf32, #tpu.memory_space<vmem>>, vector<16xf32>,
        %mul3A_273 = arith.constant 4 : i32
        %mul3A_274 = arith.muli %mul3A_273, %scan3A_152 : i32
        %add3A_275 = arith.constant 0 : i32
        %add3A_276 = arith.addi %mul3A_274, %add3A_275 : i32
        %swap3A_277 = arith.index_cast %add3A_276 : i32 to index
        %swap3A_278 = arith.constant 112 : index
        %swap3A_279 = tpu.vector_load %arg7[%swap3A_277, %swap3A_278] {strides = array<i32>} : memref<96x128xf32, #tpu.memory_space<vmem>>, vector<16xf32>,
        tpu.vector_store %arg7[%swap3A_277, %swap3A_278], %get3A_272 {strides = array<i32>} : memref<96x128xf32, #tpu.memory_space<vmem>>, vector<16xf32>,
        %mul3A_280 = arith.constant 2 : i32
        %mul3A_281 = arith.muli %mul3A_280, %scan3A_152 : i32
        %add3A_282 = arith.constant 0 : i32
        %add3A_283 = arith.addi %mul3A_281, %add3A_282 : i32
        %get3A_284 = arith.constant 4 : i32
        %get3A_285 = arith.index_cast %add3A_283 : i32 to index
        %get3A_286 = arith.index_cast %get3A_284 : i32 to index
        %get3A_287 = arith.constant 0 : index
        %get3A_288 = tpu.vector_load %arg5[%get3A_285, %get3A_286, %get3A_287] {strides = array<i32>} : memref<48x8x32xf32, #tpu.memory_space<vmem>>, vector<16xf32>,
        %mul3A_289 = arith.constant 4 : i32
        %mul3A_290 = arith.muli %mul3A_289, %scan3A_152 : i32
        %add3A_291 = arith.constant 1 : i32
        %add3A_292 = arith.addi %mul3A_290, %add3A_291 : i32
        %swap3A_293 = arith.index_cast %add3A_292 : i32 to index
        %swap3A_294 = arith.constant 0 : index
        %swap3A_295 = tpu.vector_load %arg7[%swap3A_293, %swap3A_294] {strides = array<i32>} : memref<96x128xf32, #tpu.memory_space<vmem>>, vector<16xf32>,
        tpu.vector_store %arg7[%swap3A_293, %swap3A_294], %get3A_288 {strides = array<i32>} : memref<96x128xf32, #tpu.memory_space<vmem>>, vector<16xf32>,
        %mul3A_296 = arith.constant 2 : i32
        %mul3A_297 = arith.muli %mul3A_296, %scan3A_152 : i32
        %add3A_298 = arith.constant 0 : i32
        %add3A_299 = arith.addi %mul3A_297, %add3A_298 : i32
        %get3A_300 = arith.constant 4 : i32
        %get3A_301 = arith.index_cast %add3A_299 : i32 to index
        %get3A_302 = arith.index_cast %get3A_300 : i32 to index
        %get3A_303 = arith.constant 16 : index
        %get3A_304 = tpu.vector_load %arg5[%get3A_301, %get3A_302, %get3A_303] {strides = array<i32>} : memref<48x8x32xf32, #tpu.memory_space<vmem>>, vector<16xf32>,
        %mul3A_305 = arith.constant 4 : i32
        %mul3A_306 = arith.muli %mul3A_305, %scan3A_152 : i32
        %add3A_307 = arith.constant 1 : i32
        %add3A_308 = arith.addi %mul3A_306, %add3A_307 : i32
        %swap3A_309 = arith.index_cast %add3A_308 : i32 to index
        %swap3A_310 = arith.constant 16 : index
        %swap3A_311 = tpu.vector_load %arg7[%swap3A_309, %swap3A_310] {strides = array<i32>} : memref<96x128xf32, #tpu.memory_space<vmem>>, vector<16xf32>,
        tpu.vector_store %arg7[%swap3A_309, %swap3A_310], %get3A_304 {strides = array<i32>} : memref<96x128xf32, #tpu.memory_space<vmem>>, vector<16xf32>,
        %mul3A_312 = arith.constant 2 : i32
        %mul3A_313 = arith.muli %mul3A_312, %scan3A_152 : i32
        %add3A_314 = arith.constant 0 : i32
        %add3A_315 = arith.addi %mul3A_313, %add3A_314 : i32
        %get3A_316 = arith.constant 5 : i32
        %get3A_317 = arith.index_cast %add3A_315 : i32 to index
        %get3A_318 = arith.index_cast %get3A_316 : i32 to index
        %get3A_319 = arith.constant 0 : index
        %get3A_320 = tpu.vector_load %arg5[%get3A_317, %get3A_318, %get3A_319] {strides = array<i32>} : memref<48x8x32xf32, #tpu.memory_space<vmem>>, vector<16xf32>,
        %mul3A_321 = arith.constant 4 : i32
        %mul3A_322 = arith.muli %mul3A_321, %scan3A_152 : i32
        %add3A_323 = arith.constant 1 : i32
        %add3A_324 = arith.addi %mul3A_322, %add3A_323 : i32
        %swap3A_325 = arith.index_cast %add3A_324 : i32 to index
        %swap3A_326 = arith.constant 32 : index
        %swap3A_327 = tpu.vector_load %arg7[%swap3A_325, %swap3A_326] {strides = array<i32>} : memref<96x128xf32, #tpu.memory_space<vmem>>, vector<16xf32>,
        tpu.vector_store %arg7[%swap3A_325, %swap3A_326], %get3A_320 {strides = array<i32>} : memref<96x128xf32, #tpu.memory_space<vmem>>, vector<16xf32>,
        %mul3A_328 = arith.constant 2 : i32
        %mul3A_329 = arith.muli %mul3A_328, %scan3A_152 : i32
        %add3A_330 = arith.constant 0 : i32
        %add3A_331 = arith.addi %mul3A_329, %add3A_330 : i32
        %get3A_332 = arith.constant 5 : i32
        %get3A_333 = arith.index_cast %add3A_331 : i32 to index
        %get3A_334 = arith.index_cast %get3A_332 : i32 to index
        %get3A_335 = arith.constant 16 : index
        %get3A_336 = tpu.vector_load %arg5[%get3A_333, %get3A_334, %get3A_335] {strides = array<i32>} : memref<48x8x32xf32, #tpu.memory_space<vmem>>, vector<16xf32>,
        %mul3A_337 = arith.constant 4 : i32
        %mul3A_338 = arith.muli %mul3A_337, %scan3A_152 : i32
        %add3A_339 = arith.constant 1 : i32
        %add3A_340 = arith.addi %mul3A_338, %add3A_339 : i32
        %swap3A_341 = arith.index_cast %add3A_340 : i32 to index
        %swap3A_342 = arith.constant 48 : index
        %swap3A_343 = tpu.vector_load %arg7[%swap3A_341, %swap3A_342] {strides = array<i32>} : memref<96x128xf32, #tpu.memory_space<vmem>>, vector<16xf32>,
        tpu.vector_store %arg7[%swap3A_341, %swap3A_342], %get3A_336 {strides = array<i32>} : memref<96x128xf32, #tpu.memory_space<vmem>>, vector<16xf32>,
        %mul3A_344 = arith.constant 2 : i32
        %mul3A_345 = arith.muli %mul3A_344, %scan3A_152 : i32
        %add3A_346 = arith.constant 0 : i32
        %add3A_347 = arith.addi %mul3A_345, %add3A_346 : i32
        %get3A_348 = arith.constant 6 : i32
        %get3A_349 = arith.index_cast %add3A_347 : i32 to index
        %get3A_350 = arith.index_cast %get3A_348 : i32 to index
        %get3A_351 = arith.constant 0 : index
        %get3A_352 = tpu.vector_load %arg5[%get3A_349, %get3A_350, %get3A_351] {strides = array<i32>} : memref<48x8x32xf32, #tpu.memory_space<vmem>>, vector<16xf32>,
        %mul3A_353 = arith.constant 4 : i32
        %mul3A_354 = arith.muli %mul3A_353, %scan3A_152 : i32
        %add3A_355 = arith.constant 1 : i32
        %add3A_356 = arith.addi %mul3A_354, %add3A_355 : i32
        %swap3A_357 = arith.index_cast %add3A_356 : i32 to index
        %swap3A_358 = arith.constant 64 : index
        %swap3A_359 = tpu.vector_load %arg7[%swap3A_357, %swap3A_358] {strides = array<i32>} : memref<96x128xf32, #tpu.memory_space<vmem>>, vector<16xf32>,
        tpu.vector_store %arg7[%swap3A_357, %swap3A_358], %get3A_352 {strides = array<i32>} : memref<96x128xf32, #tpu.memory_space<vmem>>, vector<16xf32>,
        %mul3A_360 = arith.constant 2 : i32
        %mul3A_361 = arith.muli %mul3A_360, %scan3A_152 : i32
        %add3A_362 = arith.constant 0 : i32
        %add3A_363 = arith.addi %mul3A_361, %add3A_362 : i32
        %get3A_364 = arith.constant 6 : i32
        %get3A_365 = arith.index_cast %add3A_363 : i32 to index
        %get3A_366 = arith.index_cast %get3A_364 : i32 to index
        %get3A_367 = arith.constant 16 : index
        %get3A_368 = tpu.vector_load %arg5[%get3A_365, %get3A_366, %get3A_367] {strides = array<i32>} : memref<48x8x32xf32, #tpu.memory_space<vmem>>, vector<16xf32>,
        %mul3A_369 = arith.constant 4 : i32
        %mul3A_370 = arith.muli %mul3A_369, %scan3A_152 : i32
        %add3A_371 = arith.constant 1 : i32
        %add3A_372 = arith.addi %mul3A_370, %add3A_371 : i32
        %swap3A_373 = arith.index_cast %add3A_372 : i32 to index
        %swap3A_374 = arith.constant 80 : index
        %swap3A_375 = tpu.vector_load %arg7[%swap3A_373, %swap3A_374] {strides = array<i32>} : memref<96x128xf32, #tpu.memory_space<vmem>>, vector<16xf32>,
        tpu.vector_store %arg7[%swap3A_373, %swap3A_374], %get3A_368 {strides = array<i32>} : memref<96x128xf32, #tpu.memory_space<vmem>>, vector<16xf32>,
        %mul3A_376 = arith.constant 2 : i32
        %mul3A_377 = arith.muli %mul3A_376, %scan3A_152 : i32
        %add3A_378 = arith.constant 0 : i32
        %add3A_379 = arith.addi %mul3A_377, %add3A_378 : i32
        %get3A_380 = arith.constant 7 : i32
        %get3A_381 = arith.index_cast %add3A_379 : i32 to index
        %get3A_382 = arith.index_cast %get3A_380 : i32 to index
        %get3A_383 = arith.constant 0 : index
        %get3A_384 = tpu.vector_load %arg5[%get3A_381, %get3A_382, %get3A_383] {strides = array<i32>} : memref<48x8x32xf32, #tpu.memory_space<vmem>>, vector<16xf32>,
        %mul3A_385 = arith.constant 4 : i32
        %mul3A_386 = arith.muli %mul3A_385, %scan3A_152 : i32
        %add3A_387 = arith.constant 1 : i32
        %add3A_388 = arith.addi %mul3A_386, %add3A_387 : i32
        %swap3A_389 = arith.index_cast %add3A_388 : i32 to index
        %swap3A_390 = arith.constant 96 : index
        %swap3A_391 = tpu.vector_load %arg7[%swap3A_389, %swap3A_390] {strides = array<i32>} : memref<96x128xf32, #tpu.memory_space<vmem>>, vector<16xf32>,
        tpu.vector_store %arg7[%swap3A_389, %swap3A_390], %get3A_384 {strides = array<i32>} : memref<96x128xf32, #tpu.memory_space<vmem>>, vector<16xf32>,
        %mul3A_392 = arith.constant 2 : i32
        %mul3A_393 = arith.muli %mul3A_392, %scan3A_152 : i32
        %add3A_394 = arith.constant 0 : i32
        %add3A_395 = arith.addi %mul3A_393, %add3A_394 : i32
        %get3A_396 = arith.constant 7 : i32
        %get3A_397 = arith.index_cast %add3A_395 : i32 to index
        %get3A_398 = arith.index_cast %get3A_396 : i32 to index
        %get3A_399 = arith.constant 16 : index
        %get3A_400 = tpu.vector_load %arg5[%get3A_397, %get3A_398, %get3A_399] {strides = array<i32>} : memref<48x8x32xf32, #tpu.memory_space<vmem>>, vector<16xf32>,
        %mul3A_401 = arith.constant 4 : i32
        %mul3A_402 = arith.muli %mul3A_401, %scan3A_152 : i32
        %add3A_403 = arith.constant 1 : i32
        %add3A_404 = arith.addi %mul3A_402, %add3A_403 : i32
        %swap3A_405 = arith.index_cast %add3A_404 : i32 to index
        %swap3A_406 = arith.constant 112 : index
        %swap3A_407 = tpu.vector_load %arg7[%swap3A_405, %swap3A_406] {strides = array<i32>} : memref<96x128xf32, #tpu.memory_space<vmem>>, vector<16xf32>,
        tpu.vector_store %arg7[%swap3A_405, %swap3A_406], %get3A_400 {strides = array<i32>} : memref<96x128xf32, #tpu.memory_space<vmem>>, vector<16xf32>,
        %mul3A_408 = arith.constant 2 : i32
        %mul3A_409 = arith.muli %mul3A_408, %scan3A_152 : i32
        %add3A_410 = arith.constant 1 : i32
        %add3A_411 = arith.addi %mul3A_409, %add3A_410 : i32
        %get3A_412 = arith.constant 0 : i32
        %get3A_413 = arith.index_cast %add3A_411 : i32 to index
        %get3A_414 = arith.index_cast %get3A_412 : i32 to index
        %get3A_415 = arith.constant 0 : index
        %get3A_416 = tpu.vector_load %arg5[%get3A_413, %get3A_414, %get3A_415] {strides = array<i32>} : memref<48x8x32xf32, #tpu.memory_space<vmem>>, vector<16xf32>,
        %mul3A_417 = arith.constant 4 : i32
        %mul3A_418 = arith.muli %mul3A_417, %scan3A_152 : i32
        %add3A_419 = arith.constant 2 : i32
        %add3A_420 = arith.addi %mul3A_418, %add3A_419 : i32
        %swap3A_421 = arith.index_cast %add3A_420 : i32 to index
        %swap3A_422 = arith.constant 0 : index
        %swap3A_423 = tpu.vector_load %arg7[%swap3A_421, %swap3A_422] {strides = array<i32>} : memref<96x128xf32, #tpu.memory_space<vmem>>, vector<16xf32>,
        tpu.vector_store %arg7[%swap3A_421, %swap3A_422], %get3A_416 {strides = array<i32>} : memref<96x128xf32, #tpu.memory_space<vmem>>, vector<16xf32>,
        %mul3A_424 = arith.constant 2 : i32
        %mul3A_425 = arith.muli %mul3A_424, %scan3A_152 : i32
        %add3A_426 = arith.constant 1 : i32
        %add3A_427 = arith.addi %mul3A_425, %add3A_426 : i32
        %get3A_428 = arith.constant 0 : i32
        %get3A_429 = arith.index_cast %add3A_427 : i32 to index
        %get3A_430 = arith.index_cast %get3A_428 : i32 to index
        %get3A_431 = arith.constant 16 : index
        %get3A_432 = tpu.vector_load %arg5[%get3A_429, %get3A_430, %get3A_431] {strides = array<i32>} : memref<48x8x32xf32, #tpu.memory_space<vmem>>, vector<16xf32>,
        %mul3A_433 = arith.constant 4 : i32
        %mul3A_434 = arith.muli %mul3A_433, %scan3A_152 : i32
        %add3A_435 = arith.constant 2 : i32
        %add3A_436 = arith.addi %mul3A_434, %add3A_435 : i32
        %swap3A_437 = arith.index_cast %add3A_436 : i32 to index
        %swap3A_438 = arith.constant 16 : index
        %swap3A_439 = tpu.vector_load %arg7[%swap3A_437, %swap3A_438] {strides = array<i32>} : memref<96x128xf32, #tpu.memory_space<vmem>>, vector<16xf32>,
        tpu.vector_store %arg7[%swap3A_437, %swap3A_438], %get3A_432 {strides = array<i32>} : memref<96x128xf32, #tpu.memory_space<vmem>>, vector<16xf32>,
        %mul3A_440 = arith.constant 2 : i32
        %mul3A_441 = arith.muli %mul3A_440, %scan3A_152 : i32
        %add3A_442 = arith.constant 1 : i32
        %add3A_443 = arith.addi %mul3A_441, %add3A_442 : i32
        %get3A_444 = arith.constant 1 : i32
        %get3A_445 = arith.index_cast %add3A_443 : i32 to index
        %get3A_446 = arith.index_cast %get3A_444 : i32 to index
        %get3A_447 = arith.constant 0 : index
        %get3A_448 = tpu.vector_load %arg5[%get3A_445, %get3A_446, %get3A_447] {strides = array<i32>} : memref<48x8x32xf32, #tpu.memory_space<vmem>>, vector<16xf32>,
        %mul3A_449 = arith.constant 4 : i32
        %mul3A_450 = arith.muli %mul3A_449, %scan3A_152 : i32
        %add3A_451 = arith.constant 2 : i32
        %add3A_452 = arith.addi %mul3A_450, %add3A_451 : i32
        %swap3A_453 = arith.index_cast %add3A_452 : i32 to index
        %swap3A_454 = arith.constant 32 : index
        %swap3A_455 = tpu.vector_load %arg7[%swap3A_453, %swap3A_454] {strides = array<i32>} : memref<96x128xf32, #tpu.memory_space<vmem>>, vector<16xf32>,
        tpu.vector_store %arg7[%swap3A_453, %swap3A_454], %get3A_448 {strides = array<i32>} : memref<96x128xf32, #tpu.memory_space<vmem>>, vector<16xf32>,
        %mul3A_456 = arith.constant 2 : i32
        %mul3A_457 = arith.muli %mul3A_456, %scan3A_152 : i32
        %add3A_458 = arith.constant 1 : i32
        %add3A_459 = arith.addi %mul3A_457, %add3A_458 : i32
        %get3A_460 = arith.constant 1 : i32
        %get3A_461 = arith.index_cast %add3A_459 : i32 to index
        %get3A_462 = arith.index_cast %get3A_460 : i32 to index
        %get3A_463 = arith.constant 16 : index
        %get3A_464 = tpu.vector_load %arg5[%get3A_461, %get3A_462, %get3A_463] {strides = array<i32>} : memref<48x8x32xf32, #tpu.memory_space<vmem>>, vector<16xf32>,
        %mul3A_465 = arith.constant 4 : i32
        %mul3A_466 = arith.muli %mul3A_465, %scan3A_152 : i32
        %add3A_467 = arith.constant 2 : i32
        %add3A_468 = arith.addi %mul3A_466, %add3A_467 : i32
        %swap3A_469 = arith.index_cast %add3A_468 : i32 to index
        %swap3A_470 = arith.constant 48 : index
        %swap3A_471 = tpu.vector_load %arg7[%swap3A_469, %swap3A_470] {strides = array<i32>} : memref<96x128xf32, #tpu.memory_space<vmem>>, vector<16xf32>,
        tpu.vector_store %arg7[%swap3A_469, %swap3A_470], %get3A_464 {strides = array<i32>} : memref<96x128xf32, #tpu.memory_space<vmem>>, vector<16xf32>,
        %mul3A_472 = arith.constant 2 : i32
        %mul3A_473 = arith.muli %mul3A_472, %scan3A_152 : i32
        %add3A_474 = arith.constant 1 : i32
        %add3A_475 = arith.addi %mul3A_473, %add3A_474 : i32
        %get3A_476 = arith.constant 2 : i32
        %get3A_477 = arith.index_cast %add3A_475 : i32 to index
        %get3A_478 = arith.index_cast %get3A_476 : i32 to index
        %get3A_479 = arith.constant 0 : index
        %get3A_480 = tpu.vector_load %arg5[%get3A_477, %get3A_478, %get3A_479] {strides = array<i32>} : memref<48x8x32xf32, #tpu.memory_space<vmem>>, vector<16xf32>,
        %mul3A_481 = arith.constant 4 : i32
        %mul3A_482 = arith.muli %mul3A_481, %scan3A_152 : i32
        %add3A_483 = arith.constant 2 : i32
        %add3A_484 = arith.addi %mul3A_482, %add3A_483 : i32
        %swap3A_485 = arith.index_cast %add3A_484 : i32 to index
        %swap3A_486 = arith.constant 64 : index
        %swap3A_487 = tpu.vector_load %arg7[%swap3A_485, %swap3A_486] {strides = array<i32>} : memref<96x128xf32, #tpu.memory_space<vmem>>, vector<16xf32>,
        tpu.vector_store %arg7[%swap3A_485, %swap3A_486], %get3A_480 {strides = array<i32>} : memref<96x128xf32, #tpu.memory_space<vmem>>, vector<16xf32>,
        %mul3A_488 = arith.constant 2 : i32
        %mul3A_489 = arith.muli %mul3A_488, %scan3A_152 : i32
        %add3A_490 = arith.constant 1 : i32
        %add3A_491 = arith.addi %mul3A_489, %add3A_490 : i32
        %get3A_492 = arith.constant 2 : i32
        %get3A_493 = arith.index_cast %add3A_491 : i32 to index
        %get3A_494 = arith.index_cast %get3A_492 : i32 to index
        %get3A_495 = arith.constant 16 : index
        %get3A_496 = tpu.vector_load %arg5[%get3A_493, %get3A_494, %get3A_495] {strides = array<i32>} : memref<48x8x32xf32, #tpu.memory_space<vmem>>, vector<16xf32>,
        %mul3A_497 = arith.constant 4 : i32
        %mul3A_498 = arith.muli %mul3A_497, %scan3A_152 : i32
        %add3A_499 = arith.constant 2 : i32
        %add3A_500 = arith.addi %mul3A_498, %add3A_499 : i32
        %swap3A_501 = arith.index_cast %add3A_500 : i32 to index
        %swap3A_502 = arith.constant 80 : index
        %swap3A_503 = tpu.vector_load %arg7[%swap3A_501, %swap3A_502] {strides = array<i32>} : memref<96x128xf32, #tpu.memory_space<vmem>>, vector<16xf32>,
        tpu.vector_store %arg7[%swap3A_501, %swap3A_502], %get3A_496 {strides = array<i32>} : memref<96x128xf32, #tpu.memory_space<vmem>>, vector<16xf32>,
        %mul3A_504 = arith.constant 2 : i32
        %mul3A_505 = arith.muli %mul3A_504, %scan3A_152 : i32
        %add3A_506 = arith.constant 1 : i32
        %add3A_507 = arith.addi %mul3A_505, %add3A_506 : i32
        %get3A_508 = arith.constant 3 : i32
        %get3A_509 = arith.index_cast %add3A_507 : i32 to index
        %get3A_510 = arith.index_cast %get3A_508 : i32 to index
        %get3A_511 = arith.constant 0 : index
        %get3A_512 = tpu.vector_load %arg5[%get3A_509, %get3A_510, %get3A_511] {strides = array<i32>} : memref<48x8x32xf32, #tpu.memory_space<vmem>>, vector<16xf32>,
        %mul3A_513 = arith.constant 4 : i32
        %mul3A_514 = arith.muli %mul3A_513, %scan3A_152 : i32
        %add3A_515 = arith.constant 2 : i32
        %add3A_516 = arith.addi %mul3A_514, %add3A_515 : i32
        %swap3A_517 = arith.index_cast %add3A_516 : i32 to index
        %swap3A_518 = arith.constant 96 : index
        %swap3A_519 = tpu.vector_load %arg7[%swap3A_517, %swap3A_518] {strides = array<i32>} : memref<96x128xf32, #tpu.memory_space<vmem>>, vector<16xf32>,
        tpu.vector_store %arg7[%swap3A_517, %swap3A_518], %get3A_512 {strides = array<i32>} : memref<96x128xf32, #tpu.memory_space<vmem>>, vector<16xf32>,
        %mul3A_520 = arith.constant 2 : i32
        %mul3A_521 = arith.muli %mul3A_520, %scan3A_152 : i32
        %add3A_522 = arith.constant 1 : i32
        %add3A_523 = arith.addi %mul3A_521, %add3A_522 : i32
        %get3A_524 = arith.constant 3 : i32
        %get3A_525 = arith.index_cast %add3A_523 : i32 to index
        %get3A_526 = arith.index_cast %get3A_524 : i32 to index
        %get3A_527 = arith.constant 16 : index
        %get3A_528 = tpu.vector_load %arg5[%get3A_525, %get3A_526, %get3A_527] {strides = array<i32>} : memref<48x8x32xf32, #tpu.memory_space<vmem>>, vector<16xf32>,
        %mul3A_529 = arith.constant 4 : i32
        %mul3A_530 = arith.muli %mul3A_529, %scan3A_152 : i32
        %add3A_531 = arith.constant 2 : i32
        %add3A_532 = arith.addi %mul3A_530, %add3A_531 : i32
        %swap3A_533 = arith.index_cast %add3A_532 : i32 to index
        %swap3A_534 = arith.constant 112 : index
        %swap3A_535 = tpu.vector_load %arg7[%swap3A_533, %swap3A_534] {strides = array<i32>} : memref<96x128xf32, #tpu.memory_space<vmem>>, vector<16xf32>,
        tpu.vector_store %arg7[%swap3A_533, %swap3A_534], %get3A_528 {strides = array<i32>} : memref<96x128xf32, #tpu.memory_space<vmem>>, vector<16xf32>,
        %mul3A_536 = arith.constant 2 : i32
        %mul3A_537 = arith.muli %mul3A_536, %scan3A_152 : i32
        %add3A_538 = arith.constant 1 : i32
        %add3A_539 = arith.addi %mul3A_537, %add3A_538 : i32
        %get3A_540 = arith.constant 4 : i32
        %get3A_541 = arith.index_cast %add3A_539 : i32 to index
        %get3A_542 = arith.index_cast %get3A_540 : i32 to index
        %get3A_543 = arith.constant 0 : index
        %get3A_544 = tpu.vector_load %arg5[%get3A_541, %get3A_542, %get3A_543] {strides = array<i32>} : memref<48x8x32xf32, #tpu.memory_space<vmem>>, vector<16xf32>,
        %mul3A_545 = arith.constant 4 : i32
        %mul3A_546 = arith.muli %mul3A_545, %scan3A_152 : i32
        %add3A_547 = arith.constant 3 : i32
        %add3A_548 = arith.addi %mul3A_546, %add3A_547 : i32
        %swap3A_549 = arith.index_cast %add3A_548 : i32 to index
        %swap3A_550 = arith.constant 0 : index
        %swap3A_551 = tpu.vector_load %arg7[%swap3A_549, %swap3A_550] {strides = array<i32>} : memref<96x128xf32, #tpu.memory_space<vmem>>, vector<16xf32>,
        tpu.vector_store %arg7[%swap3A_549, %swap3A_550], %get3A_544 {strides = array<i32>} : memref<96x128xf32, #tpu.memory_space<vmem>>, vector<16xf32>,
        %mul3A_552 = arith.constant 2 : i32
        %mul3A_553 = arith.muli %mul3A_552, %scan3A_152 : i32
        %add3A_554 = arith.constant 1 : i32
        %add3A_555 = arith.addi %mul3A_553, %add3A_554 : i32
        %get3A_556 = arith.constant 4 : i32
        %get3A_557 = arith.index_cast %add3A_555 : i32 to index
        %get3A_558 = arith.index_cast %get3A_556 : i32 to index
        %get3A_559 = arith.constant 16 : index
        %get3A_560 = tpu.vector_load %arg5[%get3A_557, %get3A_558, %get3A_559] {strides = array<i32>} : memref<48x8x32xf32, #tpu.memory_space<vmem>>, vector<16xf32>,
        %mul3A_561 = arith.constant 4 : i32
        %mul3A_562 = arith.muli %mul3A_561, %scan3A_152 : i32
        %add3A_563 = arith.constant 3 : i32
        %add3A_564 = arith.addi %mul3A_562, %add3A_563 : i32
        %swap3A_565 = arith.index_cast %add3A_564 : i32 to index
        %swap3A_566 = arith.constant 16 : index
        %swap3A_567 = tpu.vector_load %arg7[%swap3A_565, %swap3A_566] {strides = array<i32>} : memref<96x128xf32, #tpu.memory_space<vmem>>, vector<16xf32>,
        tpu.vector_store %arg7[%swap3A_565, %swap3A_566], %get3A_560 {strides = array<i32>} : memref<96x128xf32, #tpu.memory_space<vmem>>, vector<16xf32>,
        %mul3A_568 = arith.constant 2 : i32
        %mul3A_569 = arith.muli %mul3A_568, %scan3A_152 : i32
        %add3A_570 = arith.constant 1 : i32
        %add3A_571 = arith.addi %mul3A_569, %add3A_570 : i32
        %get3A_572 = arith.constant 5 : i32
        %get3A_573 = arith.index_cast %add3A_571 : i32 to index
        %get3A_574 = arith.index_cast %get3A_572 : i32 to index
        %get3A_575 = arith.constant 0 : index
        %get3A_576 = tpu.vector_load %arg5[%get3A_573, %get3A_574, %get3A_575] {strides = array<i32>} : memref<48x8x32xf32, #tpu.memory_space<vmem>>, vector<16xf32>,
        %mul3A_577 = arith.constant 4 : i32
        %mul3A_578 = arith.muli %mul3A_577, %scan3A_152 : i32
        %add3A_579 = arith.constant 3 : i32
        %add3A_580 = arith.addi %mul3A_578, %add3A_579 : i32
        %swap3A_581 = arith.index_cast %add3A_580 : i32 to index
        %swap3A_582 = arith.constant 32 : index
        %swap3A_583 = tpu.vector_load %arg7[%swap3A_581, %swap3A_582] {strides = array<i32>} : memref<96x128xf32, #tpu.memory_space<vmem>>, vector<16xf32>,
        tpu.vector_store %arg7[%swap3A_581, %swap3A_582], %get3A_576 {strides = array<i32>} : memref<96x128xf32, #tpu.memory_space<vmem>>, vector<16xf32>,
        %mul3A_584 = arith.constant 2 : i32
        %mul3A_585 = arith.muli %mul3A_584, %scan3A_152 : i32
        %add3A_586 = arith.constant 1 : i32
        %add3A_587 = arith.addi %mul3A_585, %add3A_586 : i32
        %get3A_588 = arith.constant 5 : i32
        %get3A_589 = arith.index_cast %add3A_587 : i32 to index
        %get3A_590 = arith.index_cast %get3A_588 : i32 to index
        %get3A_591 = arith.constant 16 : index
        %get3A_592 = tpu.vector_load %arg5[%get3A_589, %get3A_590, %get3A_591] {strides = array<i32>} : memref<48x8x32xf32, #tpu.memory_space<vmem>>, vector<16xf32>,
        %mul3A_593 = arith.constant 4 : i32
        %mul3A_594 = arith.muli %mul3A_593, %scan3A_152 : i32
        %add3A_595 = arith.constant 3 : i32
        %add3A_596 = arith.addi %mul3A_594, %add3A_595 : i32
        %swap3A_597 = arith.index_cast %add3A_596 : i32 to index
        %swap3A_598 = arith.constant 48 : index
        %swap3A_599 = tpu.vector_load %arg7[%swap3A_597, %swap3A_598] {strides = array<i32>} : memref<96x128xf32, #tpu.memory_space<vmem>>, vector<16xf32>,
        tpu.vector_store %arg7[%swap3A_597, %swap3A_598], %get3A_592 {strides = array<i32>} : memref<96x128xf32, #tpu.memory_space<vmem>>, vector<16xf32>,
        %mul3A_600 = arith.constant 2 : i32
        %mul3A_601 = arith.muli %mul3A_600, %scan3A_152 : i32
        %add3A_602 = arith.constant 1 : i32
        %add3A_603 = arith.addi %mul3A_601, %add3A_602 : i32
        %get3A_604 = arith.constant 6 : i32
        %get3A_605 = arith.index_cast %add3A_603 : i32 to index
        %get3A_606 = arith.index_cast %get3A_604 : i32 to index
        %get3A_607 = arith.constant 0 : index
        %get3A_608 = tpu.vector_load %arg5[%get3A_605, %get3A_606, %get3A_607] {strides = array<i32>} : memref<48x8x32xf32, #tpu.memory_space<vmem>>, vector<16xf32>,
        %mul3A_609 = arith.constant 4 : i32
        %mul3A_610 = arith.muli %mul3A_609, %scan3A_152 : i32
        %add3A_611 = arith.constant 3 : i32
        %add3A_612 = arith.addi %mul3A_610, %add3A_611 : i32
        %swap3A_613 = arith.index_cast %add3A_612 : i32 to index
        %swap3A_614 = arith.constant 64 : index
        %swap3A_615 = tpu.vector_load %arg7[%swap3A_613, %swap3A_614] {strides = array<i32>} : memref<96x128xf32, #tpu.memory_space<vmem>>, vector<16xf32>,
        tpu.vector_store %arg7[%swap3A_613, %swap3A_614], %get3A_608 {strides = array<i32>} : memref<96x128xf32, #tpu.memory_space<vmem>>, vector<16xf32>,
        %mul3A_616 = arith.constant 2 : i32
        %mul3A_617 = arith.muli %mul3A_616, %scan3A_152 : i32
        %add3A_618 = arith.constant 1 : i32
        %add3A_619 = arith.addi %mul3A_617, %add3A_618 : i32
        %get3A_620 = arith.constant 6 : i32
        %get3A_621 = arith.index_cast %add3A_619 : i32 to index
        %get3A_622 = arith.index_cast %get3A_620 : i32 to index
        %get3A_623 = arith.constant 16 : index
        %get3A_624 = tpu.vector_load %arg5[%get3A_621, %get3A_622, %get3A_623] {strides = array<i32>} : memref<48x8x32xf32, #tpu.memory_space<vmem>>, vector<16xf32>,
        %mul3A_625 = arith.constant 4 : i32
        %mul3A_626 = arith.muli %mul3A_625, %scan3A_152 : i32
        %add3A_627 = arith.constant 3 : i32
        %add3A_628 = arith.addi %mul3A_626, %add3A_627 : i32
        %swap3A_629 = arith.index_cast %add3A_628 : i32 to index
        %swap3A_630 = arith.constant 80 : index
        %swap3A_631 = tpu.vector_load %arg7[%swap3A_629, %swap3A_630] {strides = array<i32>} : memref<96x128xf32, #tpu.memory_space<vmem>>, vector<16xf32>,
        tpu.vector_store %arg7[%swap3A_629, %swap3A_630], %get3A_624 {strides = array<i32>} : memref<96x128xf32, #tpu.memory_space<vmem>>, vector<16xf32>,
        %mul3A_632 = arith.constant 2 : i32
        %mul3A_633 = arith.muli %mul3A_632, %scan3A_152 : i32
        %add3A_634 = arith.constant 1 : i32
        %add3A_635 = arith.addi %mul3A_633, %add3A_634 : i32
        %get3A_636 = arith.constant 7 : i32
        %get3A_637 = arith.index_cast %add3A_635 : i32 to index
        %get3A_638 = arith.index_cast %get3A_636 : i32 to index
        %get3A_639 = arith.constant 0 : index
        %get3A_640 = tpu.vector_load %arg5[%get3A_637, %get3A_638, %get3A_639] {strides = array<i32>} : memref<48x8x32xf32, #tpu.memory_space<vmem>>, vector<16xf32>,
        %mul3A_641 = arith.constant 4 : i32
        %mul3A_642 = arith.muli %mul3A_641, %scan3A_152 : i32
        %add3A_643 = arith.constant 3 : i32
        %add3A_644 = arith.addi %mul3A_642, %add3A_643 : i32
        %swap3A_645 = arith.index_cast %add3A_644 : i32 to index
        %swap3A_646 = arith.constant 96 : index
        %swap3A_647 = tpu.vector_load %arg7[%swap3A_645, %swap3A_646] {strides = array<i32>} : memref<96x128xf32, #tpu.memory_space<vmem>>, vector<16xf32>,
        tpu.vector_store %arg7[%swap3A_645, %swap3A_646], %get3A_640 {strides = array<i32>} : memref<96x128xf32, #tpu.memory_space<vmem>>, vector<16xf32>,
        %mul3A_648 = arith.constant 2 : i32
        %mul3A_649 = arith.muli %mul3A_648, %scan3A_152 : i32
        %add3A_650 = arith.constant 1 : i32
        %add3A_651 = arith.addi %mul3A_649, %add3A_650 : i32
        %get3A_652 = arith.constant 7 : i32
        %get3A_653 = arith.index_cast %add3A_651 : i32 to index
        %get3A_654 = arith.index_cast %get3A_652 : i32 to index
        %get3A_655 = arith.constant 16 : index
        %get3A_656 = tpu.vector_load %arg5[%get3A_653, %get3A_654, %get3A_655] {strides = array<i32>} : memref<48x8x32xf32, #tpu.memory_space<vmem>>, vector<16xf32>,
        %mul3A_657 = arith.constant 4 : i32
        %mul3A_658 = arith.muli %mul3A_657, %scan3A_152 : i32
        %add3A_659 = arith.constant 3 : i32
        %add3A_660 = arith.addi %mul3A_658, %add3A_659 : i32
        %swap3A_661 = arith.index_cast %add3A_660 : i32 to index
        %swap3A_662 = arith.constant 112 : index
        %swap3A_663 = tpu.vector_load %arg7[%swap3A_661, %swap3A_662] {strides = array<i32>} : memref<96x128xf32, #tpu.memory_space<vmem>>, vector<16xf32>,
        tpu.vector_store %arg7[%swap3A_661, %swap3A_662], %get3A_656 {strides = array<i32>} : memref<96x128xf32, #tpu.memory_space<vmem>>, vector<16xf32>,
        %scan3A_664 = arith.constant 0 : i32
        scf.yield %scan3A_664 : i32
      }
      %scan3A_129 = arith.constant 24 : i32
      %add3A_130 = arith.constant 2 : i32
      %add3A_131 = arith.addi %add3A_103, %add3A_130 : i32
      %lt3A_132 = arith.constant 212 : i32
      %lt3A_133 = arith.cmpi slt, %add3A_131, %lt3A_132 : i32
      %convert_element_type3A_134 = arith.extui %lt3A_133 : i1 to i32
      %cond3A_135 = arith.constant 0 : i32
      %cond3A_136 = arith.cmpi ne, %convert_element_type3A_134, %cond3A_135 : i32
      scf.if %cond3A_136 {
        %add3A_152 = arith.constant 2 : i32
        %add3A_153 = arith.addi %add3A_103, %add3A_152 : i32
        %mul3A_154 = arith.constant 12 : i32
        %mul3A_155 = arith.muli %add3A_153, %mul3A_154 : i32
        %sub3A_156 = arith.constant 12 : i32
        %sub3A_157 = arith.subi %add3A_4, %sub3A_156 : i32
        %min3A_158 = arith.minsi %mul3A_155, %sub3A_157 : i32
        %add3A_159 = arith.addi %add3A_8, %min3A_158 : i32
        %mul3A_160 = arith.constant 4 : i32
        %mul3A_161 = arith.muli %mul3A_160, %add3A_159 : i32
        %dma_start3A_162 = arith.constant 0 : i32
        %dma_start3A_163 = arith.constant 0 : i32
        %dma_start3A_164 = tpu.memref_slice %arg2[%mul3A_161, %dma_start3A_162, %dma_start3A_163] : memref<325000x8x32xf32, #tpu.memory_space<hbm>> -> memref<48x8x32xf32, #tpu.memory_space<hbm>>
        %dma_start3A_165 = arith.constant 0 : i32
        %dma_start3A_166 = arith.constant 0 : i32
        %dma_start3A_167 = tpu.memref_slice %arg2[%mul3A_161, %dma_start3A_165, %dma_start3A_166] : memref<325000x8x32xf32, #tpu.memory_space<hbm>> -> memref<48x8x32xf32, #tpu.memory_space<hbm>>
        tpu.enqueue_dma source(%dma_start3A_167 : memref<48x8x32xf32, #tpu.memory_space<hbm>>) target(%arg5 : memref<48x8x32xf32, #tpu.memory_space<vmem>>) target_semaphore(%arg9 : memref<!tpu.dma_semaphore, #tpu.memory_space<semaphore_mem>>)
      } else {
      }
      %mul3A_137 = arith.constant 12 : i32
      %mul3A_138 = arith.muli %add3A_103, %mul3A_137 : i32
      %sub3A_139 = arith.constant 12 : i32
      %sub3A_140 = arith.subi %add3A_4, %sub3A_139 : i32
      %min3A_141 = arith.minsi %mul3A_138, %sub3A_140 : i32
      %add3A_142 = arith.addi %add3A_8, %min3A_141 : i32
      %mul3A_143 = arith.constant 4 : i32
      %mul3A_144 = arith.muli %mul3A_143, %add3A_142 : i32
      %mul3A_145 = arith.constant 2 : i32
      %mul3A_146 = arith.muli %mul3A_145, %mul3A_144 : i32
      %dma_start3A_147 = arith.constant 0 : i32
      %dma_start3A_148 = tpu.memref_slice %arg3[%mul3A_146, %dma_start3A_147] : memref<650000x128xf32, #tpu.memory_space<hbm>> -> memref<96x128xf32, #tpu.memory_space<hbm>>
      %dma_start3A_149 = arith.constant 0 : i32
      %dma_start3A_150 = tpu.memref_slice %arg3[%mul3A_146, %dma_start3A_149] : memref<650000x128xf32, #tpu.memory_space<hbm>> -> memref<96x128xf32, #tpu.memory_space<hbm>>
      tpu.enqueue_dma source(%arg7 : memref<96x128xf32, #tpu.memory_space<vmem>>) target(%dma_start3A_150 : memref<96x128xf32, #tpu.memory_space<hbm>>) target_semaphore(%arg11 : memref<!tpu.dma_semaphore, #tpu.memory_space<semaphore_mem>>)
      %scan3A_151 = arith.constant 0 : i32
      scf.yield %scan3A_151 : i32
    }
    %scan3A_38 = arith.constant 106 : i32
    %dma_wait3A = arith.constant 0 : i32
    %dma_wait3A_39 = arith.constant 0 : i32
    %dma_wait3A_40 = tpu.memref_slice %arg3[%dma_wait3A, %dma_wait3A_39] : memref<650000x128xf32, #tpu.memory_space<hbm>> -> memref<96x128xf32, #tpu.memory_space<hbm>>
    %dma_wait3A_41 = arith.constant 0 : i32
    %dma_wait3A_42 = arith.constant 0 : i32
    %dma_wait3A_43 = tpu.memref_slice %arg3[%dma_wait3A_41, %dma_wait3A_42] : memref<650000x128xf32, #tpu.memory_space<hbm>> -> memref<96x128xf32, #tpu.memory_space<hbm>>
    tpu.wait_dma2 semaphore(%arg10 : memref<!tpu.dma_semaphore, #tpu.memory_space<semaphore_mem>>) src(%arg6 : memref<96x128xf32, #tpu.memory_space<vmem>>) dst(%dma_wait3A_43 : memref<96x128xf32, #tpu.memory_space<hbm>>)
    %dma_wait3A_44 = arith.constant 0 : i32
    %dma_wait3A_45 = arith.constant 0 : i32
    %dma_wait3A_46 = tpu.memref_slice %arg3[%dma_wait3A_44, %dma_wait3A_45] : memref<650000x128xf32, #tpu.memory_space<hbm>> -> memref<96x128xf32, #tpu.memory_space<hbm>>
    %dma_wait3A_47 = arith.constant 0 : i32
    %dma_wait3A_48 = arith.constant 0 : i32
    %dma_wait3A_49 = tpu.memref_slice %arg3[%dma_wait3A_47, %dma_wait3A_48] : memref<650000x128xf32, #tpu.memory_space<hbm>> -> memref<96x128xf32, #tpu.memory_space<hbm>>
    tpu.wait_dma2 semaphore(%arg11 : memref<!tpu.dma_semaphore, #tpu.memory_space<semaphore_mem>>) src(%arg7 : memref<96x128xf32, #tpu.memory_space<vmem>>) dst(%dma_wait3A_49 : memref<96x128xf32, #tpu.memory_space<hbm>>)
    return
  }
}

#map = affine_map<(d0, d1) -> (0, 0)>
module attributes {stable_mosaic.version = 14 : i64} {
  func.func @_p2_body(%arg0: i32, %arg1: i32, %arg2: memref<3328x128xi32, #tpu.memory_space<hbm>>, %arg3: memref<2600000x32xf32, #tpu.memory_space<hbm>>, %arg4: memref<425984x32xf32, #tpu.memory_space<hbm>>, %arg5: memref<104x128xi32, #tpu.memory_space<vmem>>, %arg6: memref<2x512x32xf32, #tpu.memory_space<vmem>>, %arg7: memref<!tpu.dma_semaphore, #tpu.memory_space<semaphore_mem>>, %arg8: memref<!tpu.dma_semaphore, #tpu.memory_space<semaphore_mem>>) attributes {dimension_semantics = [#tpu.dimension_semantics<core_parallel>, #tpu.dimension_semantics<subcore_parallel>], iteration_bounds = array<i64: 2, 16>, scalar_prefetch = 0 : i64, scratch_operands = 4 : i64, tpu.core_type = #tpu.core_type<sc_vector_subcore>, window_params = [{transform_indices = #map}, {transform_indices = #map}, {transform_indices = #map}]} {
    %mul3A = arith.constant 2 : i32
    %mul3A_0 = arith.muli %arg1, %mul3A : i32
    %add3A = arith.addi %mul3A_0, %arg0 : i32
    %mul3A_1 = arith.constant 104 : i32
    %mul3A_2 = arith.muli %add3A, %mul3A_1 : i32
    %mul3A_3 = arith.constant 13312 : i32
    %mul3A_4 = arith.muli %add3A, %mul3A_3 : i32
    "tpu.region"() ({
      %run_scoped3A = tpu.sem_alloc : memref<!tpu.dma_semaphore, #tpu.memory_space<semaphore_mem>>
      %dma_start3A_77 = arith.constant 0 : i32
      %dma_start3A_78 = tpu.memref_slice %arg2[%mul3A_2, %dma_start3A_77] : memref<3328x128xi32, #tpu.memory_space<hbm>> -> memref<104x128xi32, #tpu.memory_space<hbm>>
      %dma_start3A_79 = arith.constant 0 : i32
      %dma_start3A_80 = tpu.memref_slice %arg2[%mul3A_2, %dma_start3A_79] : memref<3328x128xi32, #tpu.memory_space<hbm>> -> memref<104x128xi32, #tpu.memory_space<hbm>>
      tpu.enqueue_dma source(%dma_start3A_80 : memref<104x128xi32, #tpu.memory_space<hbm>>) target(%arg5 : memref<104x128xi32, #tpu.memory_space<vmem>>) target_semaphore(%run_scoped3A : memref<!tpu.dma_semaphore, #tpu.memory_space<semaphore_mem>>)
      %dma_wait3A_81 = arith.constant 0 : i32
      %dma_wait3A_82 = tpu.memref_slice %arg2[%mul3A_2, %dma_wait3A_81] : memref<3328x128xi32, #tpu.memory_space<hbm>> -> memref<104x128xi32, #tpu.memory_space<hbm>>
      %dma_wait3A_83 = arith.constant 0 : i32
      %dma_wait3A_84 = tpu.memref_slice %arg2[%mul3A_2, %dma_wait3A_83] : memref<3328x128xi32, #tpu.memory_space<hbm>> -> memref<104x128xi32, #tpu.memory_space<hbm>>
      tpu.wait_dma2 semaphore(%run_scoped3A : memref<!tpu.dma_semaphore, #tpu.memory_space<semaphore_mem>>) src(%dma_wait3A_84 : memref<104x128xi32, #tpu.memory_space<hbm>>) dst(%arg5 : memref<104x128xi32, #tpu.memory_space<vmem>>)
      tpu.yield
    }) : () -> ()
    %iota3A = tpu.iota {dimensions = array<i32: 0>} : vector<16xi32>
    %scan3A = arith.constant 0 : i32
    %scan3A_5 = arith.constant 0 : i32
    %scan3A_6 = arith.constant 104 : i32
    %scan3A_7 = arith.addi %scan3A_5, %scan3A_6 : i32
    %scan3A_8 = arith.constant 1 : i32
    %scan3A_9 = scf.for %scan3A_77 = %scan3A_5 to %scan3A_7 step %scan3A_8 iter_args(%scan3A_78 = %scan3A) -> (i32)  : i32 {
      %mul3A_79 = arith.constant 128 : i32
      %mul3A_80 = arith.muli %scan3A_77, %mul3A_79 : i32
      %add3A_81 = arith.constant 0 : i32
      %add3A_82 = arith.addi %mul3A_80, %add3A_81 : i32
      %add3A_83 = vector.broadcast %add3A_82 : i32 to vector<16xi32>
      %add3A_84 = arith.addi %add3A_83, %iota3A : vector<16xi32>
      %rem3A = arith.constant 26 : i32
      %rem3A_85 = vector.broadcast %rem3A : i32 to vector<16xi32>
      %rem3A_86 = arith.remsi %add3A_84, %rem3A_85 : vector<16xi32>
      %get3A = arith.index_cast %scan3A_77 : i32 to index
      %get3A_87 = arith.constant 0 : index
      %get3A_88 = tpu.vector_load %arg5[%get3A, %get3A_87] {strides = array<i32>} : memref<104x128xi32, #tpu.memory_space<vmem>>, vector<1x16xi32>,
      %get3A_89 = vector.shape_cast %get3A_88 : vector<1x16xi32> to vector<16xi32>
      %mul3A_90 = arith.constant 100000 : i32
      %mul3A_91 = vector.broadcast %mul3A_90 : i32 to vector<16xi32>
      %mul3A_92 = arith.muli %rem3A_86, %mul3A_91 : vector<16xi32>
      %add3A_93 = arith.addi %get3A_89, %mul3A_92 : vector<16xi32>
      %swap3A = arith.index_cast %scan3A_77 : i32 to index
      %swap3A_94 = arith.constant 0 : index
      %swap3A_95 = tpu.vector_load %arg5[%swap3A, %swap3A_94] {strides = array<i32>} : memref<104x128xi32, #tpu.memory_space<vmem>>, vector<1x16xi32>,
      %swap3A_96 = vector.shape_cast %swap3A_95 : vector<1x16xi32> to vector<16xi32>
      %swap3A_97 = vector.shape_cast %add3A_93 : vector<16xi32> to vector<1x16xi32>
      tpu.vector_store %arg5[%swap3A, %swap3A_94], %swap3A_97 {strides = array<i32>} : memref<104x128xi32, #tpu.memory_space<vmem>>, vector<1x16xi32>,
      %mul3A_98 = arith.constant 128 : i32
      %mul3A_99 = arith.muli %scan3A_77, %mul3A_98 : i32
      %add3A_100 = arith.constant 16 : i32
      %add3A_101 = arith.addi %mul3A_99, %add3A_100 : i32
      %add3A_102 = vector.broadcast %add3A_101 : i32 to vector<16xi32>
      %add3A_103 = arith.addi %add3A_102, %iota3A : vector<16xi32>
      %rem3A_104 = arith.constant 26 : i32
      %rem3A_105 = vector.broadcast %rem3A_104 : i32 to vector<16xi32>
      %rem3A_106 = arith.remsi %add3A_103, %rem3A_105 : vector<16xi32>
      %get3A_107 = arith.index_cast %scan3A_77 : i32 to index
      %get3A_108 = arith.constant 16 : index
      %get3A_109 = tpu.vector_load %arg5[%get3A_107, %get3A_108] {strides = array<i32>} : memref<104x128xi32, #tpu.memory_space<vmem>>, vector<1x16xi32>,
      %get3A_110 = vector.shape_cast %get3A_109 : vector<1x16xi32> to vector<16xi32>
      %mul3A_111 = arith.constant 100000 : i32
      %mul3A_112 = vector.broadcast %mul3A_111 : i32 to vector<16xi32>
      %mul3A_113 = arith.muli %rem3A_106, %mul3A_112 : vector<16xi32>
      %add3A_114 = arith.addi %get3A_110, %mul3A_113 : vector<16xi32>
      %swap3A_115 = arith.index_cast %scan3A_77 : i32 to index
      %swap3A_116 = arith.constant 16 : index
      %swap3A_117 = tpu.vector_load %arg5[%swap3A_115, %swap3A_116] {strides = array<i32>} : memref<104x128xi32, #tpu.memory_space<vmem>>, vector<1x16xi32>,
      %swap3A_118 = vector.shape_cast %swap3A_117 : vector<1x16xi32> to vector<16xi32>
      %swap3A_119 = vector.shape_cast %add3A_114 : vector<16xi32> to vector<1x16xi32>
      tpu.vector_store %arg5[%swap3A_115, %swap3A_116], %swap3A_119 {strides = array<i32>} : memref<104x128xi32, #tpu.memory_space<vmem>>, vector<1x16xi32>,
      %mul3A_120 = arith.constant 128 : i32
      %mul3A_121 = arith.muli %scan3A_77, %mul3A_120 : i32
      %add3A_122 = arith.constant 32 : i32
      %add3A_123 = arith.addi %mul3A_121, %add3A_122 : i32
      %add3A_124 = vector.broadcast %add3A_123 : i32 to vector<16xi32>
      %add3A_125 = arith.addi %add3A_124, %iota3A : vector<16xi32>
      %rem3A_126 = arith.constant 26 : i32
      %rem3A_127 = vector.broadcast %rem3A_126 : i32 to vector<16xi32>
      %rem3A_128 = arith.remsi %add3A_125, %rem3A_127 : vector<16xi32>
      %get3A_129 = arith.index_cast %scan3A_77 : i32 to index
      %get3A_130 = arith.constant 32 : index
      %get3A_131 = tpu.vector_load %arg5[%get3A_129, %get3A_130] {strides = array<i32>} : memref<104x128xi32, #tpu.memory_space<vmem>>, vector<1x16xi32>,
      %get3A_132 = vector.shape_cast %get3A_131 : vector<1x16xi32> to vector<16xi32>
      %mul3A_133 = arith.constant 100000 : i32
      %mul3A_134 = vector.broadcast %mul3A_133 : i32 to vector<16xi32>
      %mul3A_135 = arith.muli %rem3A_128, %mul3A_134 : vector<16xi32>
      %add3A_136 = arith.addi %get3A_132, %mul3A_135 : vector<16xi32>
      %swap3A_137 = arith.index_cast %scan3A_77 : i32 to index
      %swap3A_138 = arith.constant 32 : index
      %swap3A_139 = tpu.vector_load %arg5[%swap3A_137, %swap3A_138] {strides = array<i32>} : memref<104x128xi32, #tpu.memory_space<vmem>>, vector<1x16xi32>,
      %swap3A_140 = vector.shape_cast %swap3A_139 : vector<1x16xi32> to vector<16xi32>
      %swap3A_141 = vector.shape_cast %add3A_136 : vector<16xi32> to vector<1x16xi32>
      tpu.vector_store %arg5[%swap3A_137, %swap3A_138], %swap3A_141 {strides = array<i32>} : memref<104x128xi32, #tpu.memory_space<vmem>>, vector<1x16xi32>,
      %mul3A_142 = arith.constant 128 : i32
      %mul3A_143 = arith.muli %scan3A_77, %mul3A_142 : i32
      %add3A_144 = arith.constant 48 : i32
      %add3A_145 = arith.addi %mul3A_143, %add3A_144 : i32
      %add3A_146 = vector.broadcast %add3A_145 : i32 to vector<16xi32>
      %add3A_147 = arith.addi %add3A_146, %iota3A : vector<16xi32>
      %rem3A_148 = arith.constant 26 : i32
      %rem3A_149 = vector.broadcast %rem3A_148 : i32 to vector<16xi32>
      %rem3A_150 = arith.remsi %add3A_147, %rem3A_149 : vector<16xi32>
      %get3A_151 = arith.index_cast %scan3A_77 : i32 to index
      %get3A_152 = arith.constant 48 : index
      %get3A_153 = tpu.vector_load %arg5[%get3A_151, %get3A_152] {strides = array<i32>} : memref<104x128xi32, #tpu.memory_space<vmem>>, vector<1x16xi32>,
      %get3A_154 = vector.shape_cast %get3A_153 : vector<1x16xi32> to vector<16xi32>
      %mul3A_155 = arith.constant 100000 : i32
      %mul3A_156 = vector.broadcast %mul3A_155 : i32 to vector<16xi32>
      %mul3A_157 = arith.muli %rem3A_150, %mul3A_156 : vector<16xi32>
      %add3A_158 = arith.addi %get3A_154, %mul3A_157 : vector<16xi32>
      %swap3A_159 = arith.index_cast %scan3A_77 : i32 to index
      %swap3A_160 = arith.constant 48 : index
      %swap3A_161 = tpu.vector_load %arg5[%swap3A_159, %swap3A_160] {strides = array<i32>} : memref<104x128xi32, #tpu.memory_space<vmem>>, vector<1x16xi32>,
      %swap3A_162 = vector.shape_cast %swap3A_161 : vector<1x16xi32> to vector<16xi32>
      %swap3A_163 = vector.shape_cast %add3A_158 : vector<16xi32> to vector<1x16xi32>
      tpu.vector_store %arg5[%swap3A_159, %swap3A_160], %swap3A_163 {strides = array<i32>} : memref<104x128xi32, #tpu.memory_space<vmem>>, vector<1x16xi32>,
      %mul3A_164 = arith.constant 128 : i32
      %mul3A_165 = arith.muli %scan3A_77, %mul3A_164 : i32
      %add3A_166 = arith.constant 64 : i32
      %add3A_167 = arith.addi %mul3A_165, %add3A_166 : i32
      %add3A_168 = vector.broadcast %add3A_167 : i32 to vector<16xi32>
      %add3A_169 = arith.addi %add3A_168, %iota3A : vector<16xi32>
      %rem3A_170 = arith.constant 26 : i32
      %rem3A_171 = vector.broadcast %rem3A_170 : i32 to vector<16xi32>
      %rem3A_172 = arith.remsi %add3A_169, %rem3A_171 : vector<16xi32>
      %get3A_173 = arith.index_cast %scan3A_77 : i32 to index
      %get3A_174 = arith.constant 64 : index
      %get3A_175 = tpu.vector_load %arg5[%get3A_173, %get3A_174] {strides = array<i32>} : memref<104x128xi32, #tpu.memory_space<vmem>>, vector<1x16xi32>,
      %get3A_176 = vector.shape_cast %get3A_175 : vector<1x16xi32> to vector<16xi32>
      %mul3A_177 = arith.constant 100000 : i32
      %mul3A_178 = vector.broadcast %mul3A_177 : i32 to vector<16xi32>
      %mul3A_179 = arith.muli %rem3A_172, %mul3A_178 : vector<16xi32>
      %add3A_180 = arith.addi %get3A_176, %mul3A_179 : vector<16xi32>
      %swap3A_181 = arith.index_cast %scan3A_77 : i32 to index
      %swap3A_182 = arith.constant 64 : index
      %swap3A_183 = tpu.vector_load %arg5[%swap3A_181, %swap3A_182] {strides = array<i32>} : memref<104x128xi32, #tpu.memory_space<vmem>>, vector<1x16xi32>,
      %swap3A_184 = vector.shape_cast %swap3A_183 : vector<1x16xi32> to vector<16xi32>
      %swap3A_185 = vector.shape_cast %add3A_180 : vector<16xi32> to vector<1x16xi32>
      tpu.vector_store %arg5[%swap3A_181, %swap3A_182], %swap3A_185 {strides = array<i32>} : memref<104x128xi32, #tpu.memory_space<vmem>>, vector<1x16xi32>,
      %mul3A_186 = arith.constant 128 : i32
      %mul3A_187 = arith.muli %scan3A_77, %mul3A_186 : i32
      %add3A_188 = arith.constant 80 : i32
      %add3A_189 = arith.addi %mul3A_187, %add3A_188 : i32
      %add3A_190 = vector.broadcast %add3A_189 : i32 to vector<16xi32>
      %add3A_191 = arith.addi %add3A_190, %iota3A : vector<16xi32>
      %rem3A_192 = arith.constant 26 : i32
      %rem3A_193 = vector.broadcast %rem3A_192 : i32 to vector<16xi32>
      %rem3A_194 = arith.remsi %add3A_191, %rem3A_193 : vector<16xi32>
      %get3A_195 = arith.index_cast %scan3A_77 : i32 to index
      %get3A_196 = arith.constant 80 : index
      %get3A_197 = tpu.vector_load %arg5[%get3A_195, %get3A_196] {strides = array<i32>} : memref<104x128xi32, #tpu.memory_space<vmem>>, vector<1x16xi32>,
      %get3A_198 = vector.shape_cast %get3A_197 : vector<1x16xi32> to vector<16xi32>
      %mul3A_199 = arith.constant 100000 : i32
      %mul3A_200 = vector.broadcast %mul3A_199 : i32 to vector<16xi32>
      %mul3A_201 = arith.muli %rem3A_194, %mul3A_200 : vector<16xi32>
      %add3A_202 = arith.addi %get3A_198, %mul3A_201 : vector<16xi32>
      %swap3A_203 = arith.index_cast %scan3A_77 : i32 to index
      %swap3A_204 = arith.constant 80 : index
      %swap3A_205 = tpu.vector_load %arg5[%swap3A_203, %swap3A_204] {strides = array<i32>} : memref<104x128xi32, #tpu.memory_space<vmem>>, vector<1x16xi32>,
      %swap3A_206 = vector.shape_cast %swap3A_205 : vector<1x16xi32> to vector<16xi32>
      %swap3A_207 = vector.shape_cast %add3A_202 : vector<16xi32> to vector<1x16xi32>
      tpu.vector_store %arg5[%swap3A_203, %swap3A_204], %swap3A_207 {strides = array<i32>} : memref<104x128xi32, #tpu.memory_space<vmem>>, vector<1x16xi32>,
      %mul3A_208 = arith.constant 128 : i32
      %mul3A_209 = arith.muli %scan3A_77, %mul3A_208 : i32
      %add3A_210 = arith.constant 96 : i32
      %add3A_211 = arith.addi %mul3A_209, %add3A_210 : i32
      %add3A_212 = vector.broadcast %add3A_211 : i32 to vector<16xi32>
      %add3A_213 = arith.addi %add3A_212, %iota3A : vector<16xi32>
      %rem3A_214 = arith.constant 26 : i32
      %rem3A_215 = vector.broadcast %rem3A_214 : i32 to vector<16xi32>
      %rem3A_216 = arith.remsi %add3A_213, %rem3A_215 : vector<16xi32>
      %get3A_217 = arith.index_cast %scan3A_77 : i32 to index
      %get3A_218 = arith.constant 96 : index
      %get3A_219 = tpu.vector_load %arg5[%get3A_217, %get3A_218] {strides = array<i32>} : memref<104x128xi32, #tpu.memory_space<vmem>>, vector<1x16xi32>,
      %get3A_220 = vector.shape_cast %get3A_219 : vector<1x16xi32> to vector<16xi32>
      %mul3A_221 = arith.constant 100000 : i32
      %mul3A_222 = vector.broadcast %mul3A_221 : i32 to vector<16xi32>
      %mul3A_223 = arith.muli %rem3A_216, %mul3A_222 : vector<16xi32>
      %add3A_224 = arith.addi %get3A_220, %mul3A_223 : vector<16xi32>
      %swap3A_225 = arith.index_cast %scan3A_77 : i32 to index
      %swap3A_226 = arith.constant 96 : index
      %swap3A_227 = tpu.vector_load %arg5[%swap3A_225, %swap3A_226] {strides = array<i32>} : memref<104x128xi32, #tpu.memory_space<vmem>>, vector<1x16xi32>,
      %swap3A_228 = vector.shape_cast %swap3A_227 : vector<1x16xi32> to vector<16xi32>
      %swap3A_229 = vector.shape_cast %add3A_224 : vector<16xi32> to vector<1x16xi32>
      tpu.vector_store %arg5[%swap3A_225, %swap3A_226], %swap3A_229 {strides = array<i32>} : memref<104x128xi32, #tpu.memory_space<vmem>>, vector<1x16xi32>,
      %mul3A_230 = arith.constant 128 : i32
      %mul3A_231 = arith.muli %scan3A_77, %mul3A_230 : i32
      %add3A_232 = arith.constant 112 : i32
      %add3A_233 = arith.addi %mul3A_231, %add3A_232 : i32
      %add3A_234 = vector.broadcast %add3A_233 : i32 to vector<16xi32>
      %add3A_235 = arith.addi %add3A_234, %iota3A : vector<16xi32>
      %rem3A_236 = arith.constant 26 : i32
      %rem3A_237 = vector.broadcast %rem3A_236 : i32 to vector<16xi32>
      %rem3A_238 = arith.remsi %add3A_235, %rem3A_237 : vector<16xi32>
      %get3A_239 = arith.index_cast %scan3A_77 : i32 to index
      %get3A_240 = arith.constant 112 : index
      %get3A_241 = tpu.vector_load %arg5[%get3A_239, %get3A_240] {strides = array<i32>} : memref<104x128xi32, #tpu.memory_space<vmem>>, vector<1x16xi32>,
      %get3A_242 = vector.shape_cast %get3A_241 : vector<1x16xi32> to vector<16xi32>
      %mul3A_243 = arith.constant 100000 : i32
      %mul3A_244 = vector.broadcast %mul3A_243 : i32 to vector<16xi32>
      %mul3A_245 = arith.muli %rem3A_238, %mul3A_244 : vector<16xi32>
      %add3A_246 = arith.addi %get3A_242, %mul3A_245 : vector<16xi32>
      %swap3A_247 = arith.index_cast %scan3A_77 : i32 to index
      %swap3A_248 = arith.constant 112 : index
      %swap3A_249 = tpu.vector_load %arg5[%swap3A_247, %swap3A_248] {strides = array<i32>} : memref<104x128xi32, #tpu.memory_space<vmem>>, vector<1x16xi32>,
      %swap3A_250 = vector.shape_cast %swap3A_249 : vector<1x16xi32> to vector<16xi32>
      %swap3A_251 = vector.shape_cast %add3A_246 : vector<16xi32> to vector<1x16xi32>
      tpu.vector_store %arg5[%swap3A_247, %swap3A_248], %swap3A_251 {strides = array<i32>} : memref<104x128xi32, #tpu.memory_space<vmem>>, vector<1x16xi32>,
      %scan3A_252 = arith.constant 0 : i32
      scf.yield %scan3A_252 : i32
    }
    %scan3A_10 = arith.constant 104 : i32
    %dma_start3A = arith.constant 0 : i32
    %dma_start3A_11 = arith.constant 0 : i32
    %dma_start3A_12 = arith.constant 0 : i32
    %dma_start3A_13 = arith.constant 0 : i32
    %dma_start3A_14 = tpu.memref_slice %arg6[%dma_start3A_11, %dma_start3A_12, %dma_start3A_13] : memref<2x512x32xf32, #tpu.memory_space<vmem>> -> memref<1x128x32xf32, #tpu.memory_space<vmem>>
    %dma_start3A_15 = tpu.memref_squeeze %dma_start3A_14 : memref<1x128x32xf32, #tpu.memory_space<vmem>> -> memref<128x32xf32, #tpu.memory_space<vmem>>
    %dma_start3A_16 = arith.constant 0 : i32
    %dma_start3A_17 = tpu.memref_slice %arg5[%dma_start3A, %dma_start3A_16] : memref<104x128xi32, #tpu.memory_space<vmem>> -> memref<1x128xi32, #tpu.memory_space<vmem>>
    %dma_start3A_18 = tpu.memref_squeeze %dma_start3A_17 : memref<1x128xi32, #tpu.memory_space<vmem>> -> memref<128xi32, #tpu.memory_space<vmem>>
    %dma_start3A_19 = arith.constant 0 : i32
    %dma_start3A_20 = arith.constant 0 : i32
    %dma_start3A_21 = tpu.memref_slice %arg3[%dma_start3A_19, %dma_start3A_20] : memref<2600000x32xf32, #tpu.memory_space<hbm>> -> memref<2600000x32xf32, #tpu.memory_space<hbm>>
    tpu.enqueue_indirect_dma source(%dma_start3A_21 : memref<2600000x32xf32, #tpu.memory_space<hbm>>) target(%dma_start3A_15 : memref<128x32xf32, #tpu.memory_space<vmem>>) offsets(%dma_start3A_18 : memref<128xi32, #tpu.memory_space<vmem>>) semaphore(%arg7 : memref<!tpu.dma_semaphore, #tpu.memory_space<semaphore_mem>>)
    %dma_start3A_22 = arith.constant 1 : i32
    %dma_start3A_23 = arith.constant 0 : i32
    %dma_start3A_24 = arith.constant 128 : i32
    %dma_start3A_25 = arith.constant 0 : i32
    %dma_start3A_26 = tpu.memref_slice %arg6[%dma_start3A_23, %dma_start3A_24, %dma_start3A_25] : memref<2x512x32xf32, #tpu.memory_space<vmem>> -> memref<1x128x32xf32, #tpu.memory_space<vmem>>
    %dma_start3A_27 = tpu.memref_squeeze %dma_start3A_26 : memref<1x128x32xf32, #tpu.memory_space<vmem>> -> memref<128x32xf32, #tpu.memory_space<vmem>>
    %dma_start3A_28 = arith.constant 0 : i32
    %dma_start3A_29 = tpu.memref_slice %arg5[%dma_start3A_22, %dma_start3A_28] : memref<104x128xi32, #tpu.memory_space<vmem>> -> memref<1x128xi32, #tpu.memory_space<vmem>>
    %dma_start3A_30 = tpu.memref_squeeze %dma_start3A_29 : memref<1x128xi32, #tpu.memory_space<vmem>> -> memref<128xi32, #tpu.memory_space<vmem>>
    %dma_start3A_31 = arith.constant 0 : i32
    %dma_start3A_32 = arith.constant 0 : i32
    %dma_start3A_33 = tpu.memref_slice %arg3[%dma_start3A_31, %dma_start3A_32] : memref<2600000x32xf32, #tpu.memory_space<hbm>> -> memref<2600000x32xf32, #tpu.memory_space<hbm>>
    tpu.enqueue_indirect_dma source(%dma_start3A_33 : memref<2600000x32xf32, #tpu.memory_space<hbm>>) target(%dma_start3A_27 : memref<128x32xf32, #tpu.memory_space<vmem>>) offsets(%dma_start3A_30 : memref<128xi32, #tpu.memory_space<vmem>>) semaphore(%arg7 : memref<!tpu.dma_semaphore, #tpu.memory_space<semaphore_mem>>)
    %dma_start3A_34 = arith.constant 2 : i32
    %dma_start3A_35 = arith.constant 0 : i32
    %dma_start3A_36 = arith.constant 256 : i32
    %dma_start3A_37 = arith.constant 0 : i32
    %dma_start3A_38 = tpu.memref_slice %arg6[%dma_start3A_35, %dma_start3A_36, %dma_start3A_37] : memref<2x512x32xf32, #tpu.memory_space<vmem>> -> memref<1x128x32xf32, #tpu.memory_space<vmem>>
    %dma_start3A_39 = tpu.memref_squeeze %dma_start3A_38 : memref<1x128x32xf32, #tpu.memory_space<vmem>> -> memref<128x32xf32, #tpu.memory_space<vmem>>
    %dma_start3A_40 = arith.constant 0 : i32
    %dma_start3A_41 = tpu.memref_slice %arg5[%dma_start3A_34, %dma_start3A_40] : memref<104x128xi32, #tpu.memory_space<vmem>> -> memref<1x128xi32, #tpu.memory_space<vmem>>
    %dma_start3A_42 = tpu.memref_squeeze %dma_start3A_41 : memref<1x128xi32, #tpu.memory_space<vmem>> -> memref<128xi32, #tpu.memory_space<vmem>>
    %dma_start3A_43 = arith.constant 0 : i32
    %dma_start3A_44 = arith.constant 0 : i32
    %dma_start3A_45 = tpu.memref_slice %arg3[%dma_start3A_43, %dma_start3A_44] : memref<2600000x32xf32, #tpu.memory_space<hbm>> -> memref<2600000x32xf32, #tpu.memory_space<hbm>>
    tpu.enqueue_indirect_dma source(%dma_start3A_45 : memref<2600000x32xf32, #tpu.memory_space<hbm>>) target(%dma_start3A_39 : memref<128x32xf32, #tpu.memory_space<vmem>>) offsets(%dma_start3A_42 : memref<128xi32, #tpu.memory_space<vmem>>) semaphore(%arg7 : memref<!tpu.dma_semaphore, #tpu.memory_space<semaphore_mem>>)
    %dma_start3A_46 = arith.constant 3 : i32
    %dma_start3A_47 = arith.constant 0 : i32
    %dma_start3A_48 = arith.constant 384 : i32
    %dma_start3A_49 = arith.constant 0 : i32
    %dma_start3A_50 = tpu.memref_slice %arg6[%dma_start3A_47, %dma_start3A_48, %dma_start3A_49] : memref<2x512x32xf32, #tpu.memory_space<vmem>> -> memref<1x128x32xf32, #tpu.memory_space<vmem>>
    %dma_start3A_51 = tpu.memref_squeeze %dma_start3A_50 : memref<1x128x32xf32, #tpu.memory_space<vmem>> -> memref<128x32xf32, #tpu.memory_space<vmem>>
    %dma_start3A_52 = arith.constant 0 : i32
    %dma_start3A_53 = tpu.memref_slice %arg5[%dma_start3A_46, %dma_start3A_52] : memref<104x128xi32, #tpu.memory_space<vmem>> -> memref<1x128xi32, #tpu.memory_space<vmem>>
    %dma_start3A_54 = tpu.memref_squeeze %dma_start3A_53 : memref<1x128xi32, #tpu.memory_space<vmem>> -> memref<128xi32, #tpu.memory_space<vmem>>
    %dma_start3A_55 = arith.constant 0 : i32
    %dma_start3A_56 = arith.constant 0 : i32
    %dma_start3A_57 = tpu.memref_slice %arg3[%dma_start3A_55, %dma_start3A_56] : memref<2600000x32xf32, #tpu.memory_space<hbm>> -> memref<2600000x32xf32, #tpu.memory_space<hbm>>
    tpu.enqueue_indirect_dma source(%dma_start3A_57 : memref<2600000x32xf32, #tpu.memory_space<hbm>>) target(%dma_start3A_51 : memref<128x32xf32, #tpu.memory_space<vmem>>) offsets(%dma_start3A_54 : memref<128xi32, #tpu.memory_space<vmem>>) semaphore(%arg7 : memref<!tpu.dma_semaphore, #tpu.memory_space<semaphore_mem>>)
    %scan3A_58 = arith.constant 0 : i32
    %scan3A_59 = arith.constant 0 : i32
    %scan3A_60 = arith.constant 26 : i32
    %scan3A_61 = arith.addi %scan3A_59, %scan3A_60 : i32
    %scan3A_62 = arith.constant 1 : i32
    %scan3A_63 = scf.for %scan3A_77 = %scan3A_59 to %scan3A_61 step %scan3A_62 iter_args(%scan3A_78 = %scan3A_58) -> (i32)  : i32 {
      %rem3A = arith.constant 2 : i32
      %rem3A_79 = arith.remsi %scan3A_77, %rem3A : i32
      %add3A_80 = arith.constant 1 : i32
      %add3A_81 = arith.addi %scan3A_77, %add3A_80 : i32
      %rem3A_82 = arith.constant 2 : i32
      %rem3A_83 = arith.remsi %add3A_81, %rem3A_82 : i32
      %ge3A = arith.constant 1 : i32
      %ge3A_84 = arith.cmpi sge, %scan3A_77, %ge3A : i32
      %convert_element_type3A = arith.extui %ge3A_84 : i1 to i32
      %cond3A = arith.constant 0 : i32
      %cond3A_85 = arith.cmpi ne, %convert_element_type3A, %cond3A : i32
      scf.if %cond3A_85 {
        %dma_wait3A_164 = arith.constant 0 : i32
        %dma_wait3A_165 = arith.constant 0 : i32
        %dma_wait3A_166 = tpu.memref_slice %arg6[%rem3A_83, %dma_wait3A_164, %dma_wait3A_165] : memref<2x512x32xf32, #tpu.memory_space<vmem>> -> memref<1x512x32xf32, #tpu.memory_space<vmem>>
        %dma_wait3A_167 = tpu.memref_squeeze %dma_wait3A_166 : memref<1x512x32xf32, #tpu.memory_space<vmem>> -> memref<512x32xf32, #tpu.memory_space<vmem>>
        %dma_wait3A_168 = arith.constant 0 : i32
        %dma_wait3A_169 = tpu.memref_slice %arg4[%mul3A_4, %dma_wait3A_168] : memref<425984x32xf32, #tpu.memory_space<hbm>> -> memref<512x32xf32, #tpu.memory_space<hbm>>
        %dma_wait3A_170 = arith.constant 0 : i32
        %dma_wait3A_171 = tpu.memref_slice %arg4[%mul3A_4, %dma_wait3A_170] : memref<425984x32xf32, #tpu.memory_space<hbm>> -> memref<512x32xf32, #tpu.memory_space<hbm>>
        %dma_wait3A_172 = arith.constant 0 : i32
        %dma_wait3A_173 = arith.constant 0 : i32
        %dma_wait3A_174 = tpu.memref_slice %arg6[%rem3A_83, %dma_wait3A_172, %dma_wait3A_173] : memref<2x512x32xf32, #tpu.memory_space<vmem>> -> memref<1x512x32xf32, #tpu.memory_space<vmem>>
        %dma_wait3A_175 = tpu.memref_squeeze %dma_wait3A_174 : memref<1x512x32xf32, #tpu.memory_space<vmem>> -> memref<512x32xf32, #tpu.memory_space<vmem>>
        tpu.wait_dma2 semaphore(%arg8 : memref<!tpu.dma_semaphore, #tpu.memory_space<semaphore_mem>>) src(%dma_wait3A_175 : memref<512x32xf32, #tpu.memory_space<vmem>>) dst(%dma_wait3A_171 : memref<512x32xf32, #tpu.memory_space<hbm>>)
      } else {
      }
      %add3A_86 = arith.constant 1 : i32
      %add3A_87 = arith.addi %scan3A_77, %add3A_86 : i32
      %lt3A = arith.constant 26 : i32
      %lt3A_88 = arith.cmpi slt, %add3A_87, %lt3A : i32
      %convert_element_type3A_89 = arith.extui %lt3A_88 : i1 to i32
      %cond3A_90 = arith.constant 0 : i32
      %cond3A_91 = arith.cmpi ne, %convert_element_type3A_89, %cond3A_90 : i32
      scf.if %cond3A_91 {
        %add3A_164 = arith.constant 1 : i32
        %add3A_165 = arith.addi %scan3A_77, %add3A_164 : i32
        %mul3A_166 = arith.constant 4 : i32
        %mul3A_167 = arith.muli %add3A_165, %mul3A_166 : i32
        %add3A_168 = arith.constant 0 : i32
        %add3A_169 = arith.addi %mul3A_167, %add3A_168 : i32
        %dma_start3A_170 = arith.constant 0 : i32
        %dma_start3A_171 = arith.constant 0 : i32
        %dma_start3A_172 = tpu.memref_slice %arg6[%rem3A_83, %dma_start3A_170, %dma_start3A_171] : memref<2x512x32xf32, #tpu.memory_space<vmem>> -> memref<1x128x32xf32, #tpu.memory_space<vmem>>
        %dma_start3A_173 = tpu.memref_squeeze %dma_start3A_172 : memref<1x128x32xf32, #tpu.memory_space<vmem>> -> memref<128x32xf32, #tpu.memory_space<vmem>>
        %dma_start3A_174 = arith.constant 0 : i32
        %dma_start3A_175 = tpu.memref_slice %arg5[%add3A_169, %dma_start3A_174] : memref<104x128xi32, #tpu.memory_space<vmem>> -> memref<1x128xi32, #tpu.memory_space<vmem>>
        %dma_start3A_176 = tpu.memref_squeeze %dma_start3A_175 : memref<1x128xi32, #tpu.memory_space<vmem>> -> memref<128xi32, #tpu.memory_space<vmem>>
        %dma_start3A_177 = arith.constant 0 : i32
        %dma_start3A_178 = arith.constant 0 : i32
        %dma_start3A_179 = tpu.memref_slice %arg3[%dma_start3A_177, %dma_start3A_178] : memref<2600000x32xf32, #tpu.memory_space<hbm>> -> memref<2600000x32xf32, #tpu.memory_space<hbm>>
        tpu.enqueue_indirect_dma source(%dma_start3A_179 : memref<2600000x32xf32, #tpu.memory_space<hbm>>) target(%dma_start3A_173 : memref<128x32xf32, #tpu.memory_space<vmem>>) offsets(%dma_start3A_176 : memref<128xi32, #tpu.memory_space<vmem>>) semaphore(%arg7 : memref<!tpu.dma_semaphore, #tpu.memory_space<semaphore_mem>>)
        %mul3A_180 = arith.constant 4 : i32
        %mul3A_181 = arith.muli %add3A_165, %mul3A_180 : i32
        %add3A_182 = arith.constant 1 : i32
        %add3A_183 = arith.addi %mul3A_181, %add3A_182 : i32
        %dma_start3A_184 = arith.constant 128 : i32
        %dma_start3A_185 = arith.constant 0 : i32
        %dma_start3A_186 = tpu.memref_slice %arg6[%rem3A_83, %dma_start3A_184, %dma_start3A_185] : memref<2x512x32xf32, #tpu.memory_space<vmem>> -> memref<1x128x32xf32, #tpu.memory_space<vmem>>
        %dma_start3A_187 = tpu.memref_squeeze %dma_start3A_186 : memref<1x128x32xf32, #tpu.memory_space<vmem>> -> memref<128x32xf32, #tpu.memory_space<vmem>>
        %dma_start3A_188 = arith.constant 0 : i32
        %dma_start3A_189 = tpu.memref_slice %arg5[%add3A_183, %dma_start3A_188] : memref<104x128xi32, #tpu.memory_space<vmem>> -> memref<1x128xi32, #tpu.memory_space<vmem>>
        %dma_start3A_190 = tpu.memref_squeeze %dma_start3A_189 : memref<1x128xi32, #tpu.memory_space<vmem>> -> memref<128xi32, #tpu.memory_space<vmem>>
        %dma_start3A_191 = arith.constant 0 : i32
        %dma_start3A_192 = arith.constant 0 : i32
        %dma_start3A_193 = tpu.memref_slice %arg3[%dma_start3A_191, %dma_start3A_192] : memref<2600000x32xf32, #tpu.memory_space<hbm>> -> memref<2600000x32xf32, #tpu.memory_space<hbm>>
        tpu.enqueue_indirect_dma source(%dma_start3A_193 : memref<2600000x32xf32, #tpu.memory_space<hbm>>) target(%dma_start3A_187 : memref<128x32xf32, #tpu.memory_space<vmem>>) offsets(%dma_start3A_190 : memref<128xi32, #tpu.memory_space<vmem>>) semaphore(%arg7 : memref<!tpu.dma_semaphore, #tpu.memory_space<semaphore_mem>>)
        %mul3A_194 = arith.constant 4 : i32
        %mul3A_195 = arith.muli %add3A_165, %mul3A_194 : i32
        %add3A_196 = arith.constant 2 : i32
        %add3A_197 = arith.addi %mul3A_195, %add3A_196 : i32
        %dma_start3A_198 = arith.constant 256 : i32
        %dma_start3A_199 = arith.constant 0 : i32
        %dma_start3A_200 = tpu.memref_slice %arg6[%rem3A_83, %dma_start3A_198, %dma_start3A_199] : memref<2x512x32xf32, #tpu.memory_space<vmem>> -> memref<1x128x32xf32, #tpu.memory_space<vmem>>
        %dma_start3A_201 = tpu.memref_squeeze %dma_start3A_200 : memref<1x128x32xf32, #tpu.memory_space<vmem>> -> memref<128x32xf32, #tpu.memory_space<vmem>>
        %dma_start3A_202 = arith.constant 0 : i32
        %dma_start3A_203 = tpu.memref_slice %arg5[%add3A_197, %dma_start3A_202] : memref<104x128xi32, #tpu.memory_space<vmem>> -> memref<1x128xi32, #tpu.memory_space<vmem>>
        %dma_start3A_204 = tpu.memref_squeeze %dma_start3A_203 : memref<1x128xi32, #tpu.memory_space<vmem>> -> memref<128xi32, #tpu.memory_space<vmem>>
        %dma_start3A_205 = arith.constant 0 : i32
        %dma_start3A_206 = arith.constant 0 : i32
        %dma_start3A_207 = tpu.memref_slice %arg3[%dma_start3A_205, %dma_start3A_206] : memref<2600000x32xf32, #tpu.memory_space<hbm>> -> memref<2600000x32xf32, #tpu.memory_space<hbm>>
        tpu.enqueue_indirect_dma source(%dma_start3A_207 : memref<2600000x32xf32, #tpu.memory_space<hbm>>) target(%dma_start3A_201 : memref<128x32xf32, #tpu.memory_space<vmem>>) offsets(%dma_start3A_204 : memref<128xi32, #tpu.memory_space<vmem>>) semaphore(%arg7 : memref<!tpu.dma_semaphore, #tpu.memory_space<semaphore_mem>>)
        %mul3A_208 = arith.constant 4 : i32
        %mul3A_209 = arith.muli %add3A_165, %mul3A_208 : i32
        %add3A_210 = arith.constant 3 : i32
        %add3A_211 = arith.addi %mul3A_209, %add3A_210 : i32
        %dma_start3A_212 = arith.constant 384 : i32
        %dma_start3A_213 = arith.constant 0 : i32
        %dma_start3A_214 = tpu.memref_slice %arg6[%rem3A_83, %dma_start3A_212, %dma_start3A_213] : memref<2x512x32xf32, #tpu.memory_space<vmem>> -> memref<1x128x32xf32, #tpu.memory_space<vmem>>
        %dma_start3A_215 = tpu.memref_squeeze %dma_start3A_214 : memref<1x128x32xf32, #tpu.memory_space<vmem>> -> memref<128x32xf32, #tpu.memory_space<vmem>>
        %dma_start3A_216 = arith.constant 0 : i32
        %dma_start3A_217 = tpu.memref_slice %arg5[%add3A_211, %dma_start3A_216] : memref<104x128xi32, #tpu.memory_space<vmem>> -> memref<1x128xi32, #tpu.memory_space<vmem>>
        %dma_start3A_218 = tpu.memref_squeeze %dma_start3A_217 : memref<1x128xi32, #tpu.memory_space<vmem>> -> memref<128xi32, #tpu.memory_space<vmem>>
        %dma_start3A_219 = arith.constant 0 : i32
        %dma_start3A_220 = arith.constant 0 : i32
        %dma_start3A_221 = tpu.memref_slice %arg3[%dma_start3A_219, %dma_start3A_220] : memref<2600000x32xf32, #tpu.memory_space<hbm>> -> memref<2600000x32xf32, #tpu.memory_space<hbm>>
        tpu.enqueue_indirect_dma source(%dma_start3A_221 : memref<2600000x32xf32, #tpu.memory_space<hbm>>) target(%dma_start3A_215 : memref<128x32xf32, #tpu.memory_space<vmem>>) offsets(%dma_start3A_218 : memref<128xi32, #tpu.memory_space<vmem>>) semaphore(%arg7 : memref<!tpu.dma_semaphore, #tpu.memory_space<semaphore_mem>>)
      } else {
      }
      %mul3A_92 = arith.constant 4 : i32
      %mul3A_93 = arith.muli %scan3A_77, %mul3A_92 : i32
      %add3A_94 = arith.constant 0 : i32
      %add3A_95 = arith.addi %mul3A_93, %add3A_94 : i32
      %dma_wait3A_96 = arith.constant 0 : i32
      %dma_wait3A_97 = arith.constant 0 : i32
      %dma_wait3A_98 = tpu.memref_slice %arg6[%rem3A_79, %dma_wait3A_96, %dma_wait3A_97] : memref<2x512x32xf32, #tpu.memory_space<vmem>> -> memref<1x128x32xf32, #tpu.memory_space<vmem>>
      %dma_wait3A_99 = tpu.memref_squeeze %dma_wait3A_98 : memref<1x128x32xf32, #tpu.memory_space<vmem>> -> memref<128x32xf32, #tpu.memory_space<vmem>>
      %dma_wait3A_100 = arith.constant 0 : i32
      %dma_wait3A_101 = tpu.memref_slice %arg5[%add3A_95, %dma_wait3A_100] : memref<104x128xi32, #tpu.memory_space<vmem>> -> memref<1x128xi32, #tpu.memory_space<vmem>>
      %dma_wait3A_102 = tpu.memref_squeeze %dma_wait3A_101 : memref<1x128xi32, #tpu.memory_space<vmem>> -> memref<128xi32, #tpu.memory_space<vmem>>
      %dma_wait3A_103 = arith.constant 0 : i32
      %dma_wait3A_104 = arith.constant 0 : i32
      %dma_wait3A_105 = tpu.memref_slice %arg3[%dma_wait3A_103, %dma_wait3A_104] : memref<2600000x32xf32, #tpu.memory_space<hbm>> -> memref<2600000x32xf32, #tpu.memory_space<hbm>>
      tpu.wait_indirect_dma semaphore(%arg7 : memref<!tpu.dma_semaphore, #tpu.memory_space<semaphore_mem>>) src(%dma_wait3A_105 : memref<2600000x32xf32, #tpu.memory_space<hbm>>) dst(%dma_wait3A_99 : memref<128x32xf32, #tpu.memory_space<vmem>>)
      %mul3A_106 = arith.constant 4 : i32
      %mul3A_107 = arith.muli %scan3A_77, %mul3A_106 : i32
      %add3A_108 = arith.constant 1 : i32
      %add3A_109 = arith.addi %mul3A_107, %add3A_108 : i32
      %dma_wait3A_110 = arith.constant 128 : i32
      %dma_wait3A_111 = arith.constant 0 : i32
      %dma_wait3A_112 = tpu.memref_slice %arg6[%rem3A_79, %dma_wait3A_110, %dma_wait3A_111] : memref<2x512x32xf32, #tpu.memory_space<vmem>> -> memref<1x128x32xf32, #tpu.memory_space<vmem>>
      %dma_wait3A_113 = tpu.memref_squeeze %dma_wait3A_112 : memref<1x128x32xf32, #tpu.memory_space<vmem>> -> memref<128x32xf32, #tpu.memory_space<vmem>>
      %dma_wait3A_114 = arith.constant 0 : i32
      %dma_wait3A_115 = tpu.memref_slice %arg5[%add3A_109, %dma_wait3A_114] : memref<104x128xi32, #tpu.memory_space<vmem>> -> memref<1x128xi32, #tpu.memory_space<vmem>>
      %dma_wait3A_116 = tpu.memref_squeeze %dma_wait3A_115 : memref<1x128xi32, #tpu.memory_space<vmem>> -> memref<128xi32, #tpu.memory_space<vmem>>
      %dma_wait3A_117 = arith.constant 0 : i32
      %dma_wait3A_118 = arith.constant 0 : i32
      %dma_wait3A_119 = tpu.memref_slice %arg3[%dma_wait3A_117, %dma_wait3A_118] : memref<2600000x32xf32, #tpu.memory_space<hbm>> -> memref<2600000x32xf32, #tpu.memory_space<hbm>>
      tpu.wait_indirect_dma semaphore(%arg7 : memref<!tpu.dma_semaphore, #tpu.memory_space<semaphore_mem>>) src(%dma_wait3A_119 : memref<2600000x32xf32, #tpu.memory_space<hbm>>) dst(%dma_wait3A_113 : memref<128x32xf32, #tpu.memory_space<vmem>>)
      %mul3A_120 = arith.constant 4 : i32
      %mul3A_121 = arith.muli %scan3A_77, %mul3A_120 : i32
      %add3A_122 = arith.constant 2 : i32
      %add3A_123 = arith.addi %mul3A_121, %add3A_122 : i32
      %dma_wait3A_124 = arith.constant 256 : i32
      %dma_wait3A_125 = arith.constant 0 : i32
      %dma_wait3A_126 = tpu.memref_slice %arg6[%rem3A_79, %dma_wait3A_124, %dma_wait3A_125] : memref<2x512x32xf32, #tpu.memory_space<vmem>> -> memref<1x128x32xf32, #tpu.memory_space<vmem>>
      %dma_wait3A_127 = tpu.memref_squeeze %dma_wait3A_126 : memref<1x128x32xf32, #tpu.memory_space<vmem>> -> memref<128x32xf32, #tpu.memory_space<vmem>>
      %dma_wait3A_128 = arith.constant 0 : i32
      %dma_wait3A_129 = tpu.memref_slice %arg5[%add3A_123, %dma_wait3A_128] : memref<104x128xi32, #tpu.memory_space<vmem>> -> memref<1x128xi32, #tpu.memory_space<vmem>>
      %dma_wait3A_130 = tpu.memref_squeeze %dma_wait3A_129 : memref<1x128xi32, #tpu.memory_space<vmem>> -> memref<128xi32, #tpu.memory_space<vmem>>
      %dma_wait3A_131 = arith.constant 0 : i32
      %dma_wait3A_132 = arith.constant 0 : i32
      %dma_wait3A_133 = tpu.memref_slice %arg3[%dma_wait3A_131, %dma_wait3A_132] : memref<2600000x32xf32, #tpu.memory_space<hbm>> -> memref<2600000x32xf32, #tpu.memory_space<hbm>>
      tpu.wait_indirect_dma semaphore(%arg7 : memref<!tpu.dma_semaphore, #tpu.memory_space<semaphore_mem>>) src(%dma_wait3A_133 : memref<2600000x32xf32, #tpu.memory_space<hbm>>) dst(%dma_wait3A_127 : memref<128x32xf32, #tpu.memory_space<vmem>>)
      %mul3A_134 = arith.constant 4 : i32
      %mul3A_135 = arith.muli %scan3A_77, %mul3A_134 : i32
      %add3A_136 = arith.constant 3 : i32
      %add3A_137 = arith.addi %mul3A_135, %add3A_136 : i32
      %dma_wait3A_138 = arith.constant 384 : i32
      %dma_wait3A_139 = arith.constant 0 : i32
      %dma_wait3A_140 = tpu.memref_slice %arg6[%rem3A_79, %dma_wait3A_138, %dma_wait3A_139] : memref<2x512x32xf32, #tpu.memory_space<vmem>> -> memref<1x128x32xf32, #tpu.memory_space<vmem>>
      %dma_wait3A_141 = tpu.memref_squeeze %dma_wait3A_140 : memref<1x128x32xf32, #tpu.memory_space<vmem>> -> memref<128x32xf32, #tpu.memory_space<vmem>>
      %dma_wait3A_142 = arith.constant 0 : i32
      %dma_wait3A_143 = tpu.memref_slice %arg5[%add3A_137, %dma_wait3A_142] : memref<104x128xi32, #tpu.memory_space<vmem>> -> memref<1x128xi32, #tpu.memory_space<vmem>>
      %dma_wait3A_144 = tpu.memref_squeeze %dma_wait3A_143 : memref<1x128xi32, #tpu.memory_space<vmem>> -> memref<128xi32, #tpu.memory_space<vmem>>
      %dma_wait3A_145 = arith.constant 0 : i32
      %dma_wait3A_146 = arith.constant 0 : i32
      %dma_wait3A_147 = tpu.memref_slice %arg3[%dma_wait3A_145, %dma_wait3A_146] : memref<2600000x32xf32, #tpu.memory_space<hbm>> -> memref<2600000x32xf32, #tpu.memory_space<hbm>>
      tpu.wait_indirect_dma semaphore(%arg7 : memref<!tpu.dma_semaphore, #tpu.memory_space<semaphore_mem>>) src(%dma_wait3A_147 : memref<2600000x32xf32, #tpu.memory_space<hbm>>) dst(%dma_wait3A_141 : memref<128x32xf32, #tpu.memory_space<vmem>>)
      %mul3A_148 = arith.constant 512 : i32
      %mul3A_149 = arith.muli %scan3A_77, %mul3A_148 : i32
      %add3A_150 = arith.addi %mul3A_4, %mul3A_149 : i32
      %dma_start3A_151 = arith.constant 0 : i32
      %dma_start3A_152 = arith.constant 0 : i32
      %dma_start3A_153 = tpu.memref_slice %arg6[%rem3A_79, %dma_start3A_151, %dma_start3A_152] : memref<2x512x32xf32, #tpu.memory_space<vmem>> -> memref<1x512x32xf32, #tpu.memory_space<vmem>>
      %dma_start3A_154 = tpu.memref_squeeze %dma_start3A_153 : memref<1x512x32xf32, #tpu.memory_space<vmem>> -> memref<512x32xf32, #tpu.memory_space<vmem>>
      %dma_start3A_155 = arith.constant 0 : i32
      %dma_start3A_156 = tpu.memref_slice %arg4[%add3A_150, %dma_start3A_155] : memref<425984x32xf32, #tpu.memory_space<hbm>> -> memref<512x32xf32, #tpu.memory_space<hbm>>
      %dma_start3A_157 = arith.constant 0 : i32
      %dma_start3A_158 = tpu.memref_slice %arg4[%add3A_150, %dma_start3A_157] : memref<425984x32xf32, #tpu.memory_space<hbm>> -> memref<512x32xf32, #tpu.memory_space<hbm>>
      %dma_start3A_159 = arith.constant 0 : i32
      %dma_start3A_160 = arith.constant 0 : i32
      %dma_start3A_161 = tpu.memref_slice %arg6[%rem3A_79, %dma_start3A_159, %dma_start3A_160] : memref<2x512x32xf32, #tpu.memory_space<vmem>> -> memref<1x512x32xf32, #tpu.memory_space<vmem>>
      %dma_start3A_162 = tpu.memref_squeeze %dma_start3A_161 : memref<1x512x32xf32, #tpu.memory_space<vmem>> -> memref<512x32xf32, #tpu.memory_space<vmem>>
      tpu.enqueue_dma source(%dma_start3A_162 : memref<512x32xf32, #tpu.memory_space<vmem>>) target(%dma_start3A_158 : memref<512x32xf32, #tpu.memory_space<hbm>>) target_semaphore(%arg8 : memref<!tpu.dma_semaphore, #tpu.memory_space<semaphore_mem>>)
      %scan3A_163 = arith.constant 0 : i32
      scf.yield %scan3A_163 : i32
    }
    %scan3A_64 = arith.constant 26 : i32
    %dma_wait3A = arith.constant 1 : i32
    %dma_wait3A_65 = arith.constant 0 : i32
    %dma_wait3A_66 = arith.constant 0 : i32
    %dma_wait3A_67 = tpu.memref_slice %arg6[%dma_wait3A, %dma_wait3A_65, %dma_wait3A_66] : memref<2x512x32xf32, #tpu.memory_space<vmem>> -> memref<1x512x32xf32, #tpu.memory_space<vmem>>
    %dma_wait3A_68 = tpu.memref_squeeze %dma_wait3A_67 : memref<1x512x32xf32, #tpu.memory_space<vmem>> -> memref<512x32xf32, #tpu.memory_space<vmem>>
    %dma_wait3A_69 = arith.constant 0 : i32
    %dma_wait3A_70 = tpu.memref_slice %arg4[%mul3A_4, %dma_wait3A_69] : memref<425984x32xf32, #tpu.memory_space<hbm>> -> memref<512x32xf32, #tpu.memory_space<hbm>>
    %dma_wait3A_71 = arith.constant 0 : i32
    %dma_wait3A_72 = tpu.memref_slice %arg4[%mul3A_4, %dma_wait3A_71] : memref<425984x32xf32, #tpu.memory_space<hbm>> -> memref<512x32xf32, #tpu.memory_space<hbm>>
    %dma_wait3A_73 = arith.constant 0 : i32
    %dma_wait3A_74 = arith.constant 0 : i32
    %dma_wait3A_75 = tpu.memref_slice %arg6[%dma_wait3A, %dma_wait3A_73, %dma_wait3A_74] : memref<2x512x32xf32, #tpu.memory_space<vmem>> -> memref<1x512x32xf32, #tpu.memory_space<vmem>>
    %dma_wait3A_76 = tpu.memref_squeeze %dma_wait3A_75 : memref<1x512x32xf32, #tpu.memory_space<vmem>> -> memref<512x32xf32, #tpu.memory_space<vmem>>
    tpu.wait_dma2 semaphore(%arg8 : memref<!tpu.dma_semaphore, #tpu.memory_space<semaphore_mem>>) src(%dma_wait3A_76 : memref<512x32xf32, #tpu.memory_space<vmem>>) dst(%dma_wait3A_72 : memref<512x32xf32, #tpu.memory_space<hbm>>)
    return
  }
}

</mosaic_0001>

<sc_bundles>
// kernel: _run.4.cloned.1.call-start
scs
__scs_entry_jumppad:
0x0: {  	(pc) =	sbr.rel $0x88, $3  }
0x1: {  	(tag) =	ssettag $0x0;
	lr =	simm.s32 $0x1  }
0x2: {  	[smem:$0x3F9F] =	sst lr;
	_ =	strace $0xD0000000  }
0x3: {  	_ = 	snop  }
0x4: {  	_ = 	snop  }
0x5: {  	_ = 	snop  }
0x6: {  	_ = 	snop  }
0x7: {  	_ = 	snop  }
__scs_overlays_trampoline_lowered:
0x8: {  	[smem:$0x3FAE] =	sst s0  }
0x9: {  	[smem:$0x3FAF] =	sst s1  }
0xa: {  	[smem:$0x3FB0] =	sst s2  }
0xb: {  	[smem:$0x3FB1] =	sst s3  }
0xc: {  	[smem:$0x3FB2] =	sst s4  }
0xd: {  	[smem:$0x3FB3] =	sst s5  }
0xe: {  	[smem:$0x3FB4] =	sst s6  }
0xf: {  	[smem:$0x3FB5] =	sst s7  }
0x10: {  	[smem:$0x3FB6] =	sst s8  }
0x11: {  	[smem:$0x3FB7] =	sst s9;
	s0 =	simm.s32 @!p0 $0x0  }
0x12: {  	s1 =	sld [smem:$0x3F9D];
	s0 =	simm.s32 @p0 $0x1  }
0x13: {  	[smem:$0x3FB8] =	sst s0;
	s0 =	simm.s32 @!p1 $0x0  }
0x14: {  	s2 =	sld [smem:$0x3F9C];
	s0 =	simm.s32 @p1 $0x1  }
0x15: {  	[smem:$0x3FB9] =	sst s0;
	s0 =	simm.s32 @!p2 $0x0  }
0x16: {  	s3 =	sld [smem:$0x3FDB];
	s0 =	simm.s32 @p2 $0x1  }
0x17: {  	s4 =	simm.s32 $0x1BF5;
	[smem:$0x3FBB] =	sst s0  }
0x18: {  	s0 =	sld [smem:$0x3F9E];
	_ =	swait.ge [sflag:s4], $0x0  }
0x19: {  	s7 =	sld [smem:$0x3F9F]  }
0x1a: {  	s8 =	sadd.s32 $0xFFFFE003, lr  }
0x1b: {  	s9 =	sadd.s32 $0xFFFFFEF7, lr;
	s5 =	simm.s32 $0xFFFFFFFF;
	p2 =	slt.u32 s8, $0xFFFFF086  }
0x1c: {  	p1 =	slt.u32 s9, $0xF7A;
	s5 =	simm.s32 @!p2 $0x0  }
0x1d: {  	s5 =	simm.s32 @p1 $0x1;
	p0 =	seq.s32 s7, s2  }
0x1e: {  	s7 =	smul.u32 @!p0 $0xF7A, s2;
	p2 =	seq.s32 @!p0 s5, $0x0  }
0x1f: {  	s9 =	smul.u32 $0xF7A, s1;
	s8 =	simm.s32 @!p0 $0x1BF5;
	p2 =	por !p2, p0  }
0x20: {  	[sflag:s8] =	ssyncset.s32 @!p0 $0xFFFFF086;
	s6 =	sadd.s32 @!p0 s3, s7;
	s7 =	simm.s32 @!p0 $0x108  }
0x21: {  	s3 =	sadd.s32 s3, s9;
	s6 =	sadd.s32 @!p0 $0x88, s6;
	s7 =	simm.s32 @p2 $0x1082  }
0x22: {  	[simem:s7], [sflag:s8] =	dma.local @!p0 [hbm:s6], $0xF7A  }
0x23: {  	s9 =	sor.u32 $0xD0000000, s2;
	s6 =	simm.s32 $0x108;
	_ =	swait.ge @!p0 [sflag:s8], $0x0  }
0x24: {  	s3 =	sadd.s32 $0x88, s3;
	s6 =	simm.s32 @!p1 $0x1082;
	[sflag:s4] =	ssyncset.s32 $0xFFFFF086  }
0x25: {  	[simem:s6], [sflag:s4] =	dma.local [hbm:s3], $0xF7A  }
0x26: {  	[smem:$0x3F9F] =	sst s1;
	(tag) =	ssettag s2;
	_ =	strace s9  }
0x27: {  	s1 =	sld [smem:$0x3FAF]  }
0x28: {  	s2 =	sld [smem:$0x3FB0]  }
0x29: {  	s4 =	sld [smem:$0x3FB2]  }
0x2a: {  	p0 =	seq.s32 s5, $0x0;
	s5 =	sld [smem:$0x3FB3]  }
0x2b: {  	s6 =	sld [smem:$0x3FB4]  }
0x2c: {  	s7 =	sld [smem:$0x3FB5]  }
0x2d: {  	s3 =	simm.s32 $0x108;
	s8 =	sld [smem:$0x3FB6]  }
0x2e: {  	s3 =	simm.s32 @!p0 $0x1082;
	s9 =	sld [smem:$0x3FB7]  }
0x2f: {  	lr =	sadd.s32 s0, s3;
	s0 =	sld [smem:$0x3FAE]  }
0x30: {  	s3 =	sld [smem:$0x3FB1]  }
0x31: {  	[smem:$0x3FBA] =	sst s10  }
0x32: {  	s10 =	sld [smem:$0x3FB8];
	_ =	sdelay $0x3  }
0x33: {  	p0 =	seq.s32 s10, $0x1;
	s10 =	sld [smem:$0x3FBA];
	_ =	sdelay $0x3  }
0x34: {  	[smem:$0x3FBA] =	sst s10  }
0x35: {  	s10 =	sld [smem:$0x3FB9];
	_ =	sdelay $0x3  }
0x36: {  	p1 =	seq.s32 s10, $0x1;
	s10 =	sld [smem:$0x3FBA];
	_ =	sdelay $0x3  }
0x37: {  	[smem:$0x3FBA] =	sst s10  }
0x38: {  	s10 =	sld [smem:$0x3FBB]  }
0x39: {  	_ = 	snop;
	(pc) =	sbr.ind lr, $3  }
0x3a: {  	_ = 	snop  }
0x3b: {  	_ = 	snop  }
0x3c: {  	p2 =	seq.s32 s10, $0x1;
	s10 =	sld [smem:$0x3FBA]  }
0x3d: {  	_ =	shalt  }
0x3e: {  	_ =	shalt  }
0x3f: {  	_ =	shalt  }
0x40: {  	_ =	shalt  }
0x41: {  	_ =	shalt  }
0x42: {  	_ =	shalt  }
0x43: {  	_ =	shalt  }
0x44: {  	_ =	shalt  }
0x45: {  	_ =	shalt  }
0x46: {  	_ =	shalt  }
0x47: {  	_ =	shalt  }
0x48: {  	_ =	shalt  }
0x49: {  	_ =	shalt  }
0x4a: {  	_ =	shalt  }
0x4b: {  	_ =	shalt  }
0x4c: {  	_ =	shalt  }
0x4d: {  	_ =	shalt  }
0x4e: {  	_ =	shalt  }
0x4f: {  	_ =	shalt  }
0x50: {  	_ =	shalt  }
0x51: {  	_ =	shalt  }
0x52: {  	_ =	shalt  }
0x53: {  	_ =	shalt  }
0x54: {  	_ =	shalt  }
0x55: {  	_ =	shalt  }
0x56: {  	_ =	shalt  }
0x57: {  	_ =	shalt  }
0x58: {  	_ =	shalt  }
0x59: {  	_ =	shalt  }
0x5a: {  	_ =	shalt  }
0x5b: {  	_ =	shalt  }
0x5c: {  	_ =	shalt  }
0x5d: {  	_ =	shalt  }
0x5e: {  	_ =	shalt  }
0x5f: {  	_ =	shalt  }
0x60: {  	_ =	shalt  }
0x61: {  	_ =	shalt  }
0x62: {  	_ =	shalt  }
0x63: {  	_ =	shalt  }
0x64: {  	_ =	shalt  }
0x65: {  	_ =	shalt  }
0x66: {  	_ =	shalt  }
0x67: {  	_ =	shalt  }
0x68: {  	_ =	shalt  }
0x69: {  	_ =	shalt  }
0x6a: {  	_ =	shalt  }
0x6b: {  	_ =	shalt  }
0x6c: {  	_ =	shalt  }
0x6d: {  	_ =	shalt  }
0x6e: {  	_ =	shalt  }
0x6f: {  	_ =	shalt  }
0x70: {  	_ =	shalt  }
0x71: {  	_ =	shalt  }
0x72: {  	_ =	shalt  }
0x73: {  	_ =	shalt  }
0x74: {  	_ =	shalt  }
0x75: {  	_ =	shalt  }
0x76: {  	_ =	shalt  }
0x77: {  	_ =	shalt  }
0x78: {  	_ =	shalt  }
0x79: {  	_ =	shalt  }
0x7a: {  	_ =	shalt  }
0x7b: {  	_ =	shalt  }
0x7c: {  	_ =	shalt  }
0x7d: {  	_ =	shalt  }
0x7e: {  	_ =	shalt  }
0x7f: {  	_ =	shalt  }
0x80: {  	_ =	shalt  }
0x81: {  	_ =	shalt  }
0x82: {  	_ =	shalt  }
0x83: {  	_ =	shalt  }
0x84: {  	_ =	shalt  }
0x85: {  	_ =	shalt  }
0x86: {  	_ =	shalt  }
0x87: {  	_ =	shalt  }
.Lfunc_end0:
.L_simem_size_0:
called_computation.1_lowered:
.L_overlay_start_0:
0x88: {  	s2 =	sld [smem:$0x3FD9]  }
0x89: {  	s3 =	sld [smem:$0x3FFE];
	_ =	sdelay $0x1  }
0x8a: {  	s1 =	srdreg.scid  }
0x8b: {  	s0 =	sand.u32 $0x1, s1  }
0x8c: {  	s16 =	sshll.u32 s0, $0xA;
	s2 =	sadd.s32 s3, s2  }
0x8d: {  	s2 =	sadd.s32 s2, s16  }
0x8e: {  	[smem:$0x3FC6] =	sst s2  }
0x8f: {  	_ = 	snop  }
0x90: {  	(tm) =	ssettm $0x1  }
0x91: {  	s17 =	sld [smem:$0x3FFB];
	_ =	sdelay $0x3  }
0x92: {  	_ =	strace s17  }
0x93: {  	s2 =	sld [smem:$0x3FFC];
	_ =	sdelay $0x3  }
0x94: {  	_ =	strace s2  }
0x95: {  	s2 =	sld [smem:$0x3FFD];
	_ =	sdelay $0x3  }
0x96: {  	_ =	strace s2  }
0x97: {  	_ =	strace $0x8FFFFFFF  }
0x98: {  	s18 =	sld [smem:$0x3FDB];
	_ =	sdelay $0x1  }
0x99: {  	s19 =	simm.s32 $_scs_section_size  }
0x9a: {  	s4 =	simm.s32 $_size__tile_overlayer_lowered;
	s5 =	simm.s32 $_tile_overlayer_lowered  }
0x9b: {  	s22 =	simm.s32 $0x1BFF;
	s21 =	sshll.u32 s5, $0x1;
	s2 =	sadd.s32 s19, s18  }
0x9c: {  	s6 =	simm.s32 $0x0;
	s20 =	sshll.u32 s4, $0x1;
	s4 =	sadd.s32 s21, s2  }
0x9d: {  	[timem:s6], [sflag:s22] =	dma.local [hbm:s4], s20  }
0x9e: {  	_ =	swait.ge [sflag:s22], s20  }
0x9f: {  	s3 =	ssub.s32 $0x0, s20;
	[sflag:s22] =	ssyncset.done $0x0  }
0xa0: {  	[sflag:s22] =	ssyncadd.s32 s3;
	_ =	sdelay $0x1  }
0xa1: {  	s23 =	simm.s32 $0x1B8B  }
0xa2: {  	_ =	swait.ge [sflag:s23], $0x1  }
0xa3: {  	[sflag:s23] =	ssyncset.done $0x0  }
0xa4: {  	s25 =	simm.s32 $0x1B8E;
	s24 =	sld [smem:$0x3FFE];
	[sflag:s23] =	ssyncadd.s32 $0xFFFFFFFF  }
0xa5: {  	s26 =	simm.s32 $execute0_lowered;
	[smem:$0x3FD2] =	sst s25  }
0xa6: {  	s4 =	sshll.u32 s26, $0x1;
	_ =	strace $0x80000046;
	[dreg:$0x1] =	wrdreg $0xFFFFFFFF  }
0xa7: {  	s28 =	simm.s32 $_size_execute0_lowered;
	s2 =	sadd.s32 s2, s4;
	[dreg:$0x0] =	wrdreg $0x0  }
0xa8: {  	s4 =	sshll.u32 s28, $0x1;
	[dreg:$0x2] =	wrdreg s2  }
0xa9: {  	[dreg:$0x3] =	wrdreg s4  }
0xaa: {  	[dreg:$0x4] =	wrdreg $0xC0  }
0xab: {  	_ =	task [dreg:s6], $0x5FFFF  }
0xac: {  	[dreg:$0x1] =	wrdreg $0xFFFFFFFF  }
0xad: {  	[dreg:$0x0] =	wrdreg $0x60  }
0xae: {  	[dreg:$0x2] =	wrdreg s24  }
0xaf: {  	[dreg:$0x3] =	wrdreg $0x9  }
0xb0: {  	_ =	task.clear_ibuf [dreg:s6], $0x4FFFF;
	_ =	strace $0x90000046  }
0xb1: {  	s29 =	simm.s32 $0x9;
	_ =	strace $0x80000048  }
0xb2: {  	_ =	swait.ge [sflag:s29], $0x1  }
0xb3: {  	[sflag:s29] =	ssyncadd.s32 $0xFFFFFFFF  }
0xb4: {  	_ =	strace $0x90000048  }
0xb5: {  	_ =	sfence  }
0xb6: {  	s30 =	sld [smem:$0x0];
	_ =	sdelay $0x2  }
0xb7: {  	s31 =	sshll.u32 s1, $0xD;
	s1 =	sshrl.u32 s1, $0x2  }
0xb8: {  	s3 =	sand.u32 $0x4000, s31;
	s1 =	sadd.s32 s1, s30  }
0xb9: {  	s0 =	sor.u32 s3, s0;
	s1 =	sshll.u32 s1, $0x11  }
0xba: {  	s0 =	sor.u32 s1, s0  }
0xbb: {  	s0 =	sadd.s32 $0x8F2B, s0  }
0xbc: {  	[sflag:s0] =	ssyncadd.remote.s32 $0x1  }
0xbd: {  	_ =	sfence.sel $0xFFFF  }
0xbe: {  	[dreg:$0x0] =	wrdreg $0xFFFFFFFF;
	(pc) =	sbr.abs _section_cstart, $3  }
0xbf: {  	[dreg:$0x1] =	wrdreg $0xFFFFFFFF  }
0xc0: {  	_ =	task.clear_ibuf [dreg:s6], $0x2FFFF;
	_ =	strace $0x9FFFFFFF  }
0xc1: {  	(tm) =	ssettm $0x7FFFFFFF  }
tec
execute0_lowered:
.L_overlay_start_1:
0x0: {  	(tag) =	ssettag $0x1  }
0x1: {  	s1 =	srdreg.scid  }
0x2: {  	s0 =	stileid.u32;
	s5 =	rddreg [dreg:$0x0]  }
0x3: {  	s2 =	simm.s32 $0x0;
	s10 =	simm.s32 $0xC000;
	s11 =	simm.s32 $0x1  }
0x4: {  	s12 =	simm.s32 $0x18000;
	s13 =	simm.s32 $0x2;
	s14 =	simm.s32 $0x1B000  }
0x5: {  	s15 =	simm.s32 $0x3;
	s4 =	sand.u32 $0x1, s1;
	s3 =	sshll.u32 s0, $0x1  }
0x6: {  	s16 =	simm.s32 $0x4;
	s1 =	rddreg [dreg:$0x1];
	s3 =	sor.u32 s4, s3  }
0x7: {  	s17 =	simm.s32 $0x0;
	[smem:$0x7FF] =	sst s2;
	s6 =	smul.u32 $0x9EB, s3  }
0x8: {  	p0 =	seq.s32 s0, $0x0;
	_ =	strace $0x80000047;
	s7 =	smin.u32 s3, $0x2  }
0x9: {  	s8 =	ssub.s32 $0x2, s4;
	s3 =	sadd.s32 $0xC00, s5;
	s4 =	sadd.s32 s7, s6  }
0xa: {  	s5 =	sadd.s32 $0x27AD000, s5;
	s9 =	sshrl.u32 s8, $0x1;
	s7 =	sshll.u32 s4, $0x9  }
0xb: {  	s9 =	ssub.s32 s8, s9;
	s6 =	simm.s32 $0x9E0;
	s7 =	sadd.s32 s3, s7  }
0xc: {  	s9 =	smax.u32 s9, $0x1;
	s6 =	simm.s32 @!p0 $0x9DF;
	s8 =	sadd.s32 $0x1800, s7  }
.LBB2_1:
0xd: {  	[tilespmem:s2], [sflag:$0x1] =	stream.linear.gather [hbm4b:s7+s2], $0xC000, $0x38;
	[tilespmem:$0x1E000] =	vst v63  }
0xe: {  	s18 =	simm.s32 $0x0  }
0xf: {  	[tilespmem:s10], [sflag:$0x2] =	stream.linear.gather [hbm4b:s8+s2], $0xC000, $0x38;
	[tilespmem:$0x1E000] =	vst v63  }
.LBB2_2:
0x10: {  	_ =	swait.ge [sflag:s11], $0xC000  }
0x11: {  	p1 =	seq.s32 s18, $0x0;
	[sflag:s11] =	ssyncset.done $0x0  }
0x12: {  	s19 =	simm.s32 @!p1 $0x3;
	[sflag:s11] =	ssyncadd.s32 $0xFFFF4000  }
0x13: {  	_ =	swait.ge @!p1 [sflag:s19], $0x3000  }
0x14: {  	[sflag:s19] =	ssyncset.done @!p1 $0x0  }
0x15: {  	s31 =	simm.s32 $0x0;
	[sflag:s19] =	ssyncadd.s32 @!p1 $0xFFFFD000  }
0x16: {  	v0 =	vld [tilespmem:s31+$0x0];
	_ =	sdelay $0x3  }
0x17: {  	s21 =	simm.s32 $0x18100  }
0x18: {  	[tilespmem:s21+$0xFFFFFF00] =	vst v0  }
0x19: {  	v0 =	vld [tilespmem:s31+$0x10];
	_ =	sdelay $0x4  }
0x1a: {  	[tilespmem:s21+$0xFFFFFF10] =	vst v0  }
0x1b: {  	v0 =	vld [tilespmem:s31+$0x80];
	_ =	sdelay $0x4  }
0x1c: {  	[tilespmem:s21+$0xFFFFFF20] =	vst v0  }
0x1d: {  	v0 =	vld [tilespmem:s31+$0x90];
	_ =	sdelay $0x4  }
0x1e: {  	[tilespmem:s21+$0xFFFFFF30] =	vst v0  }
0x1f: {  	v0 =	vld [tilespmem:s31+$0x100];
	_ =	sdelay $0x4  }
0x20: {  	[tilespmem:s21+$0xFFFFFF40] =	vst v0  }
0x21: {  	v0 =	vld [tilespmem:s31+$0x110];
	_ =	sdelay $0x4  }
0x22: {  	[tilespmem:s21+$0xFFFFFF50] =	vst v0  }
0x23: {  	v0 =	vld [tilespmem:s31+$0x180];
	_ =	sdelay $0x4  }
0x24: {  	[tilespmem:s21+$0xFFFFFF60] =	vst v0  }
0x25: {  	v0 =	vld [tilespmem:s31+$0x190];
	_ =	sdelay $0x4  }
0x26: {  	[tilespmem:s21+$0xFFFFFF70] =	vst v0  }
0x27: {  	v0 =	vld [tilespmem:s31+$0x200];
	_ =	sdelay $0x4  }
0x28: {  	[tilespmem:s21+$0xFFFFFF80] =	vst v0  }
0x29: {  	v0 =	vld [tilespmem:s31+$0x210];
	_ =	sdelay $0x4  }
0x2a: {  	[tilespmem:s21+$0xFFFFFF90] =	vst v0  }
0x2b: {  	v0 =	vld [tilespmem:s31+$0x280];
	_ =	sdelay $0x4  }
0x2c: {  	[tilespmem:s21+$0xFFFFFFA0] =	vst v0  }
0x2d: {  	v0 =	vld [tilespmem:s31+$0x290];
	_ =	sdelay $0x4  }
0x2e: {  	[tilespmem:s21+$0xFFFFFFB0] =	vst v0  }
0x2f: {  	v0 =	vld [tilespmem:s31+$0x300];
	_ =	sdelay $0x4  }
0x30: {  	[tilespmem:s21+$0xFFFFFFC0] =	vst v0  }
0x31: {  	v0 =	vld [tilespmem:s31+$0x310];
	_ =	sdelay $0x4  }
0x32: {  	[tilespmem:s21+$0xFFFFFFD0] =	vst v0  }
0x33: {  	v0 =	vld [tilespmem:s31+$0x380];
	_ =	sdelay $0x4  }
0x34: {  	[tilespmem:s21+$0xFFFFFFE0] =	vst v0  }
0x35: {  	v0 =	vld [tilespmem:s31+$0x390];
	_ =	sdelay $0x4  }
0x36: {  	[tilespmem:s21+$0xFFFFFFF0] =	vst v0  }
0x37: {  	v0 =	vld [tilespmem:s31+$0x400];
	_ =	sdelay $0x4  }
0x38: {  	[tilespmem:s21+$0x0] =	vst v0  }
0x39: {  	v0 =	vld [tilespmem:s31+$0x410];
	_ =	sdelay $0x4  }
0x3a: {  	[tilespmem:s21+$0x10] =	vst v0  }
0x3b: {  	v0 =	vld [tilespmem:s31+$0x480];
	_ =	sdelay $0x4  }
0x3c: {  	[tilespmem:s21+$0x20] =	vst v0  }
0x3d: {  	v0 =	vld [tilespmem:s31+$0x490];
	_ =	sdelay $0x4  }
0x3e: {  	[tilespmem:s21+$0x30] =	vst v0  }
0x3f: {  	v0 =	vld [tilespmem:s31+$0x500];
	_ =	sdelay $0x4  }
0x40: {  	[tilespmem:s21+$0x40] =	vst v0  }
0x41: {  	v0 =	vld [tilespmem:s31+$0x510];
	_ =	sdelay $0x4  }
0x42: {  	[tilespmem:s21+$0x50] =	vst v0  }
0x43: {  	v0 =	vld [tilespmem:s31+$0x580];
	_ =	sdelay $0x4  }
0x44: {  	[tilespmem:s21+$0x60] =	vst v0  }
0x45: {  	v0 =	vld [tilespmem:s31+$0x590];
	_ =	sdelay $0x4  }
0x46: {  	[tilespmem:s21+$0x70] =	vst v0  }
0x47: {  	v0 =	vld [tilespmem:s31+$0x600];
	_ =	sdelay $0x4  }
0x48: {  	[tilespmem:s21+$0x80] =	vst v0  }
0x49: {  	v0 =	vld [tilespmem:s31+$0x610];
	_ =	sdelay $0x4  }
0x4a: {  	[tilespmem:s21+$0x90] =	vst v0  }
0x4b: {  	v0 =	vld [tilespmem:s31+$0x680];
	_ =	sdelay $0x4  }
0x4c: {  	[tilespmem:s21+$0xA0] =	vst v0  }
0x4d: {  	v0 =	vld [tilespmem:s31+$0x690];
	_ =	sdelay $0x4  }
0x4e: {  	[tilespmem:s21+$0xB0] =	vst v0  }
0x4f: {  	v0 =	vld [tilespmem:s31+$0x700];
	_ =	sdelay $0x4  }
0x50: {  	[tilespmem:s21+$0xC0] =	vst v0  }
0x51: {  	v0 =	vld [tilespmem:s31+$0x710];
	_ =	sdelay $0x4  }
0x52: {  	[tilespmem:s21+$0xD0] =	vst v0  }
0x53: {  	v0 =	vld [tilespmem:s31+$0x780];
	_ =	sdelay $0x4  }
0x54: {  	[tilespmem:s21+$0xE0] =	vst v0  }
0x55: {  	v0 =	vld [tilespmem:s31+$0x790]  }
0x56: {  	s19 =	smul.u32 $0x18, s18;
	_ =	sdelay $0x1  }
0x57: {  	s20 =	smov.u32 s6;
	p0 =	slt.s32 s19, s6  }
0x58: {  	s20 =	smov.u32 @p0 s19  }
0x59: {  	s22 =	simm.s32 $0x800;
	s23 =	simm.s32 $0x4000;
	s20 =	sadd.s32 s4, s20;
	[tilespmem:s21+$0xF0] =	vst v0  }
.LBB2_3:
0x5a: {  	p0 =	sne.s32 s23, $0x2E000;
	v0 =	vld [tilespmem:s22+$0x0];
	_ =	sdelay $0x3  }
0x5b: {  	s21 =	sadd.s32 $0x200, s21  }
0x5c: {  	[tilespmem:s21+$0xFFFFFF00] =	vst v0  }
0x5d: {  	v0 =	vld [tilespmem:s22+$0x10];
	_ =	sdelay $0x4  }
0x5e: {  	[tilespmem:s21+$0xFFFFFF10] =	vst v0  }
0x5f: {  	v0 =	vld [tilespmem:s22+$0x80];
	_ =	sdelay $0x4  }
0x60: {  	[tilespmem:s21+$0xFFFFFF20] =	vst v0  }
0x61: {  	v0 =	vld [tilespmem:s22+$0x90];
	_ =	sdelay $0x4  }
0x62: {  	[tilespmem:s21+$0xFFFFFF30] =	vst v0  }
0x63: {  	v0 =	vld [tilespmem:s22+$0x100];
	_ =	sdelay $0x4  }
0x64: {  	[tilespmem:s21+$0xFFFFFF40] =	vst v0  }
0x65: {  	v0 =	vld [tilespmem:s22+$0x110];
	_ =	sdelay $0x4  }
0x66: {  	[tilespmem:s21+$0xFFFFFF50] =	vst v0  }
0x67: {  	v0 =	vld [tilespmem:s22+$0x180];
	_ =	sdelay $0x4  }
0x68: {  	[tilespmem:s21+$0xFFFFFF60] =	vst v0  }
0x69: {  	v0 =	vld [tilespmem:s22+$0x190];
	_ =	sdelay $0x4  }
0x6a: {  	[tilespmem:s21+$0xFFFFFF70] =	vst v0  }
0x6b: {  	v0 =	vld [tilespmem:s22+$0x200];
	_ =	sdelay $0x4  }
0x6c: {  	[tilespmem:s21+$0xFFFFFF80] =	vst v0  }
0x6d: {  	v0 =	vld [tilespmem:s22+$0x210];
	_ =	sdelay $0x4  }
0x6e: {  	[tilespmem:s21+$0xFFFFFF90] =	vst v0  }
0x6f: {  	v0 =	vld [tilespmem:s22+$0x280];
	_ =	sdelay $0x4  }
0x70: {  	[tilespmem:s21+$0xFFFFFFA0] =	vst v0  }
0x71: {  	v0 =	vld [tilespmem:s22+$0x290];
	_ =	sdelay $0x4  }
0x72: {  	[tilespmem:s21+$0xFFFFFFB0] =	vst v0  }
0x73: {  	v0 =	vld [tilespmem:s22+$0x300];
	_ =	sdelay $0x4  }
0x74: {  	[tilespmem:s21+$0xFFFFFFC0] =	vst v0  }
0x75: {  	v0 =	vld [tilespmem:s22+$0x310];
	_ =	sdelay $0x4  }
0x76: {  	[tilespmem:s21+$0xFFFFFFD0] =	vst v0  }
0x77: {  	v0 =	vld [tilespmem:s22+$0x380];
	_ =	sdelay $0x4  }
0x78: {  	[tilespmem:s21+$0xFFFFFFE0] =	vst v0  }
0x79: {  	v0 =	vld [tilespmem:s22+$0x390];
	_ =	sdelay $0x4  }
0x7a: {  	[tilespmem:s21+$0xFFFFFFF0] =	vst v0  }
0x7b: {  	v0 =	vld [tilespmem:s22+$0x400];
	_ =	sdelay $0x4  }
0x7c: {  	[tilespmem:s21+$0x0] =	vst v0  }
0x7d: {  	v0 =	vld [tilespmem:s22+$0x410];
	_ =	sdelay $0x4  }
0x7e: {  	[tilespmem:s21+$0x10] =	vst v0  }
0x7f: {  	v0 =	vld [tilespmem:s22+$0x480];
	_ =	sdelay $0x4  }
0x80: {  	[tilespmem:s21+$0x20] =	vst v0  }
0x81: {  	v0 =	vld [tilespmem:s22+$0x490];
	_ =	sdelay $0x4  }
0x82: {  	[tilespmem:s21+$0x30] =	vst v0  }
0x83: {  	v0 =	vld [tilespmem:s22+$0x500];
	_ =	sdelay $0x4  }
0x84: {  	[tilespmem:s21+$0x40] =	vst v0  }
0x85: {  	v0 =	vld [tilespmem:s22+$0x510];
	_ =	sdelay $0x4  }
0x86: {  	[tilespmem:s21+$0x50] =	vst v0  }
0x87: {  	v0 =	vld [tilespmem:s22+$0x580];
	_ =	sdelay $0x4  }
0x88: {  	[tilespmem:s21+$0x60] =	vst v0  }
0x89: {  	v0 =	vld [tilespmem:s22+$0x590];
	_ =	sdelay $0x4  }
0x8a: {  	[tilespmem:s21+$0x70] =	vst v0  }
0x8b: {  	v0 =	vld [tilespmem:s22+$0x600];
	_ =	sdelay $0x4  }
0x8c: {  	[tilespmem:s21+$0x80] =	vst v0  }
0x8d: {  	v0 =	vld [tilespmem:s22+$0x610];
	_ =	sdelay $0x4  }
0x8e: {  	[tilespmem:s21+$0x90] =	vst v0  }
0x8f: {  	v0 =	vld [tilespmem:s22+$0x680];
	_ =	sdelay $0x4  }
0x90: {  	[tilespmem:s21+$0xA0] =	vst v0  }
0x91: {  	v0 =	vld [tilespmem:s22+$0x690];
	_ =	sdelay $0x4  }
0x92: {  	[tilespmem:s21+$0xB0] =	vst v0  }
0x93: {  	v0 =	vld [tilespmem:s22+$0x700];
	_ =	sdelay $0x4  }
0x94: {  	[tilespmem:s21+$0xC0] =	vst v0  }
0x95: {  	v0 =	vld [tilespmem:s22+$0x710];
	_ =	sdelay $0x4  }
0x96: {  	[tilespmem:s21+$0xD0] =	vst v0  }
0x97: {  	v0 =	vld [tilespmem:s22+$0x780];
	_ =	sdelay $0x4  }
0x98: {  	[tilespmem:s21+$0xE0] =	vst v0  }
0x99: {  	v0 =	vld [tilespmem:s22+$0x790]  }
.Ltmp0:
0x9a: {  	(pc) =	sbr.rel @p0 .LBB2_3-.Ltmp0, $2  }
0x9b: {  	_ =	sdelay $0x2  }
0x9c: {  	s22 =	sshra.s32 s23, $0x2;
	s23 =	sadd.s32 $0x2000, s23;
	[tilespmem:s21+$0xF0] =	vst v0  }
0x9d: {  	v0 =	vld [tilespmem:s22+$0x0];
	_ =	sdelay $0x3  }
0x9e: {  	s21 =	sadd.s32 $0x200, s21  }
0x9f: {  	[tilespmem:s21+$0xFFFFFF00] =	vst v0  }
0xa0: {  	v0 =	vld [tilespmem:s22+$0x10];
	_ =	sdelay $0x4  }
0xa1: {  	[tilespmem:s21+$0xFFFFFF10] =	vst v0  }
0xa2: {  	v0 =	vld [tilespmem:s22+$0x80];
	_ =	sdelay $0x4  }
0xa3: {  	[tilespmem:s21+$0xFFFFFF20] =	vst v0  }
0xa4: {  	v0 =	vld [tilespmem:s22+$0x90];
	_ =	sdelay $0x4  }
0xa5: {  	[tilespmem:s21+$0xFFFFFF30] =	vst v0  }
0xa6: {  	v0 =	vld [tilespmem:s22+$0x100];
	_ =	sdelay $0x4  }
0xa7: {  	[tilespmem:s21+$0xFFFFFF40] =	vst v0  }
0xa8: {  	v0 =	vld [tilespmem:s22+$0x110];
	_ =	sdelay $0x4  }
0xa9: {  	[tilespmem:s21+$0xFFFFFF50] =	vst v0  }
0xaa: {  	v0 =	vld [tilespmem:s22+$0x180];
	_ =	sdelay $0x4  }
0xab: {  	[tilespmem:s21+$0xFFFFFF60] =	vst v0  }
0xac: {  	v0 =	vld [tilespmem:s22+$0x190];
	_ =	sdelay $0x4  }
0xad: {  	[tilespmem:s21+$0xFFFFFF70] =	vst v0  }
0xae: {  	v0 =	vld [tilespmem:s22+$0x200];
	_ =	sdelay $0x4  }
0xaf: {  	[tilespmem:s21+$0xFFFFFF80] =	vst v0  }
0xb0: {  	v0 =	vld [tilespmem:s22+$0x210];
	_ =	sdelay $0x4  }
0xb1: {  	[tilespmem:s21+$0xFFFFFF90] =	vst v0  }
0xb2: {  	v0 =	vld [tilespmem:s22+$0x280];
	_ =	sdelay $0x4  }
0xb3: {  	[tilespmem:s21+$0xFFFFFFA0] =	vst v0  }
0xb4: {  	v0 =	vld [tilespmem:s22+$0x290];
	_ =	sdelay $0x4  }
0xb5: {  	[tilespmem:s21+$0xFFFFFFB0] =	vst v0  }
0xb6: {  	v0 =	vld [tilespmem:s22+$0x300];
	_ =	sdelay $0x4  }
0xb7: {  	[tilespmem:s21+$0xFFFFFFC0] =	vst v0  }
0xb8: {  	v0 =	vld [tilespmem:s22+$0x310];
	_ =	sdelay $0x4  }
0xb9: {  	[tilespmem:s21+$0xFFFFFFD0] =	vst v0  }
0xba: {  	v0 =	vld [tilespmem:s22+$0x380];
	_ =	sdelay $0x4  }
0xbb: {  	[tilespmem:s21+$0xFFFFFFE0] =	vst v0  }
0xbc: {  	v0 =	vld [tilespmem:s22+$0x390];
	_ =	sdelay $0x4  }
0xbd: {  	[tilespmem:s21+$0xFFFFFFF0] =	vst v0  }
0xbe: {  	v0 =	vld [tilespmem:s22+$0x400];
	_ =	sdelay $0x4  }
0xbf: {  	[tilespmem:s21+$0x0] =	vst v0  }
0xc0: {  	v0 =	vld [tilespmem:s22+$0x410];
	_ =	sdelay $0x4  }
0xc1: {  	[tilespmem:s21+$0x10] =	vst v0  }
0xc2: {  	v0 =	vld [tilespmem:s22+$0x480];
	_ =	sdelay $0x4  }
0xc3: {  	[tilespmem:s21+$0x20] =	vst v0  }
0xc4: {  	v0 =	vld [tilespmem:s22+$0x490];
	_ =	sdelay $0x4  }
0xc5: {  	[tilespmem:s21+$0x30] =	vst v0  }
0xc6: {  	v0 =	vld [tilespmem:s22+$0x500];
	_ =	sdelay $0x4  }
0xc7: {  	[tilespmem:s21+$0x40] =	vst v0  }
0xc8: {  	v0 =	vld [tilespmem:s22+$0x510];
	_ =	sdelay $0x4  }
0xc9: {  	[tilespmem:s21+$0x50] =	vst v0  }
0xca: {  	v0 =	vld [tilespmem:s22+$0x580];
	_ =	sdelay $0x4  }
0xcb: {  	[tilespmem:s21+$0x60] =	vst v0  }
0xcc: {  	v0 =	vld [tilespmem:s22+$0x590];
	_ =	sdelay $0x4  }
0xcd: {  	[tilespmem:s21+$0x70] =	vst v0  }
0xce: {  	v0 =	vld [tilespmem:s22+$0x600];
	_ =	sdelay $0x4  }
0xcf: {  	[tilespmem:s21+$0x80] =	vst v0  }
0xd0: {  	v0 =	vld [tilespmem:s22+$0x610];
	_ =	sdelay $0x4  }
0xd1: {  	[tilespmem:s21+$0x90] =	vst v0  }
0xd2: {  	v0 =	vld [tilespmem:s22+$0x680];
	_ =	sdelay $0x4  }
0xd3: {  	[tilespmem:s21+$0xA0] =	vst v0  }
0xd4: {  	v0 =	vld [tilespmem:s22+$0x690];
	_ =	sdelay $0x4  }
0xd5: {  	[tilespmem:s21+$0xB0] =	vst v0  }
0xd6: {  	v0 =	vld [tilespmem:s22+$0x700];
	_ =	sdelay $0x4  }
0xd7: {  	[tilespmem:s21+$0xC0] =	vst v0  }
0xd8: {  	v0 =	vld [tilespmem:s22+$0x710];
	_ =	sdelay $0x4  }
0xd9: {  	[tilespmem:s21+$0xD0] =	vst v0  }
0xda: {  	v0 =	vld [tilespmem:s22+$0x780];
	_ =	sdelay $0x2  }
0xdb: {  	p0 =	seq.s32 s18, $0x69  }
0xdc: {  	s23 =	sadd.s32 @!p0 $0x18, s19  }
0xdd: {  	p2 =	slt.s32 @!p0 s23, s6;
	[tilespmem:s21+$0xE0] =	vst v0  }
0xde: {  	p2 =	por !p2, p0;
	v0 =	vld [tilespmem:s22+$0x790]  }
0xdf: {  	s23 =	smov.u32 @p2 s6  }
0xe0: {  	s22 =	sadd.s32 @!p0 s4, s23  }
0xe1: {  	s22 =	sshll.u32 @!p0 s22, $0x9  }
0xe2: {  	s20 =	sshll.u32 s20, $0x7;
	s22 =	sand.u32 @!p0 $0x1FFFFE00, s22  }
0xe3: {  	s20 =	sand.u32 $0x1FFFFF80, s20;
	[tilespmem:s21+$0xF0] =	vst v0;
	s21 =	sadd.s32 @!p0 s3, s22;
	s22 =	simm.s32 @!p0 $0x0  }
0xe4: {  	[tilespmem:s22], [sflag:$0x1] =	stream.linear.gather @!p0 [hbm4b:s21+s22], $0xC000, $0x38;
	[tilespmem:$0x1E000] =	vst v63  }
0xe5: {  	s20 =	sadd.s32 s5, s20  }
0xe6: {  	[hbm4b:s20+s2] =	stream.linear.scatter [tilespmem:s12], [sflag:$0x3], $0x3000, $0x38;
	[tilespmem:$0x1E000] =	vst v63  }
0xe7: {  	_ =	swait.ge [sflag:s13], $0xC000  }
0xe8: {  	[sflag:s13] =	ssyncset.done $0x0  }
0xe9: {  	s20 =	simm.s32 @!p1 $0x4;
	[sflag:s13] =	ssyncadd.s32 $0xFFFF4000  }
0xea: {  	_ =	swait.ge @!p1 [sflag:s20], $0x3000  }
0xeb: {  	[sflag:s20] =	ssyncset.done @!p1 $0x0  }
0xec: {  	s31 =	simm.s32 $0x0;
	[sflag:s20] =	ssyncadd.s32 @!p1 $0xFFFFD000  }
0xed: {  	v63 =	vld [tilespmem:s31+$0xC000];
	_ =	sdelay $0x3  }
0xee: {  	s21 =	simm.s32 $0x1B100  }
0xef: {  	[tilespmem:s21+$0xFFFFFF00] =	vst v63  }
0xf0: {  	v0 =	vld [tilespmem:s31+$0xC010];
	_ =	sdelay $0x4  }
0xf1: {  	[tilespmem:s21+$0xFFFFFF10] =	vst v0  }
0xf2: {  	v0 =	vld [tilespmem:s31+$0xC080];
	_ =	sdelay $0x4  }
0xf3: {  	[tilespmem:s21+$0xFFFFFF20] =	vst v0  }
0xf4: {  	v0 =	vld [tilespmem:s31+$0xC090];
	_ =	sdelay $0x4  }
0xf5: {  	[tilespmem:s21+$0xFFFFFF30] =	vst v0  }
0xf6: {  	v0 =	vld [tilespmem:s31+$0xC100];
	_ =	sdelay $0x4  }
0xf7: {  	[tilespmem:s21+$0xFFFFFF40] =	vst v0  }
0xf8: {  	v0 =	vld [tilespmem:s31+$0xC110];
	_ =	sdelay $0x4  }
0xf9: {  	[tilespmem:s21+$0xFFFFFF50] =	vst v0  }
0xfa: {  	v0 =	vld [tilespmem:s31+$0xC180];
	_ =	sdelay $0x4  }
0xfb: {  	[tilespmem:s21+$0xFFFFFF60] =	vst v0  }
0xfc: {  	v0 =	vld [tilespmem:s31+$0xC190];
	_ =	sdelay $0x4  }
0xfd: {  	[tilespmem:s21+$0xFFFFFF70] =	vst v0  }
0xfe: {  	v0 =	vld [tilespmem:s31+$0xC200];
	_ =	sdelay $0x4  }
0xff: {  	[tilespmem:s21+$0xFFFFFF80] =	vst v0  }
0x100: {  	v0 =	vld [tilespmem:s31+$0xC210];
	_ =	sdelay $0x4  }
0x101: {  	[tilespmem:s21+$0xFFFFFF90] =	vst v0  }
0x102: {  	v0 =	vld [tilespmem:s31+$0xC280];
	_ =	sdelay $0x4  }
0x103: {  	[tilespmem:s21+$0xFFFFFFA0] =	vst v0  }
0x104: {  	v0 =	vld [tilespmem:s31+$0xC290];
	_ =	sdelay $0x4  }
0x105: {  	[tilespmem:s21+$0xFFFFFFB0] =	vst v0  }
0x106: {  	v0 =	vld [tilespmem:s31+$0xC300];
	_ =	sdelay $0x4  }
0x107: {  	[tilespmem:s21+$0xFFFFFFC0] =	vst v0  }
0x108: {  	v0 =	vld [tilespmem:s31+$0xC310];
	_ =	sdelay $0x4  }
0x109: {  	[tilespmem:s21+$0xFFFFFFD0] =	vst v0  }
0x10a: {  	v0 =	vld [tilespmem:s31+$0xC380];
	_ =	sdelay $0x4  }
0x10b: {  	[tilespmem:s21+$0xFFFFFFE0] =	vst v0  }
0x10c: {  	v0 =	vld [tilespmem:s31+$0xC390];
	_ =	sdelay $0x4  }
0x10d: {  	[tilespmem:s21+$0xFFFFFFF0] =	vst v0  }
0x10e: {  	v0 =	vld [tilespmem:s31+$0xC400];
	_ =	sdelay $0x4  }
0x10f: {  	[tilespmem:s21+$0x0] =	vst v0  }
0x110: {  	v0 =	vld [tilespmem:s31+$0xC410];
	_ =	sdelay $0x4  }
0x111: {  	[tilespmem:s21+$0x10] =	vst v0  }
0x112: {  	v0 =	vld [tilespmem:s31+$0xC480];
	_ =	sdelay $0x4  }
0x113: {  	[tilespmem:s21+$0x20] =	vst v0  }
0x114: {  	v0 =	vld [tilespmem:s31+$0xC490];
	_ =	sdelay $0x4  }
0x115: {  	[tilespmem:s21+$0x30] =	vst v0  }
0x116: {  	v0 =	vld [tilespmem:s31+$0xC500];
	_ =	sdelay $0x4  }
0x117: {  	[tilespmem:s21+$0x40] =	vst v0  }
0x118: {  	v0 =	vld [tilespmem:s31+$0xC510];
	_ =	sdelay $0x4  }
0x119: {  	[tilespmem:s21+$0x50] =	vst v0  }
0x11a: {  	v0 =	vld [tilespmem:s31+$0xC580];
	_ =	sdelay $0x4  }
0x11b: {  	[tilespmem:s21+$0x60] =	vst v0  }
0x11c: {  	v0 =	vld [tilespmem:s31+$0xC590];
	_ =	sdelay $0x4  }
0x11d: {  	[tilespmem:s21+$0x70] =	vst v0  }
0x11e: {  	v0 =	vld [tilespmem:s31+$0xC600];
	_ =	sdelay $0x4  }
0x11f: {  	[tilespmem:s21+$0x80] =	vst v0  }
0x120: {  	v0 =	vld [tilespmem:s31+$0xC610];
	_ =	sdelay $0x4  }
0x121: {  	[tilespmem:s21+$0x90] =	vst v0  }
0x122: {  	v0 =	vld [tilespmem:s31+$0xC680];
	_ =	sdelay $0x4  }
0x123: {  	[tilespmem:s21+$0xA0] =	vst v0  }
0x124: {  	v0 =	vld [tilespmem:s31+$0xC690];
	_ =	sdelay $0x4  }
0x125: {  	[tilespmem:s21+$0xB0] =	vst v0  }
0x126: {  	v0 =	vld [tilespmem:s31+$0xC700];
	_ =	sdelay $0x4  }
0x127: {  	[tilespmem:s21+$0xC0] =	vst v0  }
0x128: {  	v0 =	vld [tilespmem:s31+$0xC710];
	_ =	sdelay $0x4  }
0x129: {  	[tilespmem:s21+$0xD0] =	vst v0  }
0x12a: {  	v0 =	vld [tilespmem:s31+$0xC780];
	_ =	sdelay $0x4  }
0x12b: {  	[tilespmem:s21+$0xE0] =	vst v0  }
0x12c: {  	v0 =	vld [tilespmem:s31+$0xC790];
	_ =	sdelay $0x1  }
0x12d: {  	s20 =	sadd.s32 $0xC, s19  }
0x12e: {  	s22 =	smov.u32 s6;
	p1 =	slt.s32 s20, s6  }
0x12f: {  	s22 =	smov.u32 @p1 s20  }
0x130: {  	s23 =	simm.s32 $0x4000;
	s20 =	sadd.s32 s4, s22;
	s22 =	simm.s32 $0x800;
	[tilespmem:s21+$0xF0] =	vst v0  }
.LBB2_5:
0x131: {  	p1 =	sne.s32 s23, $0x2E000;
	v0 =	vld [tilespmem:s22+$0xC000];
	_ =	sdelay $0x3  }
0x132: {  	s21 =	sadd.s32 $0x200, s21  }
0x133: {  	[tilespmem:s21+$0xFFFFFF00] =	vst v0  }
0x134: {  	v0 =	vld [tilespmem:s22+$0xC010];
	_ =	sdelay $0x4  }
0x135: {  	[tilespmem:s21+$0xFFFFFF10] =	vst v0  }
0x136: {  	v0 =	vld [tilespmem:s22+$0xC080];
	_ =	sdelay $0x4  }
0x137: {  	[tilespmem:s21+$0xFFFFFF20] =	vst v0  }
0x138: {  	v0 =	vld [tilespmem:s22+$0xC090];
	_ =	sdelay $0x4  }
0x139: {  	[tilespmem:s21+$0xFFFFFF30] =	vst v0  }
0x13a: {  	v0 =	vld [tilespmem:s22+$0xC100];
	_ =	sdelay $0x4  }
0x13b: {  	[tilespmem:s21+$0xFFFFFF40] =	vst v0  }
0x13c: {  	v0 =	vld [tilespmem:s22+$0xC110];
	_ =	sdelay $0x4  }
0x13d: {  	[tilespmem:s21+$0xFFFFFF50] =	vst v0  }
0x13e: {  	v0 =	vld [tilespmem:s22+$0xC180];
	_ =	sdelay $0x4  }
0x13f: {  	[tilespmem:s21+$0xFFFFFF60] =	vst v0  }
0x140: {  	v0 =	vld [tilespmem:s22+$0xC190];
	_ =	sdelay $0x4  }
0x141: {  	[tilespmem:s21+$0xFFFFFF70] =	vst v0  }
0x142: {  	v0 =	vld [tilespmem:s22+$0xC200];
	_ =	sdelay $0x4  }
0x143: {  	[tilespmem:s21+$0xFFFFFF80] =	vst v0  }
0x144: {  	v0 =	vld [tilespmem:s22+$0xC210];
	_ =	sdelay $0x4  }
0x145: {  	[tilespmem:s21+$0xFFFFFF90] =	vst v0  }
0x146: {  	v0 =	vld [tilespmem:s22+$0xC280];
	_ =	sdelay $0x4  }
0x147: {  	[tilespmem:s21+$0xFFFFFFA0] =	vst v0  }
0x148: {  	v0 =	vld [tilespmem:s22+$0xC290];
	_ =	sdelay $0x4  }
0x149: {  	[tilespmem:s21+$0xFFFFFFB0] =	vst v0  }
0x14a: {  	v0 =	vld [tilespmem:s22+$0xC300];
	_ =	sdelay $0x4  }
0x14b: {  	[tilespmem:s21+$0xFFFFFFC0] =	vst v0  }
0x14c: {  	v0 =	vld [tilespmem:s22+$0xC310];
	_ =	sdelay $0x4  }
0x14d: {  	[tilespmem:s21+$0xFFFFFFD0] =	vst v0  }
0x14e: {  	v0 =	vld [tilespmem:s22+$0xC380];
	_ =	sdelay $0x4  }
0x14f: {  	[tilespmem:s21+$0xFFFFFFE0] =	vst v0  }
0x150: {  	v0 =	vld [tilespmem:s22+$0xC390];
	_ =	sdelay $0x4  }
0x151: {  	[tilespmem:s21+$0xFFFFFFF0] =	vst v0  }
0x152: {  	v0 =	vld [tilespmem:s22+$0xC400];
	_ =	sdelay $0x4  }
0x153: {  	[tilespmem:s21+$0x0] =	vst v0  }
0x154: {  	v0 =	vld [tilespmem:s22+$0xC410];
	_ =	sdelay $0x4  }
0x155: {  	[tilespmem:s21+$0x10] =	vst v0  }
0x156: {  	v0 =	vld [tilespmem:s22+$0xC480];
	_ =	sdelay $0x4  }
0x157: {  	[tilespmem:s21+$0x20] =	vst v0  }
0x158: {  	v0 =	vld [tilespmem:s22+$0xC490];
	_ =	sdelay $0x4  }
0x159: {  	[tilespmem:s21+$0x30] =	vst v0  }
0x15a: {  	v0 =	vld [tilespmem:s22+$0xC500];
	_ =	sdelay $0x4  }
0x15b: {  	[tilespmem:s21+$0x40] =	vst v0  }
0x15c: {  	v0 =	vld [tilespmem:s22+$0xC510];
	_ =	sdelay $0x4  }
0x15d: {  	[tilespmem:s21+$0x50] =	vst v0  }
0x15e: {  	v0 =	vld [tilespmem:s22+$0xC580];
	_ =	sdelay $0x4  }
0x15f: {  	[tilespmem:s21+$0x60] =	vst v0  }
0x160: {  	v0 =	vld [tilespmem:s22+$0xC590];
	_ =	sdelay $0x4  }
0x161: {  	[tilespmem:s21+$0x70] =	vst v0  }
0x162: {  	v0 =	vld [tilespmem:s22+$0xC600];
	_ =	sdelay $0x4  }
0x163: {  	[tilespmem:s21+$0x80] =	vst v0  }
0x164: {  	v0 =	vld [tilespmem:s22+$0xC610];
	_ =	sdelay $0x4  }
0x165: {  	[tilespmem:s21+$0x90] =	vst v0  }
0x166: {  	v0 =	vld [tilespmem:s22+$0xC680];
	_ =	sdelay $0x4  }
0x167: {  	[tilespmem:s21+$0xA0] =	vst v0  }
0x168: {  	v0 =	vld [tilespmem:s22+$0xC690];
	_ =	sdelay $0x4  }
0x169: {  	[tilespmem:s21+$0xB0] =	vst v0  }
0x16a: {  	v0 =	vld [tilespmem:s22+$0xC700];
	_ =	sdelay $0x4  }
0x16b: {  	[tilespmem:s21+$0xC0] =	vst v0  }
0x16c: {  	v0 =	vld [tilespmem:s22+$0xC710];
	_ =	sdelay $0x4  }
0x16d: {  	[tilespmem:s21+$0xD0] =	vst v0  }
0x16e: {  	v0 =	vld [tilespmem:s22+$0xC780];
	_ =	sdelay $0x4  }
0x16f: {  	[tilespmem:s21+$0xE0] =	vst v0  }
0x170: {  	v0 =	vld [tilespmem:s22+$0xC790]  }
.Ltmp1:
0x171: {  	(pc) =	sbr.rel @p1 .LBB2_5-.Ltmp1, $2  }
0x172: {  	_ =	sdelay $0x2  }
0x173: {  	s22 =	sshra.s32 s23, $0x2;
	s23 =	sadd.s32 $0x2000, s23;
	[tilespmem:s21+$0xF0] =	vst v0  }
0x174: {  	v0 =	vld [tilespmem:s22+$0xC000];
	_ =	sdelay $0x3  }
0x175: {  	s21 =	sadd.s32 $0x200, s21  }
0x176: {  	[tilespmem:s21+$0xFFFFFF00] =	vst v0  }
0x177: {  	v0 =	vld [tilespmem:s22+$0xC010];
	_ =	sdelay $0x4  }
0x178: {  	[tilespmem:s21+$0xFFFFFF10] =	vst v0  }
0x179: {  	v0 =	vld [tilespmem:s22+$0xC080];
	_ =	sdelay $0x4  }
0x17a: {  	[tilespmem:s21+$0xFFFFFF20] =	vst v0  }
0x17b: {  	v0 =	vld [tilespmem:s22+$0xC090];
	_ =	sdelay $0x4  }
0x17c: {  	[tilespmem:s21+$0xFFFFFF30] =	vst v0  }
0x17d: {  	v0 =	vld [tilespmem:s22+$0xC100];
	_ =	sdelay $0x4  }
0x17e: {  	[tilespmem:s21+$0xFFFFFF40] =	vst v0  }
0x17f: {  	v0 =	vld [tilespmem:s22+$0xC110];
	_ =	sdelay $0x4  }
0x180: {  	[tilespmem:s21+$0xFFFFFF50] =	vst v0  }
0x181: {  	v0 =	vld [tilespmem:s22+$0xC180];
	_ =	sdelay $0x4  }
0x182: {  	[tilespmem:s21+$0xFFFFFF60] =	vst v0  }
0x183: {  	v0 =	vld [tilespmem:s22+$0xC190];
	_ =	sdelay $0x4  }
0x184: {  	[tilespmem:s21+$0xFFFFFF70] =	vst v0  }
0x185: {  	v0 =	vld [tilespmem:s22+$0xC200];
	_ =	sdelay $0x4  }
0x186: {  	[tilespmem:s21+$0xFFFFFF80] =	vst v0  }
0x187: {  	v0 =	vld [tilespmem:s22+$0xC210];
	_ =	sdelay $0x4  }
0x188: {  	[tilespmem:s21+$0xFFFFFF90] =	vst v0  }
0x189: {  	v0 =	vld [tilespmem:s22+$0xC280];
	_ =	sdelay $0x4  }
0x18a: {  	[tilespmem:s21+$0xFFFFFFA0] =	vst v0  }
0x18b: {  	v0 =	vld [tilespmem:s22+$0xC290];
	_ =	sdelay $0x4  }
0x18c: {  	[tilespmem:s21+$0xFFFFFFB0] =	vst v0  }
0x18d: {  	v0 =	vld [tilespmem:s22+$0xC300];
	_ =	sdelay $0x4  }
0x18e: {  	[tilespmem:s21+$0xFFFFFFC0] =	vst v0  }
0x18f: {  	v0 =	vld [tilespmem:s22+$0xC310];
	_ =	sdelay $0x4  }
0x190: {  	[tilespmem:s21+$0xFFFFFFD0] =	vst v0  }
0x191: {  	v0 =	vld [tilespmem:s22+$0xC380];
	_ =	sdelay $0x4  }
0x192: {  	[tilespmem:s21+$0xFFFFFFE0] =	vst v0  }
0x193: {  	v0 =	vld [tilespmem:s22+$0xC390];
	_ =	sdelay $0x4  }
0x194: {  	[tilespmem:s21+$0xFFFFFFF0] =	vst v0  }
0x195: {  	v0 =	vld [tilespmem:s22+$0xC400];
	_ =	sdelay $0x4  }
0x196: {  	[tilespmem:s21+$0x0] =	vst v0  }
0x197: {  	v0 =	vld [tilespmem:s22+$0xC410];
	_ =	sdelay $0x4  }
0x198: {  	[tilespmem:s21+$0x10] =	vst v0  }
0x199: {  	v0 =	vld [tilespmem:s22+$0xC480];
	_ =	sdelay $0x4  }
0x19a: {  	[tilespmem:s21+$0x20] =	vst v0  }
0x19b: {  	v0 =	vld [tilespmem:s22+$0xC490];
	_ =	sdelay $0x4  }
0x19c: {  	[tilespmem:s21+$0x30] =	vst v0  }
0x19d: {  	v0 =	vld [tilespmem:s22+$0xC500];
	_ =	sdelay $0x4  }
0x19e: {  	[tilespmem:s21+$0x40] =	vst v0  }
0x19f: {  	v0 =	vld [tilespmem:s22+$0xC510];
	_ =	sdelay $0x4  }
0x1a0: {  	[tilespmem:s21+$0x50] =	vst v0  }
0x1a1: {  	v0 =	vld [tilespmem:s22+$0xC580];
	_ =	sdelay $0x4  }
0x1a2: {  	[tilespmem:s21+$0x60] =	vst v0  }
0x1a3: {  	v0 =	vld [tilespmem:s22+$0xC590];
	_ =	sdelay $0x4  }
0x1a4: {  	[tilespmem:s21+$0x70] =	vst v0  }
0x1a5: {  	v0 =	vld [tilespmem:s22+$0xC600];
	_ =	sdelay $0x4  }
0x1a6: {  	[tilespmem:s21+$0x80] =	vst v0  }
0x1a7: {  	v0 =	vld [tilespmem:s22+$0xC610];
	_ =	sdelay $0x4  }
0x1a8: {  	[tilespmem:s21+$0x90] =	vst v0  }
0x1a9: {  	v0 =	vld [tilespmem:s22+$0xC680];
	_ =	sdelay $0x4  }
0x1aa: {  	[tilespmem:s21+$0xA0] =	vst v0  }
0x1ab: {  	v0 =	vld [tilespmem:s22+$0xC690];
	_ =	sdelay $0x4  }
0x1ac: {  	[tilespmem:s21+$0xB0] =	vst v0  }
0x1ad: {  	v0 =	vld [tilespmem:s22+$0xC700];
	_ =	sdelay $0x4  }
0x1ae: {  	[tilespmem:s21+$0xC0] =	vst v0  }
0x1af: {  	v0 =	vld [tilespmem:s22+$0xC710];
	_ =	sdelay $0x4  }
0x1b0: {  	[tilespmem:s21+$0xD0] =	vst v0  }
0x1b1: {  	v0 =	vld [tilespmem:s22+$0xC780];
	_ =	sdelay $0x3  }
0x1b2: {  	s19 =	sadd.s32 @!p0 $0x24, s19  }
0x1b3: {  	p1 =	slt.s32 @!p0 s19, s6;
	[tilespmem:s21+$0xE0] =	vst v0  }
0x1b4: {  	p1 =	por !p1, p0;
	v0 =	vld [tilespmem:s22+$0xC790]  }
0x1b5: {  	s19 =	smov.u32 @p1 s6  }
0x1b6: {  	s19 =	sadd.s32 @!p0 s4, s19  }
0x1b7: {  	s19 =	sshll.u32 @!p0 s19, $0x9  }
0x1b8: {  	s18 =	sadd.s32 $0x1, s18;
	s19 =	sand.u32 @!p0 $0x1FFFFE00, s19  }
0x1b9: {  	s19 =	sadd.s32 @!p0 s3, s19;
	s22 =	simm.s32 @!p0 $0xC000;
	[tilespmem:s21+$0xF0] =	vst v0;
	s21 =	simm.s32 @!p0 $0x0  }
0x1ba: {  	[tilespmem:s22], [sflag:$0x2] =	stream.linear.gather @!p0 [hbm4b:s19+s21], $0xC000, $0x38;
	[tilespmem:$0x1E000] =	vst v63  }
0x1bb: {  	p0 =	sne.s32 s18, $0x6A  }
.Ltmp2:
0x1bc: {  	_ = 	snop;
	(pc) =	sbr.rel @p0 .LBB2_2-.Ltmp2, $4  }
0x1bd: {  	s31 =	sshll.u32 s20, $0x7  }
0x1be: {  	s19 =	sand.u32 $0x1FFFFF80, s31  }
0x1bf: {  	s19 =	sadd.s32 s5, s19  }
0x1c0: {  	[hbm4b:s19+s2] =	stream.linear.scatter [tilespmem:s14], [sflag:$0x4], $0x3000, $0x38;
	[tilespmem:$0x1E000] =	vst v63  }
0x1c1: {  	s17 =	sadd.s32 $0x1, s17  }
0x1c2: {  	_ =	swait.ge [sflag:s15], $0x3000;
	p0 =	sne.s32 s17, s9  }
.Ltmp3:
0x1c3: {  	[sflag:s15] =	ssyncset.done $0x0;
	(pc) =	sbr.rel @p0 .LBB2_1-.Ltmp3, $4  }
0x1c4: {  	[sflag:s15] =	ssyncadd.s32 $0xFFFFD000  }
0x1c5: {  	_ =	swait.ge [sflag:s16], $0x3000  }
0x1c6: {  	[sflag:s16] =	ssyncset.done $0x0  }
0x1c7: {  	[sflag:s16] =	ssyncadd.s32 $0xFFFFD000  }
0x1c8: {  	_ =	sfence.sel $0x180000  }
0x1c9: {  	[bflag:$0x0] =	sbarrier.arrive $0xFFFF  }
0x1ca: {  	p0 =	sne.s32 s0, $0x0;
	_ =	strace $0x90000047  }
0x1cb: {  	s0 =	sadd.s32 @!p0 $0x100000, s1;
	[bflag:$0x2] =	sbarrier.arrive $0xFFFF  }
0x1cc: {  	[sflag:s0] =	ssyncadd.tile.s32 @!p0 $0x1;
	_ =	shalt  }
.Lfunc_end2:
_tile_overlayer_lowered:
.L_overlay_start_2:
0x1cd: {  	(tag) =	ssettag $0x2  }
0x1ce: {  	s0 =	rddreg [dreg:$0x0];
	s2 =	stileid.u32  }
0x1cf: {  	s1 =	rddreg [dreg:$0x1];
	p0 =	sne.s32 s2, $0x0  }
0x1d0: {  	s3 =	rddreg [dreg:$0x2];
	[bflag:$0x3] =	sbarrier.arrive $0xFFFF;
	s2 =	simm.s32 @!p0 $0x1C05  }
0x1d1: {  	[timem:s3], [sflag:s2] =	dma.local @!p0 [hbm:s0], s1  }
0x1d2: {  	s0 =	simm.s32 @!p0 $0x5  }
0x1d3: {  	_ =	swait.ge @!p0 [sflag:s0], s1  }
0x1d4: {  	s1 =	ssub.s32 @!p0 $0x0, s1;
	[sflag:s0] =	ssyncset.done @!p0 $0x0  }
0x1d5: {  	[sflag:s0] =	ssyncadd.s32 @!p0 s1  }
0x1d6: {  	[bflag:$0x3] =	sbarrier.arrive $0xFFFF  }
0x1d7: {  	_ =	shalt  }

// kernel: _run.7.cloned.1.call-start
scs
__scs_entry_jumppad:
0x0: {  	(pc) =	sbr.rel $0x88, $3  }
0x1: {  	(tag) =	ssettag $0x0;
	lr =	simm.s32 $0x1  }
0x2: {  	[smem:$0x3F9F] =	sst lr;
	_ =	strace $0xD0000000  }
0x3: {  	_ = 	snop  }
0x4: {  	_ = 	snop  }
0x5: {  	_ = 	snop  }
0x6: {  	_ = 	snop  }
0x7: {  	_ = 	snop  }
__scs_overlays_trampoline_lowered:
0x8: {  	[smem:$0x3FAE] =	sst s0  }
0x9: {  	[smem:$0x3FAF] =	sst s1  }
0xa: {  	[smem:$0x3FB0] =	sst s2  }
0xb: {  	[smem:$0x3FB1] =	sst s3  }
0xc: {  	[smem:$0x3FB2] =	sst s4  }
0xd: {  	[smem:$0x3FB3] =	sst s5  }
0xe: {  	[smem:$0x3FB4] =	sst s6  }
0xf: {  	[smem:$0x3FB5] =	sst s7  }
0x10: {  	[smem:$0x3FB6] =	sst s8  }
0x11: {  	[smem:$0x3FB7] =	sst s9;
	s0 =	simm.s32 @!p0 $0x0  }
0x12: {  	s1 =	sld [smem:$0x3F9D];
	s0 =	simm.s32 @p0 $0x1  }
0x13: {  	[smem:$0x3FB8] =	sst s0;
	s0 =	simm.s32 @!p1 $0x0  }
0x14: {  	s2 =	sld [smem:$0x3F9C];
	s0 =	simm.s32 @p1 $0x1  }
0x15: {  	[smem:$0x3FB9] =	sst s0;
	s0 =	simm.s32 @!p2 $0x0  }
0x16: {  	s3 =	sld [smem:$0x3FDB];
	s0 =	simm.s32 @p2 $0x1  }
0x17: {  	s4 =	simm.s32 $0x1BF5;
	[smem:$0x3FBB] =	sst s0  }
0x18: {  	s0 =	sld [smem:$0x3F9E];
	_ =	swait.ge [sflag:s4], $0x0  }
0x19: {  	s7 =	sld [smem:$0x3F9F]  }
0x1a: {  	s8 =	sadd.s32 $0xFFFFE003, lr  }
0x1b: {  	s9 =	sadd.s32 $0xFFFFFEF7, lr;
	s5 =	simm.s32 $0xFFFFFFFF;
	p2 =	slt.u32 s8, $0xFFFFF086  }
0x1c: {  	p1 =	slt.u32 s9, $0xF7A;
	s5 =	simm.s32 @!p2 $0x0  }
0x1d: {  	s5 =	simm.s32 @p1 $0x1;
	p0 =	seq.s32 s7, s2  }
0x1e: {  	s7 =	smul.u32 @!p0 $0xF7A, s2;
	p2 =	seq.s32 @!p0 s5, $0x0  }
0x1f: {  	s9 =	smul.u32 $0xF7A, s1;
	s8 =	simm.s32 @!p0 $0x1BF5;
	p2 =	por !p2, p0  }
0x20: {  	[sflag:s8] =	ssyncset.s32 @!p0 $0xFFFFF086;
	s6 =	sadd.s32 @!p0 s3, s7;
	s7 =	simm.s32 @!p0 $0x108  }
0x21: {  	s3 =	sadd.s32 s3, s9;
	s6 =	sadd.s32 @!p0 $0x88, s6;
	s7 =	simm.s32 @p2 $0x1082  }
0x22: {  	[simem:s7], [sflag:s8] =	dma.local @!p0 [hbm:s6], $0xF7A  }
0x23: {  	s9 =	sor.u32 $0xD0000000, s2;
	s6 =	simm.s32 $0x108;
	_ =	swait.ge @!p0 [sflag:s8], $0x0  }
0x24: {  	s3 =	sadd.s32 $0x88, s3;
	s6 =	simm.s32 @!p1 $0x1082;
	[sflag:s4] =	ssyncset.s32 $0xFFFFF086  }
0x25: {  	[simem:s6], [sflag:s4] =	dma.local [hbm:s3], $0xF7A  }
0x26: {  	[smem:$0x3F9F] =	sst s1;
	(tag) =	ssettag s2;
	_ =	strace s9  }
0x27: {  	s1 =	sld [smem:$0x3FAF]  }
0x28: {  	s2 =	sld [smem:$0x3FB0]  }
0x29: {  	s4 =	sld [smem:$0x3FB2]  }
0x2a: {  	p0 =	seq.s32 s5, $0x0;
	s5 =	sld [smem:$0x3FB3]  }
0x2b: {  	s6 =	sld [smem:$0x3FB4]  }
0x2c: {  	s7 =	sld [smem:$0x3FB5]  }
0x2d: {  	s3 =	simm.s32 $0x108;
	s8 =	sld [smem:$0x3FB6]  }
0x2e: {  	s3 =	simm.s32 @!p0 $0x1082;
	s9 =	sld [smem:$0x3FB7]  }
0x2f: {  	lr =	sadd.s32 s0, s3;
	s0 =	sld [smem:$0x3FAE]  }
0x30: {  	s3 =	sld [smem:$0x3FB1]  }
0x31: {  	[smem:$0x3FBA] =	sst s10  }
0x32: {  	s10 =	sld [smem:$0x3FB8];
	_ =	sdelay $0x3  }
0x33: {  	p0 =	seq.s32 s10, $0x1;
	s10 =	sld [smem:$0x3FBA];
	_ =	sdelay $0x3  }
0x34: {  	[smem:$0x3FBA] =	sst s10  }
0x35: {  	s10 =	sld [smem:$0x3FB9];
	_ =	sdelay $0x3  }
0x36: {  	p1 =	seq.s32 s10, $0x1;
	s10 =	sld [smem:$0x3FBA];
	_ =	sdelay $0x3  }
0x37: {  	[smem:$0x3FBA] =	sst s10  }
0x38: {  	s10 =	sld [smem:$0x3FBB]  }
0x39: {  	_ = 	snop;
	(pc) =	sbr.ind lr, $3  }
0x3a: {  	_ = 	snop  }
0x3b: {  	_ = 	snop  }
0x3c: {  	p2 =	seq.s32 s10, $0x1;
	s10 =	sld [smem:$0x3FBA]  }
0x3d: {  	_ =	shalt  }
0x3e: {  	_ =	shalt  }
0x3f: {  	_ =	shalt  }
0x40: {  	_ =	shalt  }
0x41: {  	_ =	shalt  }
0x42: {  	_ =	shalt  }
0x43: {  	_ =	shalt  }
0x44: {  	_ =	shalt  }
0x45: {  	_ =	shalt  }
0x46: {  	_ =	shalt  }
0x47: {  	_ =	shalt  }
0x48: {  	_ =	shalt  }
0x49: {  	_ =	shalt  }
0x4a: {  	_ =	shalt  }
0x4b: {  	_ =	shalt  }
0x4c: {  	_ =	shalt  }
0x4d: {  	_ =	shalt  }
0x4e: {  	_ =	shalt  }
0x4f: {  	_ =	shalt  }
0x50: {  	_ =	shalt  }
0x51: {  	_ =	shalt  }
0x52: {  	_ =	shalt  }
0x53: {  	_ =	shalt  }
0x54: {  	_ =	shalt  }
0x55: {  	_ =	shalt  }
0x56: {  	_ =	shalt  }
0x57: {  	_ =	shalt  }
0x58: {  	_ =	shalt  }
0x59: {  	_ =	shalt  }
0x5a: {  	_ =	shalt  }
0x5b: {  	_ =	shalt  }
0x5c: {  	_ =	shalt  }
0x5d: {  	_ =	shalt  }
0x5e: {  	_ =	shalt  }
0x5f: {  	_ =	shalt  }
0x60: {  	_ =	shalt  }
0x61: {  	_ =	shalt  }
0x62: {  	_ =	shalt  }
0x63: {  	_ =	shalt  }
0x64: {  	_ =	shalt  }
0x65: {  	_ =	shalt  }
0x66: {  	_ =	shalt  }
0x67: {  	_ =	shalt  }
0x68: {  	_ =	shalt  }
0x69: {  	_ =	shalt  }
0x6a: {  	_ =	shalt  }
0x6b: {  	_ =	shalt  }
0x6c: {  	_ =	shalt  }
0x6d: {  	_ =	shalt  }
0x6e: {  	_ =	shalt  }
0x6f: {  	_ =	shalt  }
0x70: {  	_ =	shalt  }
0x71: {  	_ =	shalt  }
0x72: {  	_ =	shalt  }
0x73: {  	_ =	shalt  }
0x74: {  	_ =	shalt  }
0x75: {  	_ =	shalt  }
0x76: {  	_ =	shalt  }
0x77: {  	_ =	shalt  }
0x78: {  	_ =	shalt  }
0x79: {  	_ =	shalt  }
0x7a: {  	_ =	shalt  }
0x7b: {  	_ =	shalt  }
0x7c: {  	_ =	shalt  }
0x7d: {  	_ =	shalt  }
0x7e: {  	_ =	shalt  }
0x7f: {  	_ =	shalt  }
0x80: {  	_ =	shalt  }
0x81: {  	_ =	shalt  }
0x82: {  	_ =	shalt  }
0x83: {  	_ =	shalt  }
0x84: {  	_ =	shalt  }
0x85: {  	_ =	shalt  }
0x86: {  	_ =	shalt  }
0x87: {  	_ =	shalt  }
.Lfunc_end0:
.L_simem_size_0:
called_computation.2_lowered:
.L_overlay_start_0:
0x88: {  	s2 =	sld [smem:$0x3FD9]  }
0x89: {  	s3 =	sld [smem:$0x3FFE];
	_ =	sdelay $0x1  }
0x8a: {  	s1 =	srdreg.scid  }
0x8b: {  	s0 =	sand.u32 $0x1, s1  }
0x8c: {  	s17 =	sshll.u32 s0, $0xA;
	s2 =	sadd.s32 s3, s2  }
0x8d: {  	s2 =	sadd.s32 s2, s17  }
0x8e: {  	[smem:$0x3FC6] =	sst s2  }
0x8f: {  	_ = 	snop  }
0x90: {  	s2 =	sld [smem:$0x3FC9]  }
0x91: {  	s18 =	sld [smem:$0x3FD0];
	(tm) =	ssettm $0x1  }
0x92: {  	s4 =	sld [smem:$0x3FFB];
	_ =	sdelay $0x3  }
0x93: {  	_ =	strace s4  }
0x94: {  	s4 =	sld [smem:$0x3FFC];
	_ =	sdelay $0x3  }
0x95: {  	_ =	strace s4  }
0x96: {  	s4 =	sld [smem:$0x3FFD];
	_ =	sdelay $0x3  }
0x97: {  	_ =	strace s4  }
0x98: {  	_ =	strace $0x8FFFFFFF  }
0x99: {  	s19 =	sld [smem:$0x3FDB];
	_ =	sdelay $0x1  }
0x9a: {  	s5 =	simm.s32 $_scs_section_size  }
0x9b: {  	s6 =	simm.s32 $_size__tile_overlayer_lowered;
	s7 =	simm.s32 $_tile_overlayer_lowered  }
0x9c: {  	s22 =	simm.s32 $0x1BFF;
	s21 =	sshll.u32 s7, $0x1;
	s4 =	sadd.s32 s5, s19  }
0x9d: {  	s8 =	simm.s32 $0x0;
	s20 =	sshll.u32 s6, $0x1;
	s6 =	sadd.s32 s21, s4  }
0x9e: {  	[timem:s8], [sflag:s22] =	dma.local [hbm:s6], s20  }
0x9f: {  	_ =	swait.ge [sflag:s22], s20  }
0xa0: {  	s5 =	ssub.s32 $0x0, s20;
	[sflag:s22] =	ssyncset.done $0x0  }
0xa1: {  	[sflag:s22] =	ssyncadd.s32 s5;
	_ =	sdelay $0x1  }
0xa2: {  	s23 =	simm.s32 $0x1B8B  }
0xa3: {  	_ =	swait.ge [sflag:s23], $0x1  }
0xa4: {  	[sflag:s23] =	ssyncset.done $0x0  }
0xa5: {  	s25 =	simm.s32 $0x1B8E;
	s24 =	sld [smem:$0x3FFE];
	[sflag:s23] =	ssyncadd.s32 $0xFFFFFFFF  }
0xa6: {  	s26 =	simm.s32 $execute0_lowered;
	[smem:$0x3FD2] =	sst s25  }
0xa7: {  	s6 =	sshll.u32 s26, $0x1;
	_ =	strace $0x80000049;
	[dreg:$0x1] =	wrdreg $0xFFFFFFFF  }
0xa8: {  	s28 =	simm.s32 $_size_execute0_lowered;
	s4 =	sadd.s32 s4, s6;
	[dreg:$0x0] =	wrdreg $0x0  }
0xa9: {  	s6 =	sshll.u32 s28, $0x1;
	[dreg:$0x2] =	wrdreg s4  }
0xaa: {  	[dreg:$0x3] =	wrdreg s6  }
0xab: {  	[dreg:$0x4] =	wrdreg $0xC0  }
0xac: {  	_ =	task [dreg:s8], $0x5FFFF  }
0xad: {  	[dreg:$0x1] =	wrdreg $0xFFFFFFFF  }
0xae: {  	[dreg:$0x0] =	wrdreg $0x60  }
0xaf: {  	[dreg:$0x2] =	wrdreg s2  }
0xb0: {  	[dreg:$0x3] =	wrdreg s24  }
0xb1: {  	[dreg:$0x4] =	wrdreg s18  }
0xb2: {  	[dreg:$0x5] =	wrdreg $0x9  }
0xb3: {  	_ =	task.clear_ibuf [dreg:s8], $0x6FFFF;
	_ =	strace $0x90000049  }
0xb4: {  	s29 =	simm.s32 $0x9;
	_ =	strace $0x8000004B  }
0xb5: {  	_ =	swait.ge [sflag:s29], $0x1  }
0xb6: {  	[sflag:s29] =	ssyncadd.s32 $0xFFFFFFFF  }
0xb7: {  	_ =	strace $0x9000004B  }
0xb8: {  	_ =	sfence  }
0xb9: {  	s30 =	sld [smem:$0x0];
	_ =	sdelay $0x2  }
0xba: {  	s31 =	sshll.u32 s1, $0xD;
	s1 =	sshrl.u32 s1, $0x2  }
0xbb: {  	s3 =	sand.u32 $0x4000, s31;
	s1 =	sadd.s32 s1, s30  }
0xbc: {  	s0 =	sor.u32 s3, s0;
	s1 =	sshll.u32 s1, $0x11  }
0xbd: {  	s0 =	sor.u32 s1, s0  }
0xbe: {  	s0 =	sadd.s32 $0x8F2B, s0  }
0xbf: {  	[sflag:s0] =	ssyncadd.remote.s32 $0x1  }
0xc0: {  	_ =	sfence.sel $0xFFFF  }
0xc1: {  	[dreg:$0x0] =	wrdreg $0xFFFFFFFF;
	(pc) =	sbr.abs _section_cstart, $3  }
0xc2: {  	[dreg:$0x1] =	wrdreg $0xFFFFFFFF  }
0xc3: {  	_ =	task.clear_ibuf [dreg:s8], $0x2FFFF;
	_ =	strace $0x9FFFFFFF  }
0xc4: {  	(tm) =	ssettm $0x7FFFFFFF  }
0xc5: {  	_ =	shalt  }
tec
execute0_lowered:
.L_overlay_start_1:
0x0: {  	(tag) =	ssettag $0x1  }
0x1: {  	s1 =	rddreg [dreg:$0x0]  }
0x2: {  	s0 =	srdreg.scid;
	s3 =	rddreg [dreg:$0x1]  }
0x3: {  	s6 =	stileid.u32;
	s8 =	rddreg [dreg:$0x2]  }
0x4: {  	s11 =	simm.s32 $0x3400;
	s15 =	simm.s32 $0x180;
	s16 =	simm.s32 $0x6400  }
0x5: {  	s17 =	simm.s32 $0x200;
	s18 =	simm.s32 $0x7400;
	s19 =	simm.s32 $0x280  }
0x6: {  	s20 =	simm.s32 $0x8400;
	s21 =	simm.s32 $0x300;
	s22 =	simm.s32 $0x9400  }
0x7: {  	s23 =	simm.s32 $0x380;
	s24 =	simm.s32 $0xA400;
	s25 =	simm.s32 $0x1  }
0x8: {  	s26 =	simm.s32 $0x2;
	s0 =	sand.u32 $0x1, s0;
	s2 =	sshll.u32 s6, $0x1  }
0x9: {  	s28 =	simm.s32 $0x0;
	s6 =	smul.u32 $0xD0000, s6;
	s4 =	sor.u32 s0, s2  }
0xa: {  	s2 =	simm.s32 $0x0;
	s7 =	ssub.s32 $0x2, s0;
	s0 =	smul.u32 $0x68000, s0  }
0xb: {  	s3 =	sadd.s32 $0x27AD000, s3;
	s5 =	smul.u32 $0x680, s4;
	[smem:$0x7FF] =	sst s2  }
0xc: {  	s9 =	sshrl.u32 s7, $0x1;
	s10 =	smul.u32 $0x68000, s4;
	_ =	strace $0x8000004A  }
0xd: {  	s7 =	ssub.s32 s7, s9;
	s0 =	sadd.s32 s0, s6;
	s9 =	simm.s32 $0x3  }
0xe: {  	s4 =	sadd.s32 s1, s5;
	s31 =	sshrl.u32 s10, $0x3;
	s0 =	sor.u32 $0x4000, s0  }
0xf: {  	s5 =	smax.u32 s7, $0x1;
	s6 =	sadd.s32 s8, s31;
	s0 =	sshrl.u32 s0, $0x3  }
0x10: {  	v0 =	vlaneseq.u32;
	s10 =	simm.s32 $0x80;
	s7 =	sadd.s32 $0xC800, s6;
	s8 =	sadd.s32 s0, s8  }
.LBB2_1:
0x11: {  	s0 =	simm.s32 $0x40  }
0x12: {  	s1 =	simm.s32 $0x20;
	v3 =	vor.u32 s0, v0  }
0x13: {  	s13 =	simm.s32 $0x30;
	v5 =	vor.u32 s1, v0;
	v6 =	vmulhi.u32 $0x4EC4EC4F, v3  }
0x14: {  	s29 =	simm.s32 $0x50;
	v1 =	vor.u32 s13, v0;
	v2 =	vmulhi.u32 $0x4EC4EC4F, v5  }
0x15: {  	s12 =	simm.s32 $0x60;
	v7 =	vor.u32 s29, v0;
	v9 =	vmulhi.u32 $0x4EC4EC4F, v1  }
0x16: {  	s14 =	simm.s32 $0x0;
	v4 =	vor.u32 s12, v0;
	v11 =	vmulhi.u32 $0x4EC4EC4F, v7  }
0x17: {  	v8 =	vor.u32 s14, v0;
	s14 =	simm.s32 $0x70;
	v12 =	vmulhi.u32 $0x4EC4EC4F, v4  }
0x18: {  	[tilespmem:s2], [sflag:$0x3] =	stream.linear.gather [hbm4b:s4+s2], $0x3400, $0x38;
	v13 =	vmulhi.u32 $0x4EC4EC4F, v8;
	v14 =	vor.u32 s14, v0;
	[tilespmem:$0xB400] =	vst v63  }
0x19: {  	s13 =	simm.s32 $0x10;
	_ =	swait.ge [sflag:s9], $0x3400;
	v15 =	vmulhi.u32 $0x4EC4EC4F, v14  }
0x1a: {  	[sflag:s9] =	ssyncset.done $0x0;
	v10 =	vshrl.u32 v2, $0x3;
	v2 =	vor.u32 s13, v0;
	v6 =	vshrl.u32 v6, $0x3  }
0x1b: {  	s29 =	simm.s32 $0x40;
	[sflag:s9] =	ssyncadd.s32 $0xFFFFCC00;
	v11 =	vshrl.u32 v11, $0x3;
	v12 =	vshrl.u32 v12, $0x3;
	v9 =	vshrl.u32 v9, $0x3  }
0x1c: {  	v17 =	vld [tilespmem:s29+$0x30];
	v13 =	vshrl.u32 v13, $0x3;
	v10 =	vmul.u32 $0x1A, v10;
	v6 =	vmul.u32 $0x1A, v6  }
0x1d: {  	v18 =	vld [tilespmem:s29+$0xFFFFFFC0];
	v16 =	vmulhi.u32 $0x4EC4EC4F, v2;
	v11 =	vmul.u32 $0x1A, v11;
	v15 =	vshrl.u32 v15, $0x3  }
0x1e: {  	v19 =	vld [tilespmem:s29+$0x10];
	v5 =	vsub.s32 v5, v10;
	v10 =	vmul.u32 $0x1A, v13;
	v13 =	vmul.u32 $0x1A, v15  }
0x1f: {  	v11 =	vsub.s32 v7, v11;
	v15 =	vshrl.u32 v16, $0x3;
	v6 =	vsub.s32 v3, v6  }
0x20: {  	v7 =	vmul.u32 $0x186A0, v5;
	v5 =	vsub.s32 v8, v10;
	v8 =	vsub.s32 v14, v13  }
0x21: {  	v3 =	vld [tilespmem:s29+$0xFFFFFFF0];
	v10 =	vmul.u32 $0x186A0, v11;
	v13 =	vmul.u32 $0x186A0, v5;
	v14 =	vmul.u32 $0x186A0, v8  }
0x22: {  	v12 =	vmul.u32 $0x1A, v12;
	v11 =	vmul.u32 $0x1A, v15;
	v5 =	vld [tilespmem:s29+$0xFFFFFFE0];
	v8 =	vmul.u32 $0x186A0, v6  }
0x23: {  	s30 =	simm.s32 $0xF0;
	s31 =	simm.s32 $0xC0;
	v6 =	vld [tilespmem:s29+$0x20];
	v10 =	vadd.s32 v10, v19;
	v13 =	vadd.s32 v13, v18;
	v14 =	vadd.s32 v14, v17  }
.LBB2_2:
0x24: {  	s0 =	sadd.s32 $0xFFFFFF90, s30  }
0x25: {  	s1 =	sadd.s32 $0xFFFFFFA0, s30;
	s12 =	sadd.s32 $0xFFFFFFB0, s30;
	v15 =	vld [tilespmem:s31+$0xFFFFFFF0];
	v11 =	vsub.s32 v2, v11;
	v9 =	vmul.u32 $0x1A, v9;
	v4 =	vsub.s32 v4, v12;
	[tilespmem:s29+$0x30] =	vst v14;
	s13 =	smov.u32 s30  }
0x26: {  	v12 =	vor.u32 s0, v0;
	v2 =	vor.u32 s1, v0;
	v14 =	vor.u32 s12, v0;
	s0 =	sadd.s32 $0xFFFFFFC0, s30;
	s1 =	sadd.s32 $0xFFFFFFD0, s30;
	s12 =	sadd.s32 $0xFFFFFFE0, s30;
	[tilespmem:s29+$0xFFFFFFC0] =	vst v13;
	v13 =	vld [tilespmem:s29+$0xFFFFFFD0]  }
0x27: {  	p0 =	sne.s32 s30, $0x33F0;
	s30 =	sadd.s32 $0x80, s30;
	v19 =	vmul.u32 $0x186A0, v4;
	v16 =	vor.u32 s0, v0;
	v17 =	vor.u32 s1, v0;
	s0 =	sadd.s32 $0xFFFFFFF0, s13;
	v18 =	vld [tilespmem:s29+$0x0]  }
0x28: {  	v20 =	vor.u32 s12, v0;
	v9 =	vsub.s32 v1, v9;
	v4 =	vor.u32 s0, v0;
	v1 =	vmovc v16  }
0x29: {  	v11 =	vmul.u32 $0x186A0, v11;
	v16 =	vmulhi.u32 $0x4EC4EC4F, v17;
	v9 =	vmul.u32 $0x186A0, v9  }
0x2a: {  	v5 =	vadd.s32 v7, v5;
	v21 =	vmulhi.u32 $0x4EC4EC4F, v14;
	v6 =	vadd.s32 v19, v6;
	[tilespmem:s29+$0x10] =	vst v10  }
0x2b: {  	v7 =	vmulhi.u32 $0x4EC4EC4F, v1;
	v9 =	vadd.s32 v9, v3;
	v3 =	vmovc v15;
	v10 =	vadd.s32 v11, v13;
	[tilespmem:s29+$0xFFFFFFE0] =	vst v5  }
0x2c: {  	v11 =	vshrl.u32 v21, $0x3;
	v13 =	vmulhi.u32 $0x4EC4EC4F, v20;
	v5 =	vld [tilespmem:s31+$0xFFFFFFE0];
	v8 =	vadd.s32 v8, v18;
	[tilespmem:s29+$0x20] =	vst v6  }
0x2d: {  	v15 =	vshrl.u32 v16, $0x3;
	v16 =	vmulhi.u32 $0x4EC4EC4F, v4;
	v11 =	vmul.u32 $0x1A, v11;
	v6 =	vld [tilespmem:s31+$0x20];
	[tilespmem:s29+$0x0] =	vst v8  }
0x2e: {  	v18 =	vor.u32 s13, v0;
	v8 =	vmulhi.u32 $0x4EC4EC4F, v12;
	v13 =	vshrl.u32 v13, $0x3;
	[tilespmem:s29+$0xFFFFFFF0] =	vst v9  }
0x2f: {  	v15 =	vmul.u32 $0x1A, v15;
	v16 =	vshrl.u32 v16, $0x3;
	v19 =	vmulhi.u32 $0x4EC4EC4F, v18;
	[tilespmem:s29+$0xFFFFFFD0] =	vst v10;
	s29 =	smov.u32 s31  }
0x30: {  	v9 =	vshrl.u32 v7, $0x3;
	v7 =	vmul.u32 $0x1A, v13;
	v10 =	vmulhi.u32 $0x4EC4EC4F, v2;
	v21 =	vld [tilespmem:s31+$0x30]  }
0x31: {  	v11 =	vsub.s32 v14, v11;
	v8 =	vshrl.u32 v8, $0x3;
	v14 =	vshrl.u32 v19, $0x3;
	v13 =	vld [tilespmem:s31+$0xFFFFFFC0]  }
0x32: {  	v8 =	vmul.u32 $0x1A, v8;
	v19 =	vsub.s32 v20, v7;
	v14 =	vmul.u32 $0x1A, v14;
	v20 =	vld [tilespmem:s31+$0x10]  }
.Ltmp0:
0x33: {  	v15 =	vsub.s32 v17, v15;
	v7 =	vmul.u32 $0x186A0, v11;
	v10 =	vshrl.u32 v10, $0x3;
	(pc) =	sbr.rel @p0 .LBB2_2-.Ltmp0, $4  }
0x34: {  	v17 =	vmul.u32 $0x186A0, v19;
	v8 =	vsub.s32 v12, v8;
	v11 =	vsub.s32 v18, v14  }
0x35: {  	v12 =	vmul.u32 $0x1A, v16;
	v14 =	vmul.u32 $0x186A0, v8;
	v16 =	vmul.u32 $0x186A0, v11  }
0x36: {  	v11 =	vmul.u32 $0x1A, v10;
	v8 =	vmul.u32 $0x186A0, v15  }
0x37: {  	s31 =	sadd.s32 $0x80, s31;
	v13 =	vadd.s32 v14, v13;
	v14 =	vadd.s32 v16, v21;
	v10 =	vadd.s32 v17, v20  }
0x38: {  	v61 =	vld [tilespmem:s29+$0x0]  }
0x39: {  	[tilespmem:s29+$0x30] =	vst v14;
	v9 =	vmul.u32 $0x1A, v9;
	v4 =	vsub.s32 v4, v12  }
0x3a: {  	[tilespmem:s29+$0xFFFFFFC0] =	vst v13;
	v62 =	vld [tilespmem:s29+$0xFFFFFFD0];
	v4 =	vmul.u32 $0x186A0, v4  }
0x3b: {  	v5 =	vadd.s32 v7, v5;
	[tilespmem:s29+$0x10] =	vst v10;
	v1 =	vsub.s32 v1, v9  }
0x3c: {  	v2 =	vsub.s32 v2, v11;
	[tilespmem:s29+$0xFFFFFFE0] =	vst v5;
	v1 =	vmul.u32 $0x186A0, v1;
	v4 =	vadd.s32 v4, v6  }
0x3d: {  	v2 =	vmul.u32 $0x186A0, v2;
	[tilespmem:s29+$0x20] =	vst v4;
	v63 =	vadd.s32 v8, v61  }
0x3e: {  	v1 =	vadd.s32 v1, v3;
	[tilespmem:s29+$0x0] =	vst v63  }
0x3f: {  	v2 =	vadd.s32 v2, v62;
	[tilespmem:s29+$0xFFFFFFF0] =	vst v1  }
0x40: {  	s0 =	simm.s32 $0x0;
	[tilespmem:s29+$0xFFFFFFD0] =	vst v2  }
0x41: {  	[tilespmem:s11], [sflag:$0x1] =	stream.indirect.gather [hbm4b:s3+s10], $0x20, s0, s10, $0xb8;
	[tilespmem:$0xB400] =	vst v63  }
0x42: {  	s1 =	simm.s32 $0x4400  }
0x43: {  	[tilespmem:s1], [sflag:$0x1] =	stream.indirect.gather [hbm4b:s3+s10], $0x20, s10, s10, $0xb8;
	[tilespmem:$0xB400] =	vst v63  }
0x44: {  	s14 =	simm.s32 $0x100;
	s12 =	simm.s32 $0x5400  }
0x45: {  	[tilespmem:s12], [sflag:$0x1] =	stream.indirect.gather [hbm4b:s3+s10], $0x20, s14, s10, $0xb8;
	[tilespmem:$0xB400] =	vst v63  }
0x46: {  	_ = 	snop  }
0x47: {  	[tilespmem:s16], [sflag:$0x1] =	stream.indirect.gather [hbm4b:s3+s10], $0x20, s15, s10, $0xb8;
	[tilespmem:$0xB400] =	vst v63  }
0x48: {  	_ = 	snop  }
0x49: {  	[tilespmem:s18], [sflag:$0x1] =	stream.indirect.gather [hbm4b:s3+s10], $0x20, s17, s10, $0xb8;
	[tilespmem:$0xB400] =	vst v63  }
0x4a: {  	_ = 	snop  }
0x4b: {  	[tilespmem:s20], [sflag:$0x1] =	stream.indirect.gather [hbm4b:s3+s10], $0x20, s19, s10, $0xb8;
	[tilespmem:$0xB400] =	vst v63  }
0x4c: {  	_ = 	snop  }
0x4d: {  	[tilespmem:s22], [sflag:$0x1] =	stream.indirect.gather [hbm4b:s3+s10], $0x20, s21, s10, $0xb8;
	[tilespmem:$0xB400] =	vst v63  }
0x4e: {  	_ = 	snop  }
0x4f: {  	[tilespmem:s24], [sflag:$0x1] =	stream.indirect.gather [hbm4b:s3+s10], $0x20, s23, s10, $0xb8;
	[tilespmem:$0xB400] =	vst v63  }
0x50: {  	_ =	swait.ge [sflag:s25], $0x1000  }
0x51: {  	[sflag:s25] =	ssyncset.done $0x0  }
0x52: {  	[sflag:s25] =	ssyncadd.s32 $0xFFFFF000  }
0x53: {  	_ =	swait.ge [sflag:s25], $0x1000  }
0x54: {  	[sflag:s25] =	ssyncset.done $0x0  }
0x55: {  	[sflag:s25] =	ssyncadd.s32 $0xFFFFF000  }
0x56: {  	_ =	swait.ge [sflag:s25], $0x1000  }
0x57: {  	[sflag:s25] =	ssyncset.done $0x0  }
0x58: {  	[sflag:s25] =	ssyncadd.s32 $0xFFFFF000  }
0x59: {  	_ =	swait.ge [sflag:s25], $0x1000  }
0x5a: {  	[sflag:s25] =	ssyncset.done $0x0  }
0x5b: {  	[sflag:s25] =	ssyncadd.s32 $0xFFFFF000  }
0x5c: {  	[hbm4b:s6+s0] =	stream.linear.scatter [tilespmem:s11], [sflag:$0x2], $0x4000, $0x38;
	[tilespmem:$0xB400] =	vst v63  }
0x5d: {  	s12 =	simm.s32 $0x8000;
	_ =	swait.ge [sflag:s26], $0x4000  }
0x5e: {  	s0 =	sand.u32 $0x4000, s12;
	[sflag:s26] =	ssyncset.done $0x0  }
0x5f: {  	s14 =	simm.s32 $0x400;
	s13 =	sor.u32 $0x3400, s0;
	[sflag:s26] =	ssyncadd.s32 $0xFFFFC000  }
0x60: {  	[tilespmem:s13], [sflag:$0x1] =	stream.indirect.gather [hbm4b:s3+s10], $0x20, s14, s10, $0xb8;
	[tilespmem:$0xB400] =	vst v63  }
0x61: {  	s13 =	sadd.s32 $0x4400, s0;
	s14 =	simm.s32 $0x480  }
0x62: {  	[tilespmem:s13], [sflag:$0x1] =	stream.indirect.gather [hbm4b:s3+s10], $0x20, s14, s10, $0xb8;
	[tilespmem:$0xB400] =	vst v63  }
0x63: {  	s13 =	sadd.s32 $0x5400, s0;
	s14 =	simm.s32 $0x500  }
0x64: {  	[tilespmem:s13], [sflag:$0x1] =	stream.indirect.gather [hbm4b:s3+s10], $0x20, s14, s10, $0xb8;
	[tilespmem:$0xB400] =	vst v63  }
0x65: {  	s0 =	sadd.s32 $0x6400, s0;
	s13 =	simm.s32 $0x580  }
0x66: {  	[tilespmem:s0], [sflag:$0x1] =	stream.indirect.gather [hbm4b:s3+s10], $0x20, s13, s10, $0xb8;
	[tilespmem:$0xB400] =	vst v63  }
0x67: {  	_ =	swait.ge [sflag:s25], $0x1000  }
0x68: {  	[sflag:s25] =	ssyncset.done $0x0  }
0x69: {  	[sflag:s25] =	ssyncadd.s32 $0xFFFFF000  }
0x6a: {  	_ =	swait.ge [sflag:s25], $0x1000  }
0x6b: {  	[sflag:s25] =	ssyncset.done $0x0  }
0x6c: {  	[sflag:s25] =	ssyncadd.s32 $0xFFFFF000  }
0x6d: {  	_ =	swait.ge [sflag:s25], $0x1000  }
0x6e: {  	[sflag:s25] =	ssyncset.done $0x0  }
0x6f: {  	s30 =	simm.s32 $0x20000;
	s14 =	simm.s32 $0x10000;
	[sflag:s25] =	ssyncadd.s32 $0xFFFFF000  }
0x70: {  	s31 =	simm.s32 $0xC000;
	s0 =	sand.u32 $0x10000, s14;
	_ =	swait.ge [sflag:s25], $0x1000  }
0x71: {  	s29 =	simm.s32 $0x800;
	s0 =	sshrl.u32 s0, $0x2;
	[sflag:s25] =	ssyncset.done $0x0  }
0x72: {  	s1 =	sadd.s32 $0x0, s8;
	s0 =	sor.u32 $0x3400, s0;
	[sflag:s25] =	ssyncadd.s32 $0xFFFFF000  }
.LBB2_4:
0x73: {  	[hbm4b:s1+s2] =	stream.linear.scatter [tilespmem:s0], [sflag:$0x2], $0x4000, $0x38;
	[tilespmem:$0xB400] =	vst v63  }
0x74: {  	s0 =	smov.u32 s29  }
0x75: {  	p0 =	sne.s32 s29, $0xB800;
	s29 =	sadd.s32 $0x800, s29;
	_ =	swait.ge [sflag:s26], $0x4000  }
0x76: {  	s1 =	sand.u32 $0x4000, s31;
	s12 =	sshra.s32 s0, $0x2;
	[sflag:s26] =	ssyncset.done $0x0  }
0x77: {  	s13 =	sor.u32 $0x3400, s1;
	s14 =	sadd.s32 $0x400, s12;
	[sflag:s26] =	ssyncadd.s32 $0xFFFFC000  }
0x78: {  	[tilespmem:s13], [sflag:$0x1] =	stream.indirect.gather [hbm4b:s3+s10], $0x20, s14, s10, $0xb8;
	[tilespmem:$0xB400] =	vst v63  }
0x79: {  	s13 =	sadd.s32 $0x4400, s1;
	s14 =	sadd.s32 $0x480, s12  }
0x7a: {  	[tilespmem:s13], [sflag:$0x1] =	stream.indirect.gather [hbm4b:s3+s10], $0x20, s14, s10, $0xb8;
	[tilespmem:$0xB400] =	vst v63  }
0x7b: {  	s13 =	sadd.s32 $0x5400, s1;
	s14 =	sadd.s32 $0x500, s12  }
0x7c: {  	[tilespmem:s13], [sflag:$0x1] =	stream.indirect.gather [hbm4b:s3+s10], $0x20, s14, s10, $0xb8;
	[tilespmem:$0xB400] =	vst v63  }
0x7d: {  	s1 =	sadd.s32 $0x6400, s1;
	s12 =	sadd.s32 $0x580, s12  }
0x7e: {  	[tilespmem:s1], [sflag:$0x1] =	stream.indirect.gather [hbm4b:s3+s10], $0x20, s12, s10, $0xb8;
	[tilespmem:$0xB400] =	vst v63  }
0x7f: {  	_ =	swait.ge [sflag:s25], $0x1000  }
0x80: {  	[sflag:s25] =	ssyncset.done $0x0  }
0x81: {  	[sflag:s25] =	ssyncadd.s32 $0xFFFFF000  }
0x82: {  	_ =	swait.ge [sflag:s25], $0x1000  }
0x83: {  	[sflag:s25] =	ssyncset.done $0x0  }
0x84: {  	[sflag:s25] =	ssyncadd.s32 $0xFFFFF000  }
0x85: {  	_ =	swait.ge [sflag:s25], $0x1000  }
.Ltmp1:
0x86: {  	[sflag:s25] =	ssyncset.done $0x0;
	(pc) =	sbr.rel @p0 .LBB2_4-.Ltmp1, $4  }
0x87: {  	[sflag:s25] =	ssyncadd.s32 $0xFFFFF000  }
0x88: {  	s1 =	sand.u32 $0x10000, s30;
	s30 =	sadd.s32 $0x10000, s30;
	_ =	swait.ge [sflag:s25], $0x1000  }
0x89: {  	s31 =	sadd.s32 $0x4000, s31;
	s12 =	sshrl.u32 s1, $0x2;
	[sflag:s25] =	ssyncset.done $0x0  }
0x8a: {  	s1 =	sadd.s32 s0, s8;
	s0 =	sor.u32 $0x3400, s12;
	[sflag:s25] =	ssyncadd.s32 $0xFFFFF000  }
0x8b: {  	[hbm4b:s1+s2] =	stream.linear.scatter [tilespmem:s0], [sflag:$0x2], $0x4000, $0x38;
	[tilespmem:$0xB400] =	vst v63  }
0x8c: {  	_ =	swait.ge [sflag:s26], $0x4000  }
0x8d: {  	[sflag:s26] =	ssyncset.done $0x0  }
0x8e: {  	[sflag:s26] =	ssyncadd.s32 $0xFFFFC000  }
0x8f: {  	_ =	swait.ge [sflag:s25], $0x1000  }
0x90: {  	[sflag:s25] =	ssyncset.done $0x0  }
0x91: {  	[sflag:s25] =	ssyncadd.s32 $0xFFFFF000  }
0x92: {  	_ =	swait.ge [sflag:s25], $0x1000  }
0x93: {  	[sflag:s25] =	ssyncset.done $0x0  }
0x94: {  	[sflag:s25] =	ssyncadd.s32 $0xFFFFF000  }
0x95: {  	_ =	swait.ge [sflag:s25], $0x1000  }
0x96: {  	[sflag:s25] =	ssyncset.done $0x0  }
0x97: {  	[sflag:s25] =	ssyncadd.s32 $0xFFFFF000  }
0x98: {  	s28 =	sadd.s32 $0x1, s28;
	_ =	swait.ge [sflag:s25], $0x1000  }
0x99: {  	p0 =	sne.s32 s28, s5;
	[sflag:s25] =	ssyncset.done $0x0  }
.Ltmp2:
0x9a: {  	[sflag:s25] =	ssyncadd.s32 $0xFFFFF000;
	(pc) =	sbr.rel @p0 .LBB2_1-.Ltmp2, $4  }
0x9b: {  	[hbm4b:s7+s2] =	stream.linear.scatter [tilespmem:s18], [sflag:$0x2], $0x4000, $0x38;
	[tilespmem:$0xB400] =	vst v63  }
0x9c: {  	_ =	swait.ge [sflag:s26], $0x4000  }
0x9d: {  	[sflag:s26] =	ssyncset.done $0x0  }
0x9e: {  	[sflag:s26] =	ssyncadd.s32 $0xFFFFC000  }
0x9f: {  	_ =	sfence.sel $0x180000  }
0xa0: {  	[bflag:$0x0] =	sbarrier.arrive $0xFFFF  }
0xa1: {  	_ =	strace $0x9000004A  }
0xa2: {  	s0 =	stileid.u32;
	[bflag:$0x2] =	sbarrier.arrive $0xFFFF  }
0xa3: {  	p0 =	sne.s32 s0, $0x0;
	s0 =	rddreg [dreg:$0x3]  }
0xa4: {  	s0 =	sadd.s32 @!p0 $0x100000, s0  }
0xa5: {  	[sflag:s0] =	ssyncadd.tile.s32 @!p0 $0x1;
	_ =	shalt  }
.Lfunc_end2:
_tile_overlayer_lowered:
.L_overlay_start_2:
0xa6: {  	(tag) =	ssettag $0x2  }
0xa7: {  	s0 =	rddreg [dreg:$0x0];
	s2 =	stileid.u32  }
0xa8: {  	s1 =	rddreg [dreg:$0x1];
	p0 =	sne.s32 s2, $0x0  }
0xa9: {  	s3 =	rddreg [dreg:$0x2];
	[bflag:$0x3] =	sbarrier.arrive $0xFFFF;
	s2 =	simm.s32 @!p0 $0x1C03  }
0xaa: {  	[timem:s3], [sflag:s2] =	dma.local @!p0 [hbm:s0], s1  }
0xab: {  	s0 =	simm.s32 @!p0 $0x3  }
0xac: {  	_ =	swait.ge @!p0 [sflag:s0], s1  }
0xad: {  	s1 =	ssub.s32 @!p0 $0x0, s1;
	[sflag:s0] =	ssyncset.done @!p0 $0x0  }
0xae: {  	[sflag:s0] =	ssyncadd.s32 @!p0 s1  }
0xaf: {  	[bflag:$0x3] =	sbarrier.arrive $0xFFFF  }
0xb0: {  	_ =	shalt  }

// kernel: sparse-core-data-format-call.cloned.1.call-start
scs
called_computation_lowered:
.L_overlay_start_0:
0x0: {  	s2 =	sld [smem:$0x3FD9]  }
0x1: {  	s3 =	sld [smem:$0x3FFE];
	_ =	sdelay $0x1  }
0x2: {  	s1 =	srdreg.scid  }
0x3: {  	s0 =	sand.u32 $0x1, s1  }
0x4: {  	s18 =	sshll.u32 s0, $0xA;
	s2 =	sadd.s32 s3, s2  }
0x5: {  	s2 =	sadd.s32 s2, s18  }
0x6: {  	[smem:$0x3FC6] =	sst s2  }
0x7: {  	_ = 	snop  }
0x8: {  	s2 =	sld [smem:$0x3FD0];
	(tm) =	ssettm $0x1  }
0x9: {  	s19 =	sld [smem:$0x3FFB];
	_ =	sdelay $0x3  }
0xa: {  	_ =	strace s19  }
0xb: {  	s3 =	sld [smem:$0x3FFC];
	_ =	sdelay $0x3  }
0xc: {  	_ =	strace s3  }
0xd: {  	s3 =	sld [smem:$0x3FFD];
	_ =	sdelay $0x3  }
0xe: {  	_ =	strace s3  }
0xf: {  	_ =	strace $0x8FFFFFFF  }
0x10: {  	s20 =	sld [smem:$0x3FDB];
	_ =	sdelay $0x1  }
0x11: {  	s4 =	simm.s32 $_scs_section_size  }
0x12: {  	s5 =	simm.s32 $_size__tile_overlayer_lowered;
	s6 =	simm.s32 $_tile_overlayer_lowered  }
0x13: {  	s23 =	simm.s32 $0x1BFF;
	s22 =	sshll.u32 s6, $0x1;
	s3 =	sadd.s32 s4, s20  }
0x14: {  	s7 =	simm.s32 $0x0;
	s21 =	sshll.u32 s5, $0x1;
	s5 =	sadd.s32 s22, s3  }
0x15: {  	[timem:s7], [sflag:s23] =	dma.local [hbm:s5], s21  }
0x16: {  	_ =	swait.ge [sflag:s23], s21  }
0x17: {  	s4 =	ssub.s32 $0x0, s21;
	[sflag:s23] =	ssyncset.done $0x0  }
0x18: {  	[sflag:s23] =	ssyncadd.s32 s4;
	_ =	sdelay $0x1  }
0x19: {  	s24 =	simm.s32 $0x1B8B  }
0x1a: {  	_ =	swait.ge [sflag:s24], $0x1  }
0x1b: {  	[sflag:s24] =	ssyncset.done $0x0  }
0x1c: {  	s26 =	simm.s32 $0x1B8E;
	s25 =	sld [smem:$0x3FFE];
	[sflag:s24] =	ssyncadd.s32 $0xFFFFFFFF  }
0x1d: {  	s27 =	simm.s32 $execute0_lowered;
	[smem:$0x3FD2] =	sst s26  }
0x1e: {  	s5 =	sshll.u32 s27, $0x1;
	_ =	strace $0x8000004C;
	[dreg:$0x1] =	wrdreg $0xFFFFFFFF  }
0x1f: {  	s28 =	simm.s32 $_size_execute0_lowered;
	s3 =	sadd.s32 s3, s5;
	[dreg:$0x0] =	wrdreg $0x0  }
0x20: {  	s5 =	sshll.u32 s28, $0x1;
	[dreg:$0x2] =	wrdreg s3  }
0x21: {  	[dreg:$0x3] =	wrdreg s5  }
0x22: {  	[dreg:$0x4] =	wrdreg $0xC0  }
0x23: {  	_ =	task [dreg:s7], $0x5FFFF  }
0x24: {  	[dreg:$0x1] =	wrdreg $0xFFFFFFFF  }
0x25: {  	[dreg:$0x0] =	wrdreg $0x60  }
0x26: {  	[dreg:$0x2] =	wrdreg s25  }
0x27: {  	[dreg:$0x3] =	wrdreg s2  }
0x28: {  	[dreg:$0x4] =	wrdreg $0x9  }
0x29: {  	_ =	task.clear_ibuf [dreg:s7], $0x5FFFF;
	_ =	strace $0x9000004C  }
0x2a: {  	s29 =	simm.s32 $0x9;
	_ =	strace $0x8000004E  }
0x2b: {  	_ =	swait.ge [sflag:s29], $0x1  }
0x2c: {  	[sflag:s29] =	ssyncadd.s32 $0xFFFFFFFF  }
0x2d: {  	_ =	strace $0x9000004E  }
0x2e: {  	_ =	sfence  }
0x2f: {  	s30 =	sld [smem:$0x0];
	_ =	sdelay $0x2  }
0x30: {  	s31 =	sshll.u32 s1, $0xD;
	s1 =	sshrl.u32 s1, $0x2  }
0x31: {  	s3 =	sand.u32 $0x4000, s31;
	s1 =	sadd.s32 s1, s30  }
0x32: {  	s0 =	sor.u32 s3, s0;
	s1 =	sshll.u32 s1, $0x11  }
0x33: {  	s0 =	sor.u32 s1, s0  }
0x34: {  	s0 =	sadd.s32 $0x8F2B, s0  }
0x35: {  	[sflag:s0] =	ssyncadd.remote.s32 $0x1  }
0x36: {  	_ =	sfence.sel $0xFFFF  }
0x37: {  	[dreg:$0x0] =	wrdreg $0xFFFFFFFF;
	(pc) =	sbr.abs _section_cstart, $3  }
0x38: {  	[dreg:$0x1] =	wrdreg $0xFFFFFFFF  }
0x39: {  	_ =	task.clear_ibuf [dreg:s7], $0x2FFFF;
	_ =	strace $0x9FFFFFFF  }
0x3a: {  	(tm) =	ssettm $0x7FFFFFFF  }
0x3b: {  	_ =	shalt  }
tec
execute0_lowered:
.L_overlay_start_1:
0x0: {  	(tag) =	ssettag $0x1  }
0x1: {  	s0 =	srdreg.scid  }
0x2: {  	s1 =	sshll.u32 s0, $0x4  }
0x3: {  	s4 =	rddreg [dreg:$0x0];
	s0 =	stileid.u32;
	s1 =	sand.u32 $0x10, s1  }
0x4: {  	s2 =	rddreg [dreg:$0x1];
	s7 =	simm.s32 $0x1;
	s1 =	sor.u32 s0, s1  }
0x5: {  	s8 =	simm.s32 $0x2;
	s11 =	simm.s32 $0x0;
	s3 =	sshll.u32 s1, $0x7  }
0x6: {  	s10 =	simm.s32 $0x0;
	s4 =	sadd.s32 $0xC00, s4;
	s6 =	ssub.s32 $0x68000, s3  }
.Ltmp0:
0x7: {  	s1 =	rddreg [dreg:$0x2];
	s5 =	sand.u32 $0xF80, s6;
	(pc) =	sbr.rel .LBB1_1-.Ltmp0, $4  }
0x8: {  	_ =	strace $0x8000004D;
	s9 =	smov.u32 s3;
	p0 =	sne.s32 s5, $0x0  }
0x9: {  	s6 =	sshrl.u32 s6, $0xC;
	s5 =	simm.s32 $0x1;
	s7 =	simm.s32 @!p0 $0x0  }
0xa: {  	[sflag:s5] =	ssyncpa.u1 $0x0;
	p0 =	por $0x0, $0x0;
	s6 =	sadd.s32 s7, s6  }
0xb: {  	[sflag:s8] =	ssyncpa.u1 $0x0;
	s8 =	simm.s32 $0x340000;
	s7 =	sadd.s32 $0x1, s6  }
.LBB1_4:
0xc: {  	s14 =	sshll.u32 s11, $0x3  }
0xd: {  	s30 =	sand.u32 $0x7F, s11;
	s15 =	sand.u32 $0xFFFFFC00, s14  }
0xe: {  	s11 =	sor.u32 s30, s15  }
0xf: {  	s15 =	smulhi.u32 $0x4EC4EC4F, s11  }
0x10: {  	s14 =	smulhi.u32 $0x4EC4EC4F, s14  }
0x11: {  	s15 =	sshrl.u32 s15, $0x11  }
0x12: {  	s14 =	sshrl.u32 s14, $0x11;
	s15 =	smul.u32 $0x68000, s15  }
0x13: {  	s14 =	sand.u32 $0x1F, s14  }
0x14: {  	s14 =	smul.u32 $0xD000, s14;
	s11 =	ssub.s32 s11, s15  }
0x15: {  	s15 =	sand.u32 $0x7, s11  }
0x16: {  	s14 =	sadd.s32 s2, s14;
	s11 =	sshrl.u32 s11, $0x3;
	s15 =	sshll.u32 s15, $0x12  }
0x17: {  	[tilespmem:s13+$0x0 ss:$0x81] =	vst.msk $0xffff, v0;
	s11 =	sadd.s32 s11, s14;
	s31 =	sor.u32 $0x400, s15  }
0x18: {  	[hbm4b:s11+s31] =	stream.strided.scatter [tilespmem:s12], [sflag:$0x2], $0x1000, s8, s31, $0x20;
	[tilespmem:$0x4040] =	vst v63  }
.LBB1_5:
0x19: {  	s13 =	sadd.s32 $0x1000, s9  }
0x1a: {  	p2 =	sgt.s32 s13, $0x67FFF  }
0x1b: {  	s13 =	smov.u32 @p2 s3;
	p2 =	sne.s32 s10, s7  }
.Ltmp1:
0x1c: {  	p1 =	slt.u32 s10, $0x2;
	(pc) =	sbr.rel @!p2 .LBB1_6-.Ltmp1, $4  }
0x1d: {  	s12 =	simm.s32 @!p1 $0x2  }
0x1e: {  	s14 =	sadd.s32 $0x1, s10;
	_ =	swait.ge @!p1 [sflag:s12], $0x1000  }
0x1f: {  	s11 =	smov.u32 s9;
	p0 =	por !p0, !p0;
	[sflag:s12] =	ssyncset.done @!p1 $0x0  }
0x20: {  	s10 =	smov.u32 s14;
	s9 =	smov.u32 s13;
	[sflag:s12] =	ssyncadd.s32 @!p1 $0xFFFFF000  }
.LBB1_1:
0x21: {  	p1 =	sge.u32 s10, s6  }
0x22: {  	s12 =	sand.u32 @!p1 $0x1FFFFFF, s9  }
0x23: {  	s13 =	smulhi.u32 @!p1 $0x2762763, s12;
	_ =	sdelay $0x1  }
0x24: {  	s13 =	sshrl.u32 @!p1 s13, $0xC  }
0x25: {  	s13 =	smul.u32 @!p1 $0x68000, s13;
	_ =	sdelay $0x1  }
0x26: {  	s31 =	sadd.s32 $0xFFFFFFFF, s10;
	s14 =	sxor.u32 @!p1 $0xFFFFFFFF, s10;
	s12 =	ssub.s32 @!p1 s12, s13  }
0x27: {  	s15 =	simm.s32 @!p1 $0x80;
	s14 =	sshll.u32 @!p1 s14, $0xC;
	s12 =	sshll.u32 @!p1 s12, $0x4  }
0x28: {  	s13 =	sand.u32 @!p1 $0x1000, s14;
	s14 =	simm.s32 @!p1 $0x20;
	s12 =	sadd.s32 @!p1 s4, s12  }
0x29: {  	[tilespmem:s13], [sflag:$0x1] =	stream.strided.gather @!p1 [hbm4b:s12+s14], $0x1000, s15, s14, $0x38;
	[tilespmem:$0x4040] =	vst v63  }
0x2a: {  	p1 =	sge.u32 s31, s6  }
.Ltmp2:
0x2b: {  	_ = 	snop;
	(pc) =	sbr.rel @p1 .LBB1_5-.Ltmp2, $1  }
0x2c: {  	_ =	sdelay $0x3  }
0x2d: {  	s12 =	simm.s32 $0x1  }
0x2e: {  	_ =	swait.ge [sflag:s5], $0x1000;
	s12 =	simm.s32 @!p0 $0x0  }
0x2f: {  	[sflag:s5] =	ssyncset.done $0x0;
	s13 =	sshll.u32 s12, $0xC  }
0x30: {  	[sflag:s5] =	ssyncadd.s32 $0xFFFFF000;
	s16 =	sor.u32 $0x10, s13  }
0x31: {  	s12 =	smul.u32 $0x4080, s12;
	v1 =	vld [tilespmem:s16+$0x0]  }
0x32: {  	s30 =	sand.u32 $0x1, s10;
	v0 =	vld [tilespmem:s16+$0xFFFFFFF0]  }
0x33: {  	s13 =	smul.u32 $0x4080, s30;
	s12 =	sshrl.u32 s12, $0x2  }
0x34: {  	s14 =	sor.u32 $0x2000, s12  }
0x35: {  	s31 =	sshrl.u32 s13, $0x2;
	s13 =	sadd.s32 $0x0, s14  }
0x36: {  	s15 =	simm.s32 $0x4;
	s16 =	sadd.s32 $0x20, s16;
	s12 =	sor.u32 $0x2000, s31;
	[tilespmem:s13+$0x810 ss:$0x81] =	vst.msk $0xffff, v1  }
.LBB1_3:
0x37: {  	v1 =	vld [tilespmem:s16+$0x0];
	p1 =	sne.s32 s15, $0x1FC;
	[tilespmem:s13+$0x0 ss:$0x81] =	vst.msk $0xffff, v0;
	s13 =	smov.u32 s15;
	s15 =	sadd.s32 $0x4, s15  }
.Ltmp3:
0x38: {  	v0 =	vld [tilespmem:s16+$0xFFFFFFF0];
	(pc) =	sbr.rel @p1 .LBB1_3-.Ltmp3, $4  }
0x39: {  	_ = 	snop  }
0x3a: {  	s13 =	sshra.s32 s13, $0x2  }
0x3b: {  	s13 =	sadd.s32 s13, s14  }
0x3c: {  	s16 =	sadd.s32 $0x20, s16;
	[tilespmem:s13+$0x810 ss:$0x81] =	vst.msk $0xffff, v1  }
.Ltmp4:
0x3d: {  	_ = 	snop;
	(pc) =	sbr.rel .LBB1_4-.Ltmp4, $1  }
0x3e: {  	_ =	sdelay $0x3  }
.LBB1_6:
0x3f: {  	_ =	sfence.sel $0x180000  }
0x40: {  	s2 =	simm.s32 $0x1;
	[bflag:$0x0] =	sbarrier.arrive $0xFFFF  }
0x41: {  	s31 =	simm.s32 $0x2;
	[sflag:s2] =	ssyncpa.u1 $0x1  }
0x42: {  	[sflag:s31] =	ssyncpa.u1 $0x1  }
0x43: {  	p0 =	sne.s32 s0, $0x0;
	_ =	strace $0x9000004D  }
0x44: {  	s0 =	sadd.s32 @!p0 $0x100000, s1;
	[bflag:$0x2] =	sbarrier.arrive $0xFFFF  }
0x45: {  	[sflag:s0] =	ssyncadd.tile.s32 @!p0 $0x1;
	_ =	shalt  }
.Lfunc_end1:
_tile_overlayer_lowered:
.L_overlay_start_2:
0x46: {  	(tag) =	ssettag $0x2  }
0x47: {  	s0 =	rddreg [dreg:$0x0];
	s2 =	stileid.u32  }
0x48: {  	s1 =	rddreg [dreg:$0x1];
	p0 =	sne.s32 s2, $0x0  }
0x49: {  	s3 =	rddreg [dreg:$0x2];
	[bflag:$0x3] =	sbarrier.arrive $0xFFFF;
	s2 =	simm.s32 @!p0 $0x1C01  }
0x4a: {  	[timem:s3], [sflag:s2] =	dma.local @!p0 [hbm:s0], s1  }
0x4b: {  	s0 =	simm.s32 @!p0 $0x1  }
0x4c: {  	_ =	swait.ge @!p0 [sflag:s0], s1  }
0x4d: {  	s1 =	ssub.s32 @!p0 $0x0, s1;
	[sflag:s0] =	ssyncset.done @!p0 $0x0  }
0x4e: {  	[sflag:s0] =	ssyncadd.s32 @!p0 s1  }
0x4f: {  	[bflag:$0x3] =	sbarrier.arrive $0xFFFF  }
0x50: {  	_ =	shalt  }

</sc_bundles>
